<compile_context>
chip_gen: v7x
topology: tpu7x:2x2x1
jax: 0.10.2.dev20260603
libtpu: 0.0.44.dev20260713+nightly
codegen_flags: <defaults>
</compile_context>

<pallas_src>
import functools

import jax
import jax.numpy as jnp
from jax import lax
from jax.experimental import pallas as pl
from jax.experimental.pallas import tpu as pltpu
from jax.experimental.pallas import tpu_sc as plsc

B, C, H, W = 8, 3, 512, 512
HW = H * W
NW = 32
SHARD = HW // NW
NPC = 64
PCPTS = (B * HW) // NPC
PCB = NPC // B
ACH = 4096
NCH = PCPTS // ACH
CAP = 768
NSEG = NPC
SEGB = PCB
ROWS = 128
MAXP = HW


def _prep_body(flow_ref, depth_ref, lin_ref, pvn_ref):
    r = pl.program_id(1)
    fx = flow_ref[0, 0]
    fy = flow_ref[0, 1]
    gx = lax.broadcasted_iota(jnp.int32, (ROWS, W), 1).astype(jnp.float32)
    gy = lax.broadcasted_iota(jnp.int32, (ROWS, W), 0).astype(jnp.float32) \
        + (r * ROWS).astype(jnp.float32)
    cxf = jnp.round(gx + fx)
    cyf = jnp.round(gy + fy)
    inb = (cxf >= 0) & (cxf < W) & (cyf >= 0) & (cyf < H)
    cx = jnp.clip(cxf, 0, W - 1).astype(jnp.int32)
    cy = jnp.clip(cyf, 0, H - 1).astype(jnp.int32)
    lin_ref[0] = jnp.where(inb, cy * W + cx, 0)
    v = depth_ref[0, 0]
    pvn = 1.0 / (v + 1e-08)
    pvn_ref[0] = pvn * (pvn < 10000.0).astype(jnp.float32)


def _prep(x, flow_in):
    lin, pvn = pl.pallas_call(
        _prep_body,
        out_shape=(
            jax.ShapeDtypeStruct((B, H, W), jnp.int32),
            jax.ShapeDtypeStruct((B, H, W), jnp.float32),
        ),
        grid=(B, H // ROWS),
        in_specs=[
            pl.BlockSpec((1, 2, ROWS, W), lambda b, r: (b, 0, r, 0)),
            pl.BlockSpec((1, 1, ROWS, W), lambda b, r: (b, 2, r, 0)),
        ],
        out_specs=(
            pl.BlockSpec((1, ROWS, W), lambda b, r: (b, r, 0)),
            pl.BlockSpec((1, ROWS, W), lambda b, r: (b, r, 0)),
        ),
    )(flow_in, x)
    return lin.reshape(B * HW), pvn.reshape(B * HW)


def _bin_body(lin_hbm, pvn_hbm, pack_hbm, pvnb_hbm, cnt_hbm,
              lin_v, pvn_v, next_v, stage_pk, stage_pv, sem):
    wid = lax.axis_index("s") * 2 + lax.axis_index("c")
    iota = lax.iota(jnp.int32, 16)

    def per_pc(k, _):
        pc = wid * 2 + k
        pt0 = pc * PCPTS
        p_base = (pc % PCB) * PCPTS

        next_v[pl.ds(0, 16)] = jnp.zeros((16,), jnp.int32)
        next_v[pl.ds(16, 16)] = jnp.zeros((16,), jnp.int32)
        next_v[pl.ds(32, 16)] = jnp.zeros((16,), jnp.int32)
        next_v[pl.ds(48, 16)] = jnp.zeros((16,), jnp.int32)

        def per_chunk(ch, _):
            off = pt0 + ch * ACH
            pltpu.sync_copy(lin_hbm.at[pl.ds(off, ACH)], lin_v)
            pltpu.sync_copy(pvn_hbm.at[pl.ds(off, ACH)], pvn_v)

            def vloop(i, _):
                l = lin_v[pl.ds(i * 16, 16)]
                v = pvn_v[pl.ds(i * 16, 16)]
                act = v > 0.0
                bkt = lax.shift_right_logical(l, 4) & 31
                key = jnp.where(act, bkt, 63)
                p = p_base + ch * ACH + i * 16 + iota
                floc = (l & 15) * 512 + lax.shift_right_logical(l, 9)
                pack = lax.shift_left(floc, 18) | p
                skey, sval = plsc.sort_key_val(key, iota)
                v_s = jnp.take(v, sval)
                pack_s = jnp.take(pack, sval)
                act_s = skey < 32
                st = iota
                c = ((skey == jnp.take(skey, jnp.maximum(iota - 1, 0)))
                     & (iota >= 1)).astype(jnp.int32)
                for d in (1, 2, 4, 8):
                    back = jnp.maximum(iota - d, 0)
                    st = jnp.where(c != 0, jnp.take(st, back), st)
                    c = c & jnp.take(c, back)
                rank = iota - st
                nxt_key = jnp.take(skey, jnp.minimum(iota + 1, 15))
                is_last = (iota == 15) | (nxt_key != skey)
                cur = plsc.load_gather(next_v, [skey])
                pos = cur + rank
                valid = act_s & (pos < CAP)
                plsc.store_scatter(next_v, [skey], pos + 1,
                                   mask=is_last & act_s)
                sidx = skey * CAP + jnp.minimum(pos, CAP - 1)
                plsc.store_scatter(stage_pk, [sidx], pack_s, mask=valid)
                plsc.store_scatter(stage_pv, [sidx], v_s, mask=valid)
                return 0

            lax.fori_loop(0, ACH // 16, vloop, 0)
            return 0

        lax.fori_loop(0, NCH, per_chunk, 0)
        pltpu.sync_copy(stage_pk,
                        pack_hbm.at[pl.ds(pc * 32 * CAP, 32 * CAP)])
        pltpu.sync_copy(stage_pv,
                        pvnb_hbm.at[pl.ds(pc * 32 * CAP, 32 * CAP)])
        pltpu.sync_copy(next_v.at[pl.ds(0, 32)],
                        cnt_hbm.at[pl.ds(pc * 32, 32)])
        return 0

    lax.fori_loop(0, 2, per_pc, 0)


def _splat_body(pack_hbm, pvnb_hbm, cnt_hbm, x_hbm, lin_hbm, pvn_hbm, out_hbm,
                pkbuf, pvbuf, cntbuf, maxv_fb, argp_fb, idx_v, idxb_v, idxc_v,
                gath_v, gathb_v, gathc_v, flag_v, outb_v,
                lin_v, pvn_v, sem, sem2, sem3):
    wid = lax.axis_index("s") * 2 + lax.axis_index("c")
    iota = lax.iota(jnp.int32, 16)

    def per_batch(b, _):
        pt_base = b * HW

        def init(i, _):
            maxv_fb[pl.ds(i * 16, 16)] = jnp.zeros((16,), jnp.float32)
            argp_fb[pl.ds(i * 16, 16)] = jnp.full((16,), MAXP, jnp.int32)
            return 0

        lax.fori_loop(0, SHARD // 16, init, 0)

        pltpu.sync_copy(cnt_hbm.at[pl.ds(b * SEGB * 32, SEGB * 32)], cntbuf)

        def fire(j, _):
            soff = ((b * SEGB + j) * 32 + wid) * CAP
            pltpu.async_copy(pack_hbm.at[pl.ds(soff, CAP)],
                             pkbuf.at[pl.ds(j * CAP, CAP)], sem)
            pltpu.async_copy(pvnb_hbm.at[pl.ds(soff, CAP)],
                             pvbuf.at[pl.ds(j * CAP, CAP)], sem2)
            return 0

        lax.fori_loop(0, SEGB, fire, 0)
        pltpu.make_async_copy(pack_hbm.at[pl.ds(0, SEGB * CAP)], pkbuf, sem).wait()
        pltpu.make_async_copy(pvnb_hbm.at[pl.ds(0, SEGB * CAP)], pvbuf, sem2).wait()

        def ovf_scan(j, m):
            cj = cntbuf[pl.ds(j * 16, 16)]
            return jnp.maximum(m, jnp.max(cj))

        max_cnt = lax.fori_loop(0, (SEGB * 32) // 16, ovf_scan, jnp.int32(0))

        def pass1_j(j, _):
            cseg = plsc.load_gather(cntbuf, [jnp.full((16,), j * 32 + wid,
                                                      jnp.int32)])
            trip = lax.div(jnp.max(jnp.minimum(cseg, CAP)) + 15, 16)
            bj = j * CAP

            def it(i, _):
                lane = i * 16 + iota
                pk = pkbuf[pl.ds(bj + i * 16, 16)]
                v = pvbuf[pl.ds(bj + i * 16, 16)]
                lm = lane < cseg
                spk, sv = plsc.sort_key_val(jnp.where(lm, pk, -1), v)
                am = spk >= 0
                floc = lax.shift_right_logical(spk, 18)
                prev = jnp.take(floc, jnp.maximum(iota - 1, 0))
                m = sv
                c = ((floc == prev) & (iota >= 1)).astype(jnp.int32)
                for d in (1, 2, 4, 8):
                    back = jnp.maximum(iota - d, 0)
                    m = jnp.where(c != 0, jnp.maximum(m, jnp.take(m, back)), m)
                    c = c & jnp.take(c, back)
                nxt = jnp.take(floc, jnp.minimum(iota + 1, 15))
                is_last = (iota == 15) | (nxt != floc)
                flocc = jnp.clip(floc, 0, SHARD - 1)
                g = plsc.load_gather(maxv_fb, [flocc])
                mm = am & is_last & (m > g)
                plsc.store_scatter(maxv_fb, [flocc], m, mask=mm)
                return 0

            lax.fori_loop(0, trip, it, 0)
            return 0

        lax.fori_loop(0, SEGB, pass1_j, 0)

        @pl.when(max_cnt > CAP)
        def _():
            def f1_chunk(ci, _):
                off = pt_base + ci * ACH
                pltpu.sync_copy(lin_hbm.at[pl.ds(off, ACH)], lin_v)
                pltpu.sync_copy(pvn_hbm.at[pl.ds(off, ACH)], pvn_v)

                def vloop(i, _):
                    l = lin_v[pl.ds(i * 16, 16)]
                    v = pvn_v[pl.ds(i * 16, 16)]
                    cs = lax.shift_right_logical(l, 4) & 31
                    act = (cs == wid) & (v > 0.0)
                    locs = (l & 15) * 512 + lax.shift_right_logical(l, 9)
                    g = plsc.load_gather(maxv_fb, [locs])
                    need = act & (v > g)

                    def body(m):
                        plsc.store_scatter(maxv_fb, [locs], v, mask=m != 0)
                        g2 = plsc.load_gather(maxv_fb, [locs])
                        return (act & (v > g2)).astype(jnp.int32)

                    lax.while_loop(lambda m: jnp.any(m != 0), body,
                                   need.astype(jnp.int32))
                    return 0

                lax.fori_loop(0, ACH // 16, vloop, 0)
                return 0

            lax.fori_loop(0, HW // ACH, f1_chunk, 0)

        def pass2_j(j, _):
            cseg = plsc.load_gather(cntbuf, [jnp.full((16,), j * 32 + wid,
                                                      jnp.int32)])
            trip = lax.div(jnp.max(jnp.minimum(cseg, CAP)) + 15, 16)
            bj = j * CAP

            def it(i, _):
                lane = i * 16 + iota
                pk = pkbuf[pl.ds(bj + i * 16, 16)]
                v = pvbuf[pl.ds(bj + i * 16, 16)]
                lm = lane < cseg
                spk, sv = plsc.sort_key_val(jnp.where(lm, pk, -1), v)
                am = spk >= 0
                floc = lax.shift_right_logical(spk, 18)
                flocc = jnp.clip(floc, 0, SHARD - 1)
                p = spk & 0x3FFFF
                g = plsc.load_gather(maxv_fb, [flocc])
                win = (am & (sv == g)).astype(jnp.int32)
                prev_ok = ((floc == jnp.take(floc, jnp.maximum(iota - 1, 0)))
                           & (iota >= 1)).astype(jnp.int32)
                cum = win
                c = prev_ok
                for d in (1, 2, 4, 8):
                    back = jnp.maximum(iota - d, 0)
                    cum = jnp.where(c != 0, cum | jnp.take(cum, back), cum)
                    c = c & jnp.take(c, back)
                prior = jnp.where(prev_ok != 0,
                                  jnp.take(cum, jnp.maximum(iota - 1, 0)), 0)
                first_win = (win != 0) & (prior == 0)
                ga = plsc.load_gather(argp_fb, [flocc])
                mm = first_win & (p < ga)
                plsc.store_scatter(argp_fb, [flocc], p, mask=mm)
                return 0

            lax.fori_loop(0, trip, it, 0)
            return 0

        lax.fori_loop(0, SEGB, pass2_j, 0)

        @pl.when(max_cnt > CAP)
        def _():
            def f2_chunk(ci, _):
                off = pt_base + ci * ACH
                pltpu.sync_copy(lin_hbm.at[pl.ds(off, ACH)], lin_v)
                pltpu.sync_copy(pvn_hbm.at[pl.ds(off, ACH)], pvn_v)

                def vloop(i, _):
                    l = lin_v[pl.ds(i * 16, 16)]
                    v = pvn_v[pl.ds(i * 16, 16)]
                    cs = lax.shift_right_logical(l, 4) & 31
                    act = (cs == wid) & (v > 0.0)
                    locs = (l & 15) * 512 + lax.shift_right_logical(l, 9)
                    p = ci * ACH + i * 16 + iota
                    g = plsc.load_gather(maxv_fb, [locs])
                    win = act & (v == g)
                    ga = plsc.load_gather(argp_fb, [locs])
                    need = win & (p < ga)

                    def body(m):
                        plsc.store_scatter(argp_fb, [locs], p, mask=m != 0)
                        ga2 = plsc.load_gather(argp_fb, [locs])
                        return (win & (p < ga2)).astype(jnp.int32)

                    lax.while_loop(lambda m: jnp.any(m != 0), body,
                                   need.astype(jnp.int32))
                    return 0

                lax.fori_loop(0, ACH // 16, vloop, 0)
                return 0

            lax.fori_loop(0, HW // ACH, f2_chunk, 0)

        def mkidx(i, _):
            s = i * 16 + iota
            y = s & 511
            sl = lax.shift_right_logical(s, 9)
            q = y * 512 + wid * 16 + sl
            a = argp_fb[pl.ds(i * 16, 16)]
            valid = (a < MAXP) & (q > 0)
            t = y * 16 + sl
            base_i = jnp.where(valid, a, q) + (b * C) * HW
            plsc.store_scatter(idx_v, [t], base_i)
            plsc.store_scatter(idxb_v, [t], base_i + HW)
            plsc.store_scatter(idxc_v, [t], base_i + 2 * HW)
            plsc.store_scatter(flag_v, [t], valid.astype(jnp.int32))
            return 0

        lax.fori_loop(0, SHARD // 16, mkidx, 0)
        handles = [
            pltpu.async_copy(x_hbm.at[idx_v], gath_v, sem),
            pltpu.async_copy(x_hbm.at[idxb_v], gathb_v, sem2),
            pltpu.async_copy(x_hbm.at[idxc_v], gathc_v, sem3),
        ]
        for c, gbuf in enumerate((gath_v, gathb_v, gathc_v)):
            handles[c].wait()

            def emit(i, _):
                vm = flag_v[pl.ds(i * 16, 16)] != 0
                gv = gbuf[pl.ds(i * 16, 16)]
                outb_v[pl.ds(i * 16, 16)] = jnp.where(
                    vm & (gv < 10000.0), gv, 0.0)
                return 0

            lax.fori_loop(0, SHARD // 16, emit, 0)
            pltpu.sync_copy(
                outb_v,
                out_hbm.at[pl.ds((wid * B * C + b * C + c) * SHARD, SHARD)])
        return 0

    lax.fori_loop(0, B, per_batch, 0)


@jax.jit
def kernel(x, flow_in):
    lin, pvn = _prep(x, flow_in)
    xf = x.reshape(B * C * HW)
    mesh = plsc.VectorSubcoreMesh(core_axis_name="c", subcore_axis_name="s")
    bink = functools.partial(
        pl.kernel,
        mesh=mesh,
        compiler_params=pltpu.CompilerParams(needs_layout_passes=False),
        out_type=(
            jax.ShapeDtypeStruct((NSEG * 32 * CAP,), jnp.int32),
            jax.ShapeDtypeStruct((NSEG * 32 * CAP,), jnp.float32),
            jax.ShapeDtypeStruct((NSEG * 32,), jnp.int32),
        ),
        scratch_types=[
            pltpu.VMEM((ACH,), jnp.int32),
            pltpu.VMEM((ACH,), jnp.float32),
            pltpu.VMEM((64,), jnp.int32),
            pltpu.VMEM((32 * CAP,), jnp.int32),
            pltpu.VMEM((32 * CAP,), jnp.float32),
            pltpu.SemaphoreType.DMA,
        ],
    )(_bin_body)
    pack_b, pvn_b, counts = bink(lin, pvn)

    splat = functools.partial(
        pl.kernel,
        mesh=mesh,
        compiler_params=pltpu.CompilerParams(needs_layout_passes=False),
        out_type=jax.ShapeDtypeStruct((NW * B * C * SHARD,), jnp.float32),
        scratch_types=[
            pltpu.VMEM((SEGB * CAP,), jnp.int32),
            pltpu.VMEM((SEGB * CAP,), jnp.float32),
            pltpu.VMEM((SEGB * 32,), jnp.int32),
            pltpu.VMEM((SHARD,), jnp.float32),
            pltpu.VMEM((SHARD,), jnp.int32),
            pltpu.VMEM((SHARD,), jnp.int32),
            pltpu.VMEM((SHARD,), jnp.int32),
            pltpu.VMEM((SHARD,), jnp.int32),
            pltpu.VMEM((SHARD,), jnp.float32),
            pltpu.VMEM((SHARD,), jnp.float32),
            pltpu.VMEM((SHARD,), jnp.float32),
            pltpu.VMEM((SHARD,), jnp.int32),
            pltpu.VMEM((SHARD,), jnp.float32),
            pltpu.VMEM((ACH,), jnp.int32),
            pltpu.VMEM((ACH,), jnp.float32),
            pltpu.SemaphoreType.DMA,
            pltpu.SemaphoreType.DMA,
            pltpu.SemaphoreType.DMA,
        ],
    )(_splat_body)
    out = splat(pack_b, pvn_b, counts, xf, lin, pvn)
    return out.reshape(NW, B, C, H, 16).transpose(1, 2, 3, 0, 4).reshape(B, C, H, W)

# --- scband reference (transcript-rebuilt; emitter-appended) ---
"""Pipeline reference for scband-rendering-5884105196257 (READ-ONLY COPY).

The authoritative reference and input builder live on the scoring server;
editing this copy changes nothing except your own understanding.
"""

import jax, jax.numpy as jnp
import numpy as np


def setup_inputs(seed: int = 0) -> dict:
    key = jax.random.key(seed)
    k1, k2 = jax.random.split(key)
    x = jax.random.normal(k1, (8, 3, 512, 512), dtype=jnp.float32)
    flow_in = jax.random.normal(k2, (8, 2, 512, 512), dtype=jnp.float32)
    return {"x": x, "flow_in": flow_in}


def _forward(x, flow_in):
    B, C, H, W = x.shape
    HW = H * W
    # flow_in has 2 channels -> used directly as flow; sort_by is None
    flow = flow_in
    # get_coordgrid (first two channels only)
    grid_h = jnp.broadcast_to(jnp.arange(W, dtype=x.dtype).reshape(1, 1, 1, W), (B, 1, H, W))
    grid_v = jnp.broadcast_to(jnp.arange(H, dtype=x.dtype).reshape(1, 1, H, 1), (B, 1, H, W))
    init_grid = jnp.concatenate([grid_h, grid_v], axis=1)  # (B,2,H,W)
    coords = (init_grid + flow).reshape(B, 2, HW).transpose(0, 2, 1)  # (B,HW,2)
    # rendering
    coords_r = jnp.round(coords).astype(jnp.int32)
    point_values = x.reshape(B, C, HW).transpose(0, 2, 1)  # (B,HW,C)
    inb = (coords_r[..., 0] >= 0) & (coords_r[..., 0] < W) & (coords_r[..., 1] >= 0) & (coords_r[..., 1] < H)
    coords_r = coords_r * inb[..., None].astype(coords_r.dtype)
    # C > 1 -> inverse-depth sort key
    pvn = 1.0 / (point_values[..., -1] + 1e-08)  # (B,HW)
    pvn = pvn * (pvn < 10000.0).astype(pvn.dtype)
    lin = coords_r[..., 1] * W + coords_r[..., 0]  # (B,HW)
    b_idx = jnp.broadcast_to(jnp.arange(B)[:, None], (B, HW))
    # scatter_max with out initialized to zeros (image_flat)
    maxv = jnp.zeros((B, HW), dtype=pvn.dtype).at[b_idx, lin].max(pvn)
    gathered = jnp.take_along_axis(maxv, lin, axis=1)  # (B,HW)
    pos = jnp.broadcast_to(jnp.arange(HW, dtype=jnp.int32)[None, :], (B, HW))
    # argmax: source positions achieving the max (must beat initial 0); ties -> min position
    cand = jnp.where((pvn == gathered) & (gathered > 0.0), pos, HW)
    arg = jnp.full((B, HW), HW, dtype=jnp.int32).at[b_idx, lin].min(cand)
    arg_valid = (arg >= 0) & (arg < HW)
    arg_m = (arg * arg_valid.astype(arg.dtype)) % HW
    idx3 = jnp.broadcast_to(arg_m[:, :, None], (B, HW, C))
    max_vals = jnp.take_along_axis(point_values, idx3, axis=1)  # (B,HW,C)
    max_vals = jnp.where(arg_valid[:, :, None], max_vals, jnp.float32(100000000.0))
    max_vals = max_vals.at[:, 0, :].set(100000000.0)
    image = max_vals.reshape(B, H, W, C).transpose(0, 3, 1, 2)
    image = image * (image < 10000.0).astype(image.dtype)
    return image


def reference(x, flow_in):
    return _forward(x, flow_in)

if __name__ == "__main__":
    import jax
    _d = setup_inputs()
    print(jax.jit(kernel)(*tuple(_d.values())))

</pallas_src>

<mosaic_0001>
#map = affine_map<(d0, d1) -> (0)>
module attributes {stable_mosaic.version = 14 : i64} {
  func.func @_splat_body(%arg0: i32, %arg1: i32, %arg2: memref<1572864xi32, #tpu.memory_space<hbm>>, %arg3: memref<1572864xf32, #tpu.memory_space<hbm>>, %arg4: memref<2048xi32, #tpu.memory_space<hbm>>, %arg5: memref<6291456xf32, #tpu.memory_space<hbm>>, %arg6: memref<2097152xi32, #tpu.memory_space<hbm>>, %arg7: memref<2097152xf32, #tpu.memory_space<hbm>>, %arg8: memref<6291456xf32, #tpu.memory_space<hbm>>, %arg9: memref<6144xi32, #tpu.memory_space<vmem>>, %arg10: memref<6144xf32, #tpu.memory_space<vmem>>, %arg11: memref<256xi32, #tpu.memory_space<vmem>>, %arg12: memref<8192xf32, #tpu.memory_space<vmem>>, %arg13: memref<8192xi32, #tpu.memory_space<vmem>>, %arg14: memref<8192xi32, #tpu.memory_space<vmem>>, %arg15: memref<8192xi32, #tpu.memory_space<vmem>>, %arg16: memref<8192xi32, #tpu.memory_space<vmem>>, %arg17: memref<8192xf32, #tpu.memory_space<vmem>>, %arg18: memref<8192xf32, #tpu.memory_space<vmem>>, %arg19: memref<8192xf32, #tpu.memory_space<vmem>>, %arg20: memref<8192xi32, #tpu.memory_space<vmem>>, %arg21: memref<8192xf32, #tpu.memory_space<vmem>>, %arg22: memref<4096xi32, #tpu.memory_space<vmem>>, %arg23: memref<4096xf32, #tpu.memory_space<vmem>>, %arg24: memref<!tpu.dma_semaphore, #tpu.memory_space<semaphore_mem>>, %arg25: memref<!tpu.dma_semaphore, #tpu.memory_space<semaphore_mem>>, %arg26: memref<!tpu.dma_semaphore, #tpu.memory_space<semaphore_mem>>) attributes {dimension_semantics = [#tpu.dimension_semantics<core_parallel>, #tpu.dimension_semantics<subcore_parallel>], iteration_bounds = array<i64: 2, 16>, scalar_prefetch = 0 : i64, scratch_operands = 18 : i64, tpu.core_type = #tpu.core_type<sc_vector_subcore>, window_params = [{transform_indices = #map}, {transform_indices = #map}, {transform_indices = #map}, {transform_indices = #map}, {transform_indices = #map}, {transform_indices = #map}, {transform_indices = #map}]} {
    %mul3A = arith.constant 2 : i32
    %mul3A_0 = arith.muli %arg1, %mul3A : i32
    %add3A = arith.addi %mul3A_0, %arg0 : i32
    %iota3A = tpu.iota {dimensions = array<i32: 0>} : vector<16xi32>
    %scan3A = arith.constant 0 : i32
    %scan3A_1 = arith.constant 0 : i32
    %scan3A_2 = arith.constant 8 : i32
    %scan3A_3 = arith.addi %scan3A_1, %scan3A_2 : i32
    %scan3A_4 = arith.constant 1 : i32
    %scan3A_5 = scf.for %scan3A_7 = %scan3A_1 to %scan3A_3 step %scan3A_4 iter_args(%scan3A_8 = %scan3A) -> (i32)  : i32 {
      %mul3A_9 = arith.constant 262144 : i32
      %mul3A_10 = arith.muli %scan3A_7, %mul3A_9 : i32
      %scan3A_11 = arith.constant 0 : i32
      %scan3A_12 = arith.constant 0 : i32
      %scan3A_13 = arith.constant 512 : i32
      %scan3A_14 = arith.addi %scan3A_12, %scan3A_13 : i32
      %scan3A_15 = arith.constant 1 : i32
      %scan3A_16 = scf.for %scan3A_137 = %scan3A_12 to %scan3A_14 step %scan3A_15 iter_args(%scan3A_138 = %scan3A_11) -> (i32)  : i32 {
        %broadcast_in_dim3A = arith.constant 0.000000e+00 : f32
        %broadcast_in_dim3A_139 = vector.broadcast %broadcast_in_dim3A : f32 to vector<16xf32>
        %mul3A_140 = arith.constant 16 : i32
        %mul3A_141 = arith.muli %scan3A_137, %mul3A_140 : i32
        %swap3A = arith.index_cast %mul3A_141 : i32 to index
        %swap3A_142 = tpu.vector_load %arg12[%swap3A] {strides = array<i32>} : memref<8192xf32, #tpu.memory_space<vmem>>, vector<16xf32>,
        tpu.vector_store %arg12[%swap3A], %broadcast_in_dim3A_139 {strides = array<i32>} : memref<8192xf32, #tpu.memory_space<vmem>>, vector<16xf32>,
        %broadcast_in_dim3A_143 = arith.constant 262144 : i32
        %broadcast_in_dim3A_144 = vector.broadcast %broadcast_in_dim3A_143 : i32 to vector<16xi32>
        %mul3A_145 = arith.constant 16 : i32
        %mul3A_146 = arith.muli %scan3A_137, %mul3A_145 : i32
        %swap3A_147 = arith.index_cast %mul3A_146 : i32 to index
        %swap3A_148 = tpu.vector_load %arg13[%swap3A_147] {strides = array<i32>} : memref<8192xi32, #tpu.memory_space<vmem>>, vector<16xi32>,
        tpu.vector_store %arg13[%swap3A_147], %broadcast_in_dim3A_144 {strides = array<i32>} : memref<8192xi32, #tpu.memory_space<vmem>>, vector<16xi32>,
        %scan3A_149 = arith.constant 0 : i32
        scf.yield %scan3A_149 : i32
      }
      %scan3A_17 = arith.constant 512 : i32
      %mul3A_18 = arith.constant 8 : i32
      %mul3A_19 = arith.muli %scan3A_7, %mul3A_18 : i32
      %mul3A_20 = arith.constant 32 : i32
      %mul3A_21 = arith.muli %mul3A_19, %mul3A_20 : i32
      "tpu.region"() ({
        %run_scoped3A = tpu.sem_alloc : memref<!tpu.dma_semaphore, #tpu.memory_space<semaphore_mem>>
        %dma_start3A_137 = tpu.memref_slice %arg4[%mul3A_21] : memref<2048xi32, #tpu.memory_space<hbm>> -> memref<256xi32, #tpu.memory_space<hbm>>
        %dma_start3A_138 = tpu.memref_slice %arg4[%mul3A_21] : memref<2048xi32, #tpu.memory_space<hbm>> -> memref<256xi32, #tpu.memory_space<hbm>>
        tpu.enqueue_dma source(%dma_start3A_138 : memref<256xi32, #tpu.memory_space<hbm>>) target(%arg11 : memref<256xi32, #tpu.memory_space<vmem>>) target_semaphore(%run_scoped3A : memref<!tpu.dma_semaphore, #tpu.memory_space<semaphore_mem>>)
        %dma_wait3A_139 = tpu.memref_slice %arg4[%mul3A_21] : memref<2048xi32, #tpu.memory_space<hbm>> -> memref<256xi32, #tpu.memory_space<hbm>>
        %dma_wait3A_140 = tpu.memref_slice %arg4[%mul3A_21] : memref<2048xi32, #tpu.memory_space<hbm>> -> memref<256xi32, #tpu.memory_space<hbm>>
        tpu.wait_dma2 semaphore(%run_scoped3A : memref<!tpu.dma_semaphore, #tpu.memory_space<semaphore_mem>>) src(%dma_wait3A_140 : memref<256xi32, #tpu.memory_space<hbm>>) dst(%arg11 : memref<256xi32, #tpu.memory_space<vmem>>)
        tpu.yield
      }) : () -> ()
      %scan3A_22 = arith.constant 0 : i32
      %scan3A_23 = arith.constant 0 : i32
      %scan3A_24 = arith.constant 8 : i32
      %scan3A_25 = arith.addi %scan3A_23, %scan3A_24 : i32
      %scan3A_26 = arith.constant 1 : i32
      %scan3A_27 = scf.for %scan3A_137 = %scan3A_23 to %scan3A_25 step %scan3A_26 iter_args(%scan3A_138 = %scan3A_22) -> (i32)  : i32 {
        %mul3A_139 = arith.constant 8 : i32
        %mul3A_140 = arith.muli %scan3A_7, %mul3A_139 : i32
        %add3A_141 = arith.addi %mul3A_140, %scan3A_137 : i32
        %mul3A_142 = arith.constant 32 : i32
        %mul3A_143 = arith.muli %add3A_141, %mul3A_142 : i32
        %add3A_144 = arith.addi %mul3A_143, %add3A : i32
        %mul3A_145 = arith.constant 768 : i32
        %mul3A_146 = arith.muli %add3A_144, %mul3A_145 : i32
        %mul3A_147 = arith.constant 768 : i32
        %mul3A_148 = arith.muli %scan3A_137, %mul3A_147 : i32
        %dma_start3A_149 = tpu.memref_slice %arg9[%mul3A_148] : memref<6144xi32, #tpu.memory_space<vmem>> -> memref<768xi32, #tpu.memory_space<vmem>>
        %dma_start3A_150 = tpu.memref_slice %arg2[%mul3A_146] : memref<1572864xi32, #tpu.memory_space<hbm>> -> memref<768xi32, #tpu.memory_space<hbm>>
        %dma_start3A_151 = tpu.memref_slice %arg9[%mul3A_148] : memref<6144xi32, #tpu.memory_space<vmem>> -> memref<768xi32, #tpu.memory_space<vmem>>
        %dma_start3A_152 = tpu.memref_slice %arg2[%mul3A_146] : memref<1572864xi32, #tpu.memory_space<hbm>> -> memref<768xi32, #tpu.memory_space<hbm>>
        tpu.enqueue_dma source(%dma_start3A_152 : memref<768xi32, #tpu.memory_space<hbm>>) target(%dma_start3A_151 : memref<768xi32, #tpu.memory_space<vmem>>) target_semaphore(%arg24 : memref<!tpu.dma_semaphore, #tpu.memory_space<semaphore_mem>>)
        %mul3A_153 = arith.constant 768 : i32
        %mul3A_154 = arith.muli %scan3A_137, %mul3A_153 : i32
        %dma_start3A_155 = tpu.memref_slice %arg10[%mul3A_154] : memref<6144xf32, #tpu.memory_space<vmem>> -> memref<768xf32, #tpu.memory_space<vmem>>
        %dma_start3A_156 = tpu.memref_slice %arg3[%mul3A_146] : memref<1572864xf32, #tpu.memory_space<hbm>> -> memref<768xf32, #tpu.memory_space<hbm>>
        %dma_start3A_157 = tpu.memref_slice %arg10[%mul3A_154] : memref<6144xf32, #tpu.memory_space<vmem>> -> memref<768xf32, #tpu.memory_space<vmem>>
        %dma_start3A_158 = tpu.memref_slice %arg3[%mul3A_146] : memref<1572864xf32, #tpu.memory_space<hbm>> -> memref<768xf32, #tpu.memory_space<hbm>>
        tpu.enqueue_dma source(%dma_start3A_158 : memref<768xf32, #tpu.memory_space<hbm>>) target(%dma_start3A_157 : memref<768xf32, #tpu.memory_space<vmem>>) target_semaphore(%arg25 : memref<!tpu.dma_semaphore, #tpu.memory_space<semaphore_mem>>)
        %scan3A_159 = arith.constant 0 : i32
        scf.yield %scan3A_159 : i32
      }
      %scan3A_28 = arith.constant 8 : i32
      %dma_wait3A = arith.constant 0 : i32
      %dma_wait3A_29 = tpu.memref_slice %arg2[%dma_wait3A] : memref<1572864xi32, #tpu.memory_space<hbm>> -> memref<6144xi32, #tpu.memory_space<hbm>>
      %dma_wait3A_30 = arith.constant 0 : i32
      %dma_wait3A_31 = tpu.memref_slice %arg2[%dma_wait3A_30] : memref<1572864xi32, #tpu.memory_space<hbm>> -> memref<6144xi32, #tpu.memory_space<hbm>>
      tpu.wait_dma2 semaphore(%arg24 : memref<!tpu.dma_semaphore, #tpu.memory_space<semaphore_mem>>) src(%dma_wait3A_31 : memref<6144xi32, #tpu.memory_space<hbm>>) dst(%arg9 : memref<6144xi32, #tpu.memory_space<vmem>>)
      %dma_wait3A_32 = arith.constant 0 : i32
      %dma_wait3A_33 = tpu.memref_slice %arg3[%dma_wait3A_32] : memref<1572864xf32, #tpu.memory_space<hbm>> -> memref<6144xf32, #tpu.memory_space<hbm>>
      %dma_wait3A_34 = arith.constant 0 : i32
      %dma_wait3A_35 = tpu.memref_slice %arg3[%dma_wait3A_34] : memref<1572864xf32, #tpu.memory_space<hbm>> -> memref<6144xf32, #tpu.memory_space<hbm>>
      tpu.wait_dma2 semaphore(%arg25 : memref<!tpu.dma_semaphore, #tpu.memory_space<semaphore_mem>>) src(%dma_wait3A_35 : memref<6144xf32, #tpu.memory_space<hbm>>) dst(%arg10 : memref<6144xf32, #tpu.memory_space<vmem>>)
      %scan3A_36 = arith.constant 0 : i32
      %scan3A_37 = arith.constant 0 : i32
      %scan3A_38 = arith.constant 16 : i32
      %scan3A_39 = arith.addi %scan3A_37, %scan3A_38 : i32
      %scan3A_40 = arith.constant 1 : i32
      %scan3A_41 = scf.for %scan3A_137 = %scan3A_37 to %scan3A_39 step %scan3A_40 iter_args(%scan3A_138 = %scan3A_36) -> (i32)  : i32 {
        %mul3A_139 = arith.constant 16 : i32
        %mul3A_140 = arith.muli %scan3A_137, %mul3A_139 : i32
        %get3A = arith.index_cast %mul3A_140 : i32 to index
        %get3A_141 = tpu.vector_load %arg11[%get3A] {strides = array<i32>} : memref<256xi32, #tpu.memory_space<vmem>>, vector<16xi32>,
        %reduce_max3A = arith.constant true
        %reduce_max3A_142 = vector.broadcast %reduce_max3A : i1 to vector<16xi1>
        %reduce_max3A_143 = arith.constant -2147483648 : i32
        %reduce_max3A_144 = vector.broadcast %reduce_max3A_143 : i32 to vector<16xi32>
        %reduce_max3A_145 = arith.xori %get3A_141, %reduce_max3A_144 : vector<16xi32>
        %reduce_max3A_146 = tpu.scan <max>, %reduce_max3A_145 masked %reduce_max3A_142 : vector<16xi32>, vector<16xi1> -> vector<16xi32>
        %reduce_max3A_147 = arith.xori %reduce_max3A_146, %reduce_max3A_144 : vector<16xi32>
        %reduce_max3A_148 = vector.extract %reduce_max3A_147[15] : i32 from vector<16xi32>
        %max3A = arith.maxsi %scan3A_138, %reduce_max3A_148 : i32
        scf.yield %max3A : i32
      }
      %scan3A_42 = arith.constant 16 : i32
      %scan3A_43 = arith.constant 0 : i32
      %scan3A_44 = arith.constant 0 : i32
      %scan3A_45 = arith.constant 8 : i32
      %scan3A_46 = arith.addi %scan3A_44, %scan3A_45 : i32
      %scan3A_47 = arith.constant 1 : i32
      %scan3A_48 = scf.for %scan3A_137 = %scan3A_44 to %scan3A_46 step %scan3A_47 iter_args(%scan3A_138 = %scan3A_43) -> (i32)  : i32 {
        %mul3A_139 = arith.constant 32 : i32
        %mul3A_140 = arith.muli %scan3A_137, %mul3A_139 : i32
        %add3A_141 = arith.addi %mul3A_140, %add3A : i32
        %broadcast_in_dim3A = vector.broadcast %add3A_141 : i32 to vector<16xi32>
        %gather3A = tpu.vector_load_idx %arg11[%broadcast_in_dim3A] : memref<256xi32, #tpu.memory_space<vmem>>[vector<16xi32>], vector<16xi32>,
        %min3A = arith.constant 768 : i32
        %min3A_142 = vector.broadcast %min3A : i32 to vector<16xi32>
        %min3A_143 = arith.minsi %gather3A, %min3A_142 : vector<16xi32>
        %reduce_max3A = arith.constant true
        %reduce_max3A_144 = vector.broadcast %reduce_max3A : i1 to vector<16xi1>
        %reduce_max3A_145 = arith.constant -2147483648 : i32
        %reduce_max3A_146 = vector.broadcast %reduce_max3A_145 : i32 to vector<16xi32>
        %reduce_max3A_147 = arith.xori %min3A_143, %reduce_max3A_146 : vector<16xi32>
        %reduce_max3A_148 = tpu.scan <max>, %reduce_max3A_147 masked %reduce_max3A_144 : vector<16xi32>, vector<16xi1> -> vector<16xi32>
        %reduce_max3A_149 = arith.xori %reduce_max3A_148, %reduce_max3A_146 : vector<16xi32>
        %reduce_max3A_150 = vector.extract %reduce_max3A_149[15] : i32 from vector<16xi32>
        %add3A_151 = arith.constant 15 : i32
        %add3A_152 = arith.addi %reduce_max3A_150, %add3A_151 : i32
        %div3A = arith.constant 16 : i32
        %div3A_153 = arith.divsi %add3A_152, %div3A : i32
        %mul3A_154 = arith.constant 768 : i32
        %mul3A_155 = arith.muli %scan3A_137, %mul3A_154 : i32
        %while3A = arith.constant 0 : i32
        %while3A_156 = arith.constant 0 : i32
        %while3A_157 = arith.subi %div3A_153, %while3A : i32
        %while3A_158 = arith.addi %while3A, %while3A_157 : i32
        %while3A_159 = arith.constant 1 : i32
        %while3A_160 = arith.divsi %while3A_157, %while3A_159 : i32
        %while3A_161 = arith.muli %while3A_160, %while3A_159 : i32
        %while3A_162 = arith.addi %while3A, %while3A_161 : i32
        %while3A_163 = arith.constant 1 : i32
        %while3A_164 = scf.for %while3A_168 = %while3A to %while3A_162 step %while3A_163 iter_args(%while3A_169 = %while3A_156) -> (i32)  : i32 {
          %mul3A_170 = arith.constant 16 : i32
          %mul3A_171 = arith.muli %while3A_168, %mul3A_170 : i32
          %add3A_172 = vector.broadcast %mul3A_171 : i32 to vector<16xi32>
          %add3A_173 = arith.addi %add3A_172, %iota3A : vector<16xi32>
          %mul3A_174 = arith.constant 16 : i32
          %mul3A_175 = arith.muli %while3A_168, %mul3A_174 : i32
          %add3A_176 = arith.addi %mul3A_155, %mul3A_175 : i32
          %get3A = arith.index_cast %add3A_176 : i32 to index
          %get3A_177 = tpu.vector_load %arg9[%get3A] {strides = array<i32>} : memref<6144xi32, #tpu.memory_space<vmem>>, vector<16xi32>,
          %mul3A_178 = arith.constant 16 : i32
          %mul3A_179 = arith.muli %while3A_168, %mul3A_178 : i32
          %add3A_180 = arith.addi %mul3A_155, %mul3A_179 : i32
          %get3A_181 = arith.index_cast %add3A_180 : i32 to index
          %get3A_182 = tpu.vector_load %arg10[%get3A_181] {strides = array<i32>} : memref<6144xf32, #tpu.memory_space<vmem>>, vector<16xf32>,
          %lt3A = arith.cmpi slt, %add3A_173, %gather3A : vector<16xi32>
          %jit3A = arith.constant -1 : i32
          %broadcast_in_dim3A_183 = vector.broadcast %jit3A : i32 to vector<16xi32>
          %select_n3A = arith.select %lt3A, %get3A_177, %broadcast_in_dim3A_183 : vector<16xi1>, vector<16xi32>
          %masked_sort3A = arith.constant dense<true> : vector<16xi1>
          %masked_sort3A_184 = arith.constant -2147483648 : i32
          %masked_sort3A_185 = vector.broadcast %masked_sort3A_184 : i32 to vector<16xi32>
          %masked_sort3A_186 = arith.xori %select_n3A, %masked_sort3A_185 : vector<16xi32>
          %masked_sort3A_187, %masked_sort3A_188, %masked_sort3A_189 = tpu.sort %masked_sort3A_186, %get3A_182 masked %masked_sort3A : (vector<16xi32>, vector<16xf32>, vector<16xi1>) -> (vector<16xi1>, vector<16xi32>, vector<16xf32>)
          %masked_sort3A_190 = arith.xori %masked_sort3A_188, %masked_sort3A_185 : vector<16xi32>
          %ge3A = arith.constant 0 : i32
          %ge3A_191 = vector.broadcast %ge3A : i32 to vector<16xi32>
          %ge3A_192 = arith.cmpi sge, %masked_sort3A_190, %ge3A_191 : vector<16xi32>
          %shift_right_logical3A = arith.constant 18 : i32
          %shift_right_logical3A_193 = vector.broadcast %shift_right_logical3A : i32 to vector<16xi32>
          %shift_right_logical3A_194 = arith.shrui %masked_sort3A_190, %shift_right_logical3A_193 : vector<16xi32>
          %sub3A = arith.constant 1 : i32
          %sub3A_195 = vector.broadcast %sub3A : i32 to vector<16xi32>
          %sub3A_196 = arith.subi %iota3A, %sub3A_195 : vector<16xi32>
          %max3A = arith.constant 0 : i32
          %max3A_197 = vector.broadcast %max3A : i32 to vector<16xi32>
          %max3A_198 = arith.maxsi %sub3A_196, %max3A_197 : vector<16xi32>
          %lt3A_199 = arith.constant 0 : i32
          %lt3A_200 = vector.broadcast %lt3A_199 : i32 to vector<16xi32>
          %lt3A_201 = arith.cmpi slt, %max3A_198, %lt3A_200 : vector<16xi32>
          %add3A_202 = arith.constant 16 : i32
          %add3A_203 = vector.broadcast %add3A_202 : i32 to vector<16xi32>
          %add3A_204 = arith.addi %max3A_198, %add3A_203 : vector<16xi32>
          %select_n3A_205 = arith.select %lt3A_201, %add3A_204, %max3A_198 : vector<16xi1>, vector<16xi32>
          %broadcast_in_dim3A_206 = vector.shape_cast %select_n3A_205 : vector<16xi32> to vector<16x1xi32>
          %gather3A_207 = vector.shape_cast %broadcast_in_dim3A_206 : vector<16x1xi32> to vector<16xi32>
          %gather3A_208 = tpu.dynamic_gather %shift_right_logical3A_194[%gather3A_207] in [0] : vector<16xi32>, vector<16xi32> -> vector<16xi32>
          %eq3A = arith.cmpi eq, %shift_right_logical3A_194, %gather3A_208 : vector<16xi32>
          %ge3A_209 = arith.constant 1 : i32
          %ge3A_210 = vector.broadcast %ge3A_209 : i32 to vector<16xi32>
          %ge3A_211 = arith.cmpi sge, %iota3A, %ge3A_210 : vector<16xi32>
          %and3A = arith.andi %eq3A, %ge3A_211 : vector<16xi1>
          %convert_element_type3A_212 = arith.extui %and3A : vector<16xi1> to vector<16xi32>
          %sub3A_213 = arith.constant 1 : i32
          %sub3A_214 = vector.broadcast %sub3A_213 : i32 to vector<16xi32>
          %sub3A_215 = arith.subi %iota3A, %sub3A_214 : vector<16xi32>
          %max3A_216 = arith.constant 0 : i32
          %max3A_217 = vector.broadcast %max3A_216 : i32 to vector<16xi32>
          %max3A_218 = arith.maxsi %sub3A_215, %max3A_217 : vector<16xi32>
          %ne3A = arith.constant 0 : i32
          %ne3A_219 = vector.broadcast %ne3A : i32 to vector<16xi32>
          %ne3A_220 = arith.cmpi ne, %convert_element_type3A_212, %ne3A_219 : vector<16xi32>
          %lt3A_221 = arith.constant 0 : i32
          %lt3A_222 = vector.broadcast %lt3A_221 : i32 to vector<16xi32>
          %lt3A_223 = arith.cmpi slt, %max3A_218, %lt3A_222 : vector<16xi32>
          %add3A_224 = arith.constant 16 : i32
          %add3A_225 = vector.broadcast %add3A_224 : i32 to vector<16xi32>
          %add3A_226 = arith.addi %max3A_218, %add3A_225 : vector<16xi32>
          %select_n3A_227 = arith.select %lt3A_223, %add3A_226, %max3A_218 : vector<16xi1>, vector<16xi32>
          %broadcast_in_dim3A_228 = vector.shape_cast %select_n3A_227 : vector<16xi32> to vector<16x1xi32>
          %gather3A_229 = vector.shape_cast %broadcast_in_dim3A_228 : vector<16x1xi32> to vector<16xi32>
          %gather3A_230 = tpu.dynamic_gather %masked_sort3A_189[%gather3A_229] in [0] : vector<16xf32>, vector<16xi32> -> vector<16xf32>
          %max3A_231 = arith.maximumf %masked_sort3A_189, %gather3A_230 : vector<16xf32>
          %select_n3A_232 = arith.select %ne3A_220, %max3A_231, %masked_sort3A_189 : vector<16xi1>, vector<16xf32>
          %lt3A_233 = arith.constant 0 : i32
          %lt3A_234 = vector.broadcast %lt3A_233 : i32 to vector<16xi32>
          %lt3A_235 = arith.cmpi slt, %max3A_218, %lt3A_234 : vector<16xi32>
          %add3A_236 = arith.constant 16 : i32
          %add3A_237 = vector.broadcast %add3A_236 : i32 to vector<16xi32>
          %add3A_238 = arith.addi %max3A_218, %add3A_237 : vector<16xi32>
          %select_n3A_239 = arith.select %lt3A_235, %add3A_238, %max3A_218 : vector<16xi1>, vector<16xi32>
          %broadcast_in_dim3A_240 = vector.shape_cast %select_n3A_239 : vector<16xi32> to vector<16x1xi32>
          %gather3A_241 = vector.shape_cast %broadcast_in_dim3A_240 : vector<16x1xi32> to vector<16xi32>
          %gather3A_242 = tpu.dynamic_gather %convert_element_type3A_212[%gather3A_241] in [0] : vector<16xi32>, vector<16xi32> -> vector<16xi32>
          %and3A_243 = arith.andi %convert_element_type3A_212, %gather3A_242 : vector<16xi32>
          %sub3A_244 = arith.constant 2 : i32
          %sub3A_245 = vector.broadcast %sub3A_244 : i32 to vector<16xi32>
          %sub3A_246 = arith.subi %iota3A, %sub3A_245 : vector<16xi32>
          %max3A_247 = arith.constant 0 : i32
          %max3A_248 = vector.broadcast %max3A_247 : i32 to vector<16xi32>
          %max3A_249 = arith.maxsi %sub3A_246, %max3A_248 : vector<16xi32>
          %ne3A_250 = arith.constant 0 : i32
          %ne3A_251 = vector.broadcast %ne3A_250 : i32 to vector<16xi32>
          %ne3A_252 = arith.cmpi ne, %and3A_243, %ne3A_251 : vector<16xi32>
          %lt3A_253 = arith.constant 0 : i32
          %lt3A_254 = vector.broadcast %lt3A_253 : i32 to vector<16xi32>
          %lt3A_255 = arith.cmpi slt, %max3A_249, %lt3A_254 : vector<16xi32>
          %add3A_256 = arith.constant 16 : i32
          %add3A_257 = vector.broadcast %add3A_256 : i32 to vector<16xi32>
          %add3A_258 = arith.addi %max3A_249, %add3A_257 : vector<16xi32>
          %select_n3A_259 = arith.select %lt3A_255, %add3A_258, %max3A_249 : vector<16xi1>, vector<16xi32>
          %broadcast_in_dim3A_260 = vector.shape_cast %select_n3A_259 : vector<16xi32> to vector<16x1xi32>
          %gather3A_261 = vector.shape_cast %broadcast_in_dim3A_260 : vector<16x1xi32> to vector<16xi32>
          %gather3A_262 = tpu.dynamic_gather %select_n3A_232[%gather3A_261] in [0] : vector<16xf32>, vector<16xi32> -> vector<16xf32>
          %max3A_263 = arith.maximumf %select_n3A_232, %gather3A_262 : vector<16xf32>
          %select_n3A_264 = arith.select %ne3A_252, %max3A_263, %select_n3A_232 : vector<16xi1>, vector<16xf32>
          %lt3A_265 = arith.constant 0 : i32
          %lt3A_266 = vector.broadcast %lt3A_265 : i32 to vector<16xi32>
          %lt3A_267 = arith.cmpi slt, %max3A_249, %lt3A_266 : vector<16xi32>
          %add3A_268 = arith.constant 16 : i32
          %add3A_269 = vector.broadcast %add3A_268 : i32 to vector<16xi32>
          %add3A_270 = arith.addi %max3A_249, %add3A_269 : vector<16xi32>
          %select_n3A_271 = arith.select %lt3A_267, %add3A_270, %max3A_249 : vector<16xi1>, vector<16xi32>
          %broadcast_in_dim3A_272 = vector.shape_cast %select_n3A_271 : vector<16xi32> to vector<16x1xi32>
          %gather3A_273 = vector.shape_cast %broadcast_in_dim3A_272 : vector<16x1xi32> to vector<16xi32>
          %gather3A_274 = tpu.dynamic_gather %and3A_243[%gather3A_273] in [0] : vector<16xi32>, vector<16xi32> -> vector<16xi32>
          %and3A_275 = arith.andi %and3A_243, %gather3A_274 : vector<16xi32>
          %sub3A_276 = arith.constant 4 : i32
          %sub3A_277 = vector.broadcast %sub3A_276 : i32 to vector<16xi32>
          %sub3A_278 = arith.subi %iota3A, %sub3A_277 : vector<16xi32>
          %max3A_279 = arith.constant 0 : i32
          %max3A_280 = vector.broadcast %max3A_279 : i32 to vector<16xi32>
          %max3A_281 = arith.maxsi %sub3A_278, %max3A_280 : vector<16xi32>
          %ne3A_282 = arith.constant 0 : i32
          %ne3A_283 = vector.broadcast %ne3A_282 : i32 to vector<16xi32>
          %ne3A_284 = arith.cmpi ne, %and3A_275, %ne3A_283 : vector<16xi32>
          %lt3A_285 = arith.constant 0 : i32
          %lt3A_286 = vector.broadcast %lt3A_285 : i32 to vector<16xi32>
          %lt3A_287 = arith.cmpi slt, %max3A_281, %lt3A_286 : vector<16xi32>
          %add3A_288 = arith.constant 16 : i32
          %add3A_289 = vector.broadcast %add3A_288 : i32 to vector<16xi32>
          %add3A_290 = arith.addi %max3A_281, %add3A_289 : vector<16xi32>
          %select_n3A_291 = arith.select %lt3A_287, %add3A_290, %max3A_281 : vector<16xi1>, vector<16xi32>
          %broadcast_in_dim3A_292 = vector.shape_cast %select_n3A_291 : vector<16xi32> to vector<16x1xi32>
          %gather3A_293 = vector.shape_cast %broadcast_in_dim3A_292 : vector<16x1xi32> to vector<16xi32>
          %gather3A_294 = tpu.dynamic_gather %select_n3A_264[%gather3A_293] in [0] : vector<16xf32>, vector<16xi32> -> vector<16xf32>
          %max3A_295 = arith.maximumf %select_n3A_264, %gather3A_294 : vector<16xf32>
          %select_n3A_296 = arith.select %ne3A_284, %max3A_295, %select_n3A_264 : vector<16xi1>, vector<16xf32>
          %lt3A_297 = arith.constant 0 : i32
          %lt3A_298 = vector.broadcast %lt3A_297 : i32 to vector<16xi32>
          %lt3A_299 = arith.cmpi slt, %max3A_281, %lt3A_298 : vector<16xi32>
          %add3A_300 = arith.constant 16 : i32
          %add3A_301 = vector.broadcast %add3A_300 : i32 to vector<16xi32>
          %add3A_302 = arith.addi %max3A_281, %add3A_301 : vector<16xi32>
          %select_n3A_303 = arith.select %lt3A_299, %add3A_302, %max3A_281 : vector<16xi1>, vector<16xi32>
          %broadcast_in_dim3A_304 = vector.shape_cast %select_n3A_303 : vector<16xi32> to vector<16x1xi32>
          %gather3A_305 = vector.shape_cast %broadcast_in_dim3A_304 : vector<16x1xi32> to vector<16xi32>
          %gather3A_306 = tpu.dynamic_gather %and3A_275[%gather3A_305] in [0] : vector<16xi32>, vector<16xi32> -> vector<16xi32>
          %and3A_307 = arith.andi %and3A_275, %gather3A_306 : vector<16xi32>
          %sub3A_308 = arith.constant 8 : i32
          %sub3A_309 = vector.broadcast %sub3A_308 : i32 to vector<16xi32>
          %sub3A_310 = arith.subi %iota3A, %sub3A_309 : vector<16xi32>
          %max3A_311 = arith.constant 0 : i32
          %max3A_312 = vector.broadcast %max3A_311 : i32 to vector<16xi32>
          %max3A_313 = arith.maxsi %sub3A_310, %max3A_312 : vector<16xi32>
          %ne3A_314 = arith.constant 0 : i32
          %ne3A_315 = vector.broadcast %ne3A_314 : i32 to vector<16xi32>
          %ne3A_316 = arith.cmpi ne, %and3A_307, %ne3A_315 : vector<16xi32>
          %lt3A_317 = arith.constant 0 : i32
          %lt3A_318 = vector.broadcast %lt3A_317 : i32 to vector<16xi32>
          %lt3A_319 = arith.cmpi slt, %max3A_313, %lt3A_318 : vector<16xi32>
          %add3A_320 = arith.constant 16 : i32
          %add3A_321 = vector.broadcast %add3A_320 : i32 to vector<16xi32>
          %add3A_322 = arith.addi %max3A_313, %add3A_321 : vector<16xi32>
          %select_n3A_323 = arith.select %lt3A_319, %add3A_322, %max3A_313 : vector<16xi1>, vector<16xi32>
          %broadcast_in_dim3A_324 = vector.shape_cast %select_n3A_323 : vector<16xi32> to vector<16x1xi32>
          %gather3A_325 = vector.shape_cast %broadcast_in_dim3A_324 : vector<16x1xi32> to vector<16xi32>
          %gather3A_326 = tpu.dynamic_gather %select_n3A_296[%gather3A_325] in [0] : vector<16xf32>, vector<16xi32> -> vector<16xf32>
          %max3A_327 = arith.maximumf %select_n3A_296, %gather3A_326 : vector<16xf32>
          %select_n3A_328 = arith.select %ne3A_316, %max3A_327, %select_n3A_296 : vector<16xi1>, vector<16xf32>
          %lt3A_329 = arith.constant 0 : i32
          %lt3A_330 = vector.broadcast %lt3A_329 : i32 to vector<16xi32>
          %lt3A_331 = arith.cmpi slt, %max3A_313, %lt3A_330 : vector<16xi32>
          %add3A_332 = arith.constant 16 : i32
          %add3A_333 = vector.broadcast %add3A_332 : i32 to vector<16xi32>
          %add3A_334 = arith.addi %max3A_313, %add3A_333 : vector<16xi32>
          %select_n3A_335 = arith.select %lt3A_331, %add3A_334, %max3A_313 : vector<16xi1>, vector<16xi32>
          %broadcast_in_dim3A_336 = vector.shape_cast %select_n3A_335 : vector<16xi32> to vector<16x1xi32>
          %gather3A_337 = vector.shape_cast %broadcast_in_dim3A_336 : vector<16x1xi32> to vector<16xi32>
          %gather3A_338 = tpu.dynamic_gather %and3A_307[%gather3A_337] in [0] : vector<16xi32>, vector<16xi32> -> vector<16xi32>
          %and3A_339 = arith.andi %and3A_307, %gather3A_338 : vector<16xi32>
          %add3A_340 = arith.constant 1 : i32
          %add3A_341 = vector.broadcast %add3A_340 : i32 to vector<16xi32>
          %add3A_342 = arith.addi %iota3A, %add3A_341 : vector<16xi32>
          %min3A_343 = arith.constant 15 : i32
          %min3A_344 = vector.broadcast %min3A_343 : i32 to vector<16xi32>
          %min3A_345 = arith.minsi %add3A_342, %min3A_344 : vector<16xi32>
          %lt3A_346 = arith.constant 0 : i32
          %lt3A_347 = vector.broadcast %lt3A_346 : i32 to vector<16xi32>
          %lt3A_348 = arith.cmpi slt, %min3A_345, %lt3A_347 : vector<16xi32>
          %add3A_349 = arith.constant 16 : i32
          %add3A_350 = vector.broadcast %add3A_349 : i32 to vector<16xi32>
          %add3A_351 = arith.addi %min3A_345, %add3A_350 : vector<16xi32>
          %select_n3A_352 = arith.select %lt3A_348, %add3A_351, %min3A_345 : vector<16xi1>, vector<16xi32>
          %broadcast_in_dim3A_353 = vector.shape_cast %select_n3A_352 : vector<16xi32> to vector<16x1xi32>
          %gather3A_354 = vector.shape_cast %broadcast_in_dim3A_353 : vector<16x1xi32> to vector<16xi32>
          %gather3A_355 = tpu.dynamic_gather %shift_right_logical3A_194[%gather3A_354] in [0] : vector<16xi32>, vector<16xi32> -> vector<16xi32>
          %eq3A_356 = arith.constant 15 : i32
          %eq3A_357 = vector.broadcast %eq3A_356 : i32 to vector<16xi32>
          %eq3A_358 = arith.cmpi eq, %iota3A, %eq3A_357 : vector<16xi32>
          %ne3A_359 = arith.cmpi ne, %gather3A_355, %shift_right_logical3A_194 : vector<16xi32>
          %or3A = arith.ori %eq3A_358, %ne3A_359 : vector<16xi1>
          %jit3A_360 = arith.constant 0 : i32
          %jit3A_361 = arith.constant 8191 : i32
          %max3A_362 = vector.broadcast %jit3A_360 : i32 to vector<16xi32>
          %max3A_363 = arith.maxsi %max3A_362, %shift_right_logical3A_194 : vector<16xi32>
          %min3A_364 = vector.broadcast %jit3A_361 : i32 to vector<16xi32>
          %min3A_365 = arith.minsi %min3A_364, %max3A_363 : vector<16xi32>
          %gather3A_366 = tpu.vector_load_idx %arg12[%min3A_365] : memref<8192xf32, #tpu.memory_space<vmem>>[vector<16xi32>], vector<16xf32>,
          %and3A_367 = arith.andi %ge3A_192, %or3A : vector<16xi1>
          %gt3A_368 = arith.cmpf ogt, %select_n3A_328, %gather3A_366 : vector<16xf32>
          %and3A_369 = arith.andi %and3A_367, %gt3A_368 : vector<16xi1>
          tpu.vector_store_idx %arg12[%min3A_365], %select_n3A_328 masked %and3A_369 : memref<8192xf32, #tpu.memory_space<vmem>>[vector<16xi32>], vector<16xf32>, vector<16xi1>
          %while3A_370 = arith.constant 0 : i32
          scf.yield %while3A_370 : i32
        }
        %while3A_165 = arith.constant 1 : i32
        %while3A_166 = scf.for %while3A_168 = %while3A_162 to %while3A_158 step %while3A_165 iter_args(%while3A_169 = %while3A_164) -> (i32)  : i32 {
          %mul3A_170 = arith.constant 16 : i32
          %mul3A_171 = arith.muli %while3A_168, %mul3A_170 : i32
          %add3A_172 = vector.broadcast %mul3A_171 : i32 to vector<16xi32>
          %add3A_173 = arith.addi %add3A_172, %iota3A : vector<16xi32>
          %mul3A_174 = arith.constant 16 : i32
          %mul3A_175 = arith.muli %while3A_168, %mul3A_174 : i32
          %add3A_176 = arith.addi %mul3A_155, %mul3A_175 : i32
          %get3A = arith.index_cast %add3A_176 : i32 to index
          %get3A_177 = tpu.vector_load %arg9[%get3A] {strides = array<i32>} : memref<6144xi32, #tpu.memory_space<vmem>>, vector<16xi32>,
          %mul3A_178 = arith.constant 16 : i32
          %mul3A_179 = arith.muli %while3A_168, %mul3A_178 : i32
          %add3A_180 = arith.addi %mul3A_155, %mul3A_179 : i32
          %get3A_181 = arith.index_cast %add3A_180 : i32 to index
          %get3A_182 = tpu.vector_load %arg10[%get3A_181] {strides = array<i32>} : memref<6144xf32, #tpu.memory_space<vmem>>, vector<16xf32>,
          %lt3A = arith.cmpi slt, %add3A_173, %gather3A : vector<16xi32>
          %jit3A = arith.constant -1 : i32
          %broadcast_in_dim3A_183 = vector.broadcast %jit3A : i32 to vector<16xi32>
          %select_n3A = arith.select %lt3A, %get3A_177, %broadcast_in_dim3A_183 : vector<16xi1>, vector<16xi32>
          %masked_sort3A = arith.constant dense<true> : vector<16xi1>
          %masked_sort3A_184 = arith.constant -2147483648 : i32
          %masked_sort3A_185 = vector.broadcast %masked_sort3A_184 : i32 to vector<16xi32>
          %masked_sort3A_186 = arith.xori %select_n3A, %masked_sort3A_185 : vector<16xi32>
          %masked_sort3A_187, %masked_sort3A_188, %masked_sort3A_189 = tpu.sort %masked_sort3A_186, %get3A_182 masked %masked_sort3A : (vector<16xi32>, vector<16xf32>, vector<16xi1>) -> (vector<16xi1>, vector<16xi32>, vector<16xf32>)
          %masked_sort3A_190 = arith.xori %masked_sort3A_188, %masked_sort3A_185 : vector<16xi32>
          %ge3A = arith.constant 0 : i32
          %ge3A_191 = vector.broadcast %ge3A : i32 to vector<16xi32>
          %ge3A_192 = arith.cmpi sge, %masked_sort3A_190, %ge3A_191 : vector<16xi32>
          %shift_right_logical3A = arith.constant 18 : i32
          %shift_right_logical3A_193 = vector.broadcast %shift_right_logical3A : i32 to vector<16xi32>
          %shift_right_logical3A_194 = arith.shrui %masked_sort3A_190, %shift_right_logical3A_193 : vector<16xi32>
          %sub3A = arith.constant 1 : i32
          %sub3A_195 = vector.broadcast %sub3A : i32 to vector<16xi32>
          %sub3A_196 = arith.subi %iota3A, %sub3A_195 : vector<16xi32>
          %max3A = arith.constant 0 : i32
          %max3A_197 = vector.broadcast %max3A : i32 to vector<16xi32>
          %max3A_198 = arith.maxsi %sub3A_196, %max3A_197 : vector<16xi32>
          %lt3A_199 = arith.constant 0 : i32
          %lt3A_200 = vector.broadcast %lt3A_199 : i32 to vector<16xi32>
          %lt3A_201 = arith.cmpi slt, %max3A_198, %lt3A_200 : vector<16xi32>
          %add3A_202 = arith.constant 16 : i32
          %add3A_203 = vector.broadcast %add3A_202 : i32 to vector<16xi32>
          %add3A_204 = arith.addi %max3A_198, %add3A_203 : vector<16xi32>
          %select_n3A_205 = arith.select %lt3A_201, %add3A_204, %max3A_198 : vector<16xi1>, vector<16xi32>
          %broadcast_in_dim3A_206 = vector.shape_cast %select_n3A_205 : vector<16xi32> to vector<16x1xi32>
          %gather3A_207 = vector.shape_cast %broadcast_in_dim3A_206 : vector<16x1xi32> to vector<16xi32>
          %gather3A_208 = tpu.dynamic_gather %shift_right_logical3A_194[%gather3A_207] in [0] : vector<16xi32>, vector<16xi32> -> vector<16xi32>
          %eq3A = arith.cmpi eq, %shift_right_logical3A_194, %gather3A_208 : vector<16xi32>
          %ge3A_209 = arith.constant 1 : i32
          %ge3A_210 = vector.broadcast %ge3A_209 : i32 to vector<16xi32>
          %ge3A_211 = arith.cmpi sge, %iota3A, %ge3A_210 : vector<16xi32>
          %and3A = arith.andi %eq3A, %ge3A_211 : vector<16xi1>
          %convert_element_type3A_212 = arith.extui %and3A : vector<16xi1> to vector<16xi32>
          %sub3A_213 = arith.constant 1 : i32
          %sub3A_214 = vector.broadcast %sub3A_213 : i32 to vector<16xi32>
          %sub3A_215 = arith.subi %iota3A, %sub3A_214 : vector<16xi32>
          %max3A_216 = arith.constant 0 : i32
          %max3A_217 = vector.broadcast %max3A_216 : i32 to vector<16xi32>
          %max3A_218 = arith.maxsi %sub3A_215, %max3A_217 : vector<16xi32>
          %ne3A = arith.constant 0 : i32
          %ne3A_219 = vector.broadcast %ne3A : i32 to vector<16xi32>
          %ne3A_220 = arith.cmpi ne, %convert_element_type3A_212, %ne3A_219 : vector<16xi32>
          %lt3A_221 = arith.constant 0 : i32
          %lt3A_222 = vector.broadcast %lt3A_221 : i32 to vector<16xi32>
          %lt3A_223 = arith.cmpi slt, %max3A_218, %lt3A_222 : vector<16xi32>
          %add3A_224 = arith.constant 16 : i32
          %add3A_225 = vector.broadcast %add3A_224 : i32 to vector<16xi32>
          %add3A_226 = arith.addi %max3A_218, %add3A_225 : vector<16xi32>
          %select_n3A_227 = arith.select %lt3A_223, %add3A_226, %max3A_218 : vector<16xi1>, vector<16xi32>
          %broadcast_in_dim3A_228 = vector.shape_cast %select_n3A_227 : vector<16xi32> to vector<16x1xi32>
          %gather3A_229 = vector.shape_cast %broadcast_in_dim3A_228 : vector<16x1xi32> to vector<16xi32>
          %gather3A_230 = tpu.dynamic_gather %masked_sort3A_189[%gather3A_229] in [0] : vector<16xf32>, vector<16xi32> -> vector<16xf32>
          %max3A_231 = arith.maximumf %masked_sort3A_189, %gather3A_230 : vector<16xf32>
          %select_n3A_232 = arith.select %ne3A_220, %max3A_231, %masked_sort3A_189 : vector<16xi1>, vector<16xf32>
          %lt3A_233 = arith.constant 0 : i32
          %lt3A_234 = vector.broadcast %lt3A_233 : i32 to vector<16xi32>
          %lt3A_235 = arith.cmpi slt, %max3A_218, %lt3A_234 : vector<16xi32>
          %add3A_236 = arith.constant 16 : i32
          %add3A_237 = vector.broadcast %add3A_236 : i32 to vector<16xi32>
          %add3A_238 = arith.addi %max3A_218, %add3A_237 : vector<16xi32>
          %select_n3A_239 = arith.select %lt3A_235, %add3A_238, %max3A_218 : vector<16xi1>, vector<16xi32>
          %broadcast_in_dim3A_240 = vector.shape_cast %select_n3A_239 : vector<16xi32> to vector<16x1xi32>
          %gather3A_241 = vector.shape_cast %broadcast_in_dim3A_240 : vector<16x1xi32> to vector<16xi32>
          %gather3A_242 = tpu.dynamic_gather %convert_element_type3A_212[%gather3A_241] in [0] : vector<16xi32>, vector<16xi32> -> vector<16xi32>
          %and3A_243 = arith.andi %convert_element_type3A_212, %gather3A_242 : vector<16xi32>
          %sub3A_244 = arith.constant 2 : i32
          %sub3A_245 = vector.broadcast %sub3A_244 : i32 to vector<16xi32>
          %sub3A_246 = arith.subi %iota3A, %sub3A_245 : vector<16xi32>
          %max3A_247 = arith.constant 0 : i32
          %max3A_248 = vector.broadcast %max3A_247 : i32 to vector<16xi32>
          %max3A_249 = arith.maxsi %sub3A_246, %max3A_248 : vector<16xi32>
          %ne3A_250 = arith.constant 0 : i32
          %ne3A_251 = vector.broadcast %ne3A_250 : i32 to vector<16xi32>
          %ne3A_252 = arith.cmpi ne, %and3A_243, %ne3A_251 : vector<16xi32>
          %lt3A_253 = arith.constant 0 : i32
          %lt3A_254 = vector.broadcast %lt3A_253 : i32 to vector<16xi32>
          %lt3A_255 = arith.cmpi slt, %max3A_249, %lt3A_254 : vector<16xi32>
          %add3A_256 = arith.constant 16 : i32
          %add3A_257 = vector.broadcast %add3A_256 : i32 to vector<16xi32>
          %add3A_258 = arith.addi %max3A_249, %add3A_257 : vector<16xi32>
          %select_n3A_259 = arith.select %lt3A_255, %add3A_258, %max3A_249 : vector<16xi1>, vector<16xi32>
          %broadcast_in_dim3A_260 = vector.shape_cast %select_n3A_259 : vector<16xi32> to vector<16x1xi32>
          %gather3A_261 = vector.shape_cast %broadcast_in_dim3A_260 : vector<16x1xi32> to vector<16xi32>
          %gather3A_262 = tpu.dynamic_gather %select_n3A_232[%gather3A_261] in [0] : vector<16xf32>, vector<16xi32> -> vector<16xf32>
          %max3A_263 = arith.maximumf %select_n3A_232, %gather3A_262 : vector<16xf32>
          %select_n3A_264 = arith.select %ne3A_252, %max3A_263, %select_n3A_232 : vector<16xi1>, vector<16xf32>
          %lt3A_265 = arith.constant 0 : i32
          %lt3A_266 = vector.broadcast %lt3A_265 : i32 to vector<16xi32>
          %lt3A_267 = arith.cmpi slt, %max3A_249, %lt3A_266 : vector<16xi32>
          %add3A_268 = arith.constant 16 : i32
          %add3A_269 = vector.broadcast %add3A_268 : i32 to vector<16xi32>
          %add3A_270 = arith.addi %max3A_249, %add3A_269 : vector<16xi32>
          %select_n3A_271 = arith.select %lt3A_267, %add3A_270, %max3A_249 : vector<16xi1>, vector<16xi32>
          %broadcast_in_dim3A_272 = vector.shape_cast %select_n3A_271 : vector<16xi32> to vector<16x1xi32>
          %gather3A_273 = vector.shape_cast %broadcast_in_dim3A_272 : vector<16x1xi32> to vector<16xi32>
          %gather3A_274 = tpu.dynamic_gather %and3A_243[%gather3A_273] in [0] : vector<16xi32>, vector<16xi32> -> vector<16xi32>
          %and3A_275 = arith.andi %and3A_243, %gather3A_274 : vector<16xi32>
          %sub3A_276 = arith.constant 4 : i32
          %sub3A_277 = vector.broadcast %sub3A_276 : i32 to vector<16xi32>
          %sub3A_278 = arith.subi %iota3A, %sub3A_277 : vector<16xi32>
          %max3A_279 = arith.constant 0 : i32
          %max3A_280 = vector.broadcast %max3A_279 : i32 to vector<16xi32>
          %max3A_281 = arith.maxsi %sub3A_278, %max3A_280 : vector<16xi32>
          %ne3A_282 = arith.constant 0 : i32
          %ne3A_283 = vector.broadcast %ne3A_282 : i32 to vector<16xi32>
          %ne3A_284 = arith.cmpi ne, %and3A_275, %ne3A_283 : vector<16xi32>
          %lt3A_285 = arith.constant 0 : i32
          %lt3A_286 = vector.broadcast %lt3A_285 : i32 to vector<16xi32>
          %lt3A_287 = arith.cmpi slt, %max3A_281, %lt3A_286 : vector<16xi32>
          %add3A_288 = arith.constant 16 : i32
          %add3A_289 = vector.broadcast %add3A_288 : i32 to vector<16xi32>
          %add3A_290 = arith.addi %max3A_281, %add3A_289 : vector<16xi32>
          %select_n3A_291 = arith.select %lt3A_287, %add3A_290, %max3A_281 : vector<16xi1>, vector<16xi32>
          %broadcast_in_dim3A_292 = vector.shape_cast %select_n3A_291 : vector<16xi32> to vector<16x1xi32>
          %gather3A_293 = vector.shape_cast %broadcast_in_dim3A_292 : vector<16x1xi32> to vector<16xi32>
          %gather3A_294 = tpu.dynamic_gather %select_n3A_264[%gather3A_293] in [0] : vector<16xf32>, vector<16xi32> -> vector<16xf32>
          %max3A_295 = arith.maximumf %select_n3A_264, %gather3A_294 : vector<16xf32>
          %select_n3A_296 = arith.select %ne3A_284, %max3A_295, %select_n3A_264 : vector<16xi1>, vector<16xf32>
          %lt3A_297 = arith.constant 0 : i32
          %lt3A_298 = vector.broadcast %lt3A_297 : i32 to vector<16xi32>
          %lt3A_299 = arith.cmpi slt, %max3A_281, %lt3A_298 : vector<16xi32>
          %add3A_300 = arith.constant 16 : i32
          %add3A_301 = vector.broadcast %add3A_300 : i32 to vector<16xi32>
          %add3A_302 = arith.addi %max3A_281, %add3A_301 : vector<16xi32>
          %select_n3A_303 = arith.select %lt3A_299, %add3A_302, %max3A_281 : vector<16xi1>, vector<16xi32>
          %broadcast_in_dim3A_304 = vector.shape_cast %select_n3A_303 : vector<16xi32> to vector<16x1xi32>
          %gather3A_305 = vector.shape_cast %broadcast_in_dim3A_304 : vector<16x1xi32> to vector<16xi32>
          %gather3A_306 = tpu.dynamic_gather %and3A_275[%gather3A_305] in [0] : vector<16xi32>, vector<16xi32> -> vector<16xi32>
          %and3A_307 = arith.andi %and3A_275, %gather3A_306 : vector<16xi32>
          %sub3A_308 = arith.constant 8 : i32
          %sub3A_309 = vector.broadcast %sub3A_308 : i32 to vector<16xi32>
          %sub3A_310 = arith.subi %iota3A, %sub3A_309 : vector<16xi32>
          %max3A_311 = arith.constant 0 : i32
          %max3A_312 = vector.broadcast %max3A_311 : i32 to vector<16xi32>
          %max3A_313 = arith.maxsi %sub3A_310, %max3A_312 : vector<16xi32>
          %ne3A_314 = arith.constant 0 : i32
          %ne3A_315 = vector.broadcast %ne3A_314 : i32 to vector<16xi32>
          %ne3A_316 = arith.cmpi ne, %and3A_307, %ne3A_315 : vector<16xi32>
          %lt3A_317 = arith.constant 0 : i32
          %lt3A_318 = vector.broadcast %lt3A_317 : i32 to vector<16xi32>
          %lt3A_319 = arith.cmpi slt, %max3A_313, %lt3A_318 : vector<16xi32>
          %add3A_320 = arith.constant 16 : i32
          %add3A_321 = vector.broadcast %add3A_320 : i32 to vector<16xi32>
          %add3A_322 = arith.addi %max3A_313, %add3A_321 : vector<16xi32>
          %select_n3A_323 = arith.select %lt3A_319, %add3A_322, %max3A_313 : vector<16xi1>, vector<16xi32>
          %broadcast_in_dim3A_324 = vector.shape_cast %select_n3A_323 : vector<16xi32> to vector<16x1xi32>
          %gather3A_325 = vector.shape_cast %broadcast_in_dim3A_324 : vector<16x1xi32> to vector<16xi32>
          %gather3A_326 = tpu.dynamic_gather %select_n3A_296[%gather3A_325] in [0] : vector<16xf32>, vector<16xi32> -> vector<16xf32>
          %max3A_327 = arith.maximumf %select_n3A_296, %gather3A_326 : vector<16xf32>
          %select_n3A_328 = arith.select %ne3A_316, %max3A_327, %select_n3A_296 : vector<16xi1>, vector<16xf32>
          %lt3A_329 = arith.constant 0 : i32
          %lt3A_330 = vector.broadcast %lt3A_329 : i32 to vector<16xi32>
          %lt3A_331 = arith.cmpi slt, %max3A_313, %lt3A_330 : vector<16xi32>
          %add3A_332 = arith.constant 16 : i32
          %add3A_333 = vector.broadcast %add3A_332 : i32 to vector<16xi32>
          %add3A_334 = arith.addi %max3A_313, %add3A_333 : vector<16xi32>
          %select_n3A_335 = arith.select %lt3A_331, %add3A_334, %max3A_313 : vector<16xi1>, vector<16xi32>
          %broadcast_in_dim3A_336 = vector.shape_cast %select_n3A_335 : vector<16xi32> to vector<16x1xi32>
          %gather3A_337 = vector.shape_cast %broadcast_in_dim3A_336 : vector<16x1xi32> to vector<16xi32>
          %gather3A_338 = tpu.dynamic_gather %and3A_307[%gather3A_337] in [0] : vector<16xi32>, vector<16xi32> -> vector<16xi32>
          %and3A_339 = arith.andi %and3A_307, %gather3A_338 : vector<16xi32>
          %add3A_340 = arith.constant 1 : i32
          %add3A_341 = vector.broadcast %add3A_340 : i32 to vector<16xi32>
          %add3A_342 = arith.addi %iota3A, %add3A_341 : vector<16xi32>
          %min3A_343 = arith.constant 15 : i32
          %min3A_344 = vector.broadcast %min3A_343 : i32 to vector<16xi32>
          %min3A_345 = arith.minsi %add3A_342, %min3A_344 : vector<16xi32>
          %lt3A_346 = arith.constant 0 : i32
          %lt3A_347 = vector.broadcast %lt3A_346 : i32 to vector<16xi32>
          %lt3A_348 = arith.cmpi slt, %min3A_345, %lt3A_347 : vector<16xi32>
          %add3A_349 = arith.constant 16 : i32
          %add3A_350 = vector.broadcast %add3A_349 : i32 to vector<16xi32>
          %add3A_351 = arith.addi %min3A_345, %add3A_350 : vector<16xi32>
          %select_n3A_352 = arith.select %lt3A_348, %add3A_351, %min3A_345 : vector<16xi1>, vector<16xi32>
          %broadcast_in_dim3A_353 = vector.shape_cast %select_n3A_352 : vector<16xi32> to vector<16x1xi32>
          %gather3A_354 = vector.shape_cast %broadcast_in_dim3A_353 : vector<16x1xi32> to vector<16xi32>
          %gather3A_355 = tpu.dynamic_gather %shift_right_logical3A_194[%gather3A_354] in [0] : vector<16xi32>, vector<16xi32> -> vector<16xi32>
          %eq3A_356 = arith.constant 15 : i32
          %eq3A_357 = vector.broadcast %eq3A_356 : i32 to vector<16xi32>
          %eq3A_358 = arith.cmpi eq, %iota3A, %eq3A_357 : vector<16xi32>
          %ne3A_359 = arith.cmpi ne, %gather3A_355, %shift_right_logical3A_194 : vector<16xi32>
          %or3A = arith.ori %eq3A_358, %ne3A_359 : vector<16xi1>
          %jit3A_360 = arith.constant 0 : i32
          %jit3A_361 = arith.constant 8191 : i32
          %max3A_362 = vector.broadcast %jit3A_360 : i32 to vector<16xi32>
          %max3A_363 = arith.maxsi %max3A_362, %shift_right_logical3A_194 : vector<16xi32>
          %min3A_364 = vector.broadcast %jit3A_361 : i32 to vector<16xi32>
          %min3A_365 = arith.minsi %min3A_364, %max3A_363 : vector<16xi32>
          %gather3A_366 = tpu.vector_load_idx %arg12[%min3A_365] : memref<8192xf32, #tpu.memory_space<vmem>>[vector<16xi32>], vector<16xf32>,
          %and3A_367 = arith.andi %ge3A_192, %or3A : vector<16xi1>
          %gt3A_368 = arith.cmpf ogt, %select_n3A_328, %gather3A_366 : vector<16xf32>
          %and3A_369 = arith.andi %and3A_367, %gt3A_368 : vector<16xi1>
          tpu.vector_store_idx %arg12[%min3A_365], %select_n3A_328 masked %and3A_369 : memref<8192xf32, #tpu.memory_space<vmem>>[vector<16xi32>], vector<16xf32>, vector<16xi1>
          %while3A_370 = arith.constant 0 : i32
          scf.yield %while3A_370 : i32
        }
        %scan3A_167 = arith.constant 0 : i32
        scf.yield %scan3A_167 : i32
      }
      %scan3A_49 = arith.constant 8 : i32
      %gt3A = arith.constant 768 : i32
      %gt3A_50 = arith.cmpi sgt, %scan3A_41, %gt3A : i32
      %convert_element_type3A = arith.extui %gt3A_50 : i1 to i32
      %cond3A = arith.constant 0 : i32
      %cond3A_51 = arith.cmpi ne, %convert_element_type3A, %cond3A : i32
      scf.if %cond3A_51 {
        %scan3A_137 = arith.constant 0 : i32
        %scan3A_138 = arith.constant 0 : i32
        %scan3A_139 = arith.constant 64 : i32
        %scan3A_140 = arith.addi %scan3A_138, %scan3A_139 : i32
        %scan3A_141 = arith.constant 1 : i32
        %scan3A_142 = scf.for %scan3A_144 = %scan3A_138 to %scan3A_140 step %scan3A_141 iter_args(%scan3A_145 = %scan3A_137) -> (i32)  : i32 {
          %mul3A_146 = arith.constant 4096 : i32
          %mul3A_147 = arith.muli %scan3A_144, %mul3A_146 : i32
          %add3A_148 = arith.addi %mul3A_10, %mul3A_147 : i32
          "tpu.region"() ({
            %run_scoped3A = tpu.sem_alloc : memref<!tpu.dma_semaphore, #tpu.memory_space<semaphore_mem>>
            %dma_start3A_157 = tpu.memref_slice %arg6[%add3A_148] : memref<2097152xi32, #tpu.memory_space<hbm>> -> memref<4096xi32, #tpu.memory_space<hbm>>
            %dma_start3A_158 = tpu.memref_slice %arg6[%add3A_148] : memref<2097152xi32, #tpu.memory_space<hbm>> -> memref<4096xi32, #tpu.memory_space<hbm>>
            tpu.enqueue_dma source(%dma_start3A_158 : memref<4096xi32, #tpu.memory_space<hbm>>) target(%arg22 : memref<4096xi32, #tpu.memory_space<vmem>>) target_semaphore(%run_scoped3A : memref<!tpu.dma_semaphore, #tpu.memory_space<semaphore_mem>>)
            %dma_wait3A_159 = tpu.memref_slice %arg6[%add3A_148] : memref<2097152xi32, #tpu.memory_space<hbm>> -> memref<4096xi32, #tpu.memory_space<hbm>>
            %dma_wait3A_160 = tpu.memref_slice %arg6[%add3A_148] : memref<2097152xi32, #tpu.memory_space<hbm>> -> memref<4096xi32, #tpu.memory_space<hbm>>
            tpu.wait_dma2 semaphore(%run_scoped3A : memref<!tpu.dma_semaphore, #tpu.memory_space<semaphore_mem>>) src(%dma_wait3A_160 : memref<4096xi32, #tpu.memory_space<hbm>>) dst(%arg22 : memref<4096xi32, #tpu.memory_space<vmem>>)
            tpu.yield
          }) : () -> ()
          "tpu.region"() ({
            %run_scoped3A = tpu.sem_alloc : memref<!tpu.dma_semaphore, #tpu.memory_space<semaphore_mem>>
            %dma_start3A_157 = tpu.memref_slice %arg7[%add3A_148] : memref<2097152xf32, #tpu.memory_space<hbm>> -> memref<4096xf32, #tpu.memory_space<hbm>>
            %dma_start3A_158 = tpu.memref_slice %arg7[%add3A_148] : memref<2097152xf32, #tpu.memory_space<hbm>> -> memref<4096xf32, #tpu.memory_space<hbm>>
            tpu.enqueue_dma source(%dma_start3A_158 : memref<4096xf32, #tpu.memory_space<hbm>>) target(%arg23 : memref<4096xf32, #tpu.memory_space<vmem>>) target_semaphore(%run_scoped3A : memref<!tpu.dma_semaphore, #tpu.memory_space<semaphore_mem>>)
            %dma_wait3A_159 = tpu.memref_slice %arg7[%add3A_148] : memref<2097152xf32, #tpu.memory_space<hbm>> -> memref<4096xf32, #tpu.memory_space<hbm>>
            %dma_wait3A_160 = tpu.memref_slice %arg7[%add3A_148] : memref<2097152xf32, #tpu.memory_space<hbm>> -> memref<4096xf32, #tpu.memory_space<hbm>>
            tpu.wait_dma2 semaphore(%run_scoped3A : memref<!tpu.dma_semaphore, #tpu.memory_space<semaphore_mem>>) src(%dma_wait3A_160 : memref<4096xf32, #tpu.memory_space<hbm>>) dst(%arg23 : memref<4096xf32, #tpu.memory_space<vmem>>)
            tpu.yield
          }) : () -> ()
          %scan3A_149 = arith.constant 0 : i32
          %scan3A_150 = arith.constant 0 : i32
          %scan3A_151 = arith.constant 256 : i32
          %scan3A_152 = arith.addi %scan3A_150, %scan3A_151 : i32
          %scan3A_153 = arith.constant 1 : i32
          %scan3A_154 = scf.for %scan3A_157 = %scan3A_150 to %scan3A_152 step %scan3A_153 iter_args(%scan3A_158 = %scan3A_149) -> (i32)  : i32 {
            %mul3A_159 = arith.constant 16 : i32
            %mul3A_160 = arith.muli %scan3A_157, %mul3A_159 : i32
            %get3A = arith.index_cast %mul3A_160 : i32 to index
            %get3A_161 = tpu.vector_load %arg22[%get3A] {strides = array<i32>} : memref<4096xi32, #tpu.memory_space<vmem>>, vector<16xi32>,
            %mul3A_162 = arith.constant 16 : i32
            %mul3A_163 = arith.muli %scan3A_157, %mul3A_162 : i32
            %get3A_164 = arith.index_cast %mul3A_163 : i32 to index
            %get3A_165 = tpu.vector_load %arg23[%get3A_164] {strides = array<i32>} : memref<4096xf32, #tpu.memory_space<vmem>>, vector<16xf32>,
            %shift_right_logical3A = arith.constant 4 : i32
            %shift_right_logical3A_166 = vector.broadcast %shift_right_logical3A : i32 to vector<16xi32>
            %shift_right_logical3A_167 = arith.shrui %get3A_161, %shift_right_logical3A_166 : vector<16xi32>
            %and3A = arith.constant 31 : i32
            %and3A_168 = vector.broadcast %and3A : i32 to vector<16xi32>
            %and3A_169 = arith.andi %shift_right_logical3A_167, %and3A_168 : vector<16xi32>
            %eq3A = vector.broadcast %add3A : i32 to vector<16xi32>
            %eq3A_170 = arith.cmpi eq, %and3A_169, %eq3A : vector<16xi32>
            %gt3A_171 = arith.constant 0.000000e+00 : f32
            %gt3A_172 = vector.broadcast %gt3A_171 : f32 to vector<16xf32>
            %gt3A_173 = arith.cmpf ogt, %get3A_165, %gt3A_172 : vector<16xf32>
            %and3A_174 = arith.andi %eq3A_170, %gt3A_173 : vector<16xi1>
            %and3A_175 = arith.constant 15 : i32
            %and3A_176 = vector.broadcast %and3A_175 : i32 to vector<16xi32>
            %and3A_177 = arith.andi %get3A_161, %and3A_176 : vector<16xi32>
            %mul3A_178 = arith.constant 512 : i32
            %mul3A_179 = vector.broadcast %mul3A_178 : i32 to vector<16xi32>
            %mul3A_180 = arith.muli %and3A_177, %mul3A_179 : vector<16xi32>
            %shift_right_logical3A_181 = arith.constant 9 : i32
            %shift_right_logical3A_182 = vector.broadcast %shift_right_logical3A_181 : i32 to vector<16xi32>
            %shift_right_logical3A_183 = arith.shrui %get3A_161, %shift_right_logical3A_182 : vector<16xi32>
            %add3A_184 = arith.addi %mul3A_180, %shift_right_logical3A_183 : vector<16xi32>
            %gather3A = tpu.vector_load_idx %arg12[%add3A_184] : memref<8192xf32, #tpu.memory_space<vmem>>[vector<16xi32>], vector<16xf32>,
            %gt3A_185 = arith.cmpf ogt, %get3A_165, %gather3A : vector<16xf32>
            %and3A_186 = arith.andi %and3A_174, %gt3A_185 : vector<16xi1>
            %convert_element_type3A_187 = arith.extui %and3A_186 : vector<16xi1> to vector<16xi32>
            %while3A = scf.while (%while3A_189 = %convert_element_type3A_187) : (vector<16xi32>) -> vector<16xi32> {
              %ne3A = arith.constant 0 : i32
              %ne3A_190 = vector.broadcast %ne3A : i32 to vector<16xi32>
              %ne3A_191 = arith.cmpi ne, %while3A_189, %ne3A_190 : vector<16xi32>
              %reduce_or3A = arith.constant 1.000000e+00 : f32
              %reduce_or3A_192 = arith.constant 0.000000e+00 : f32
              %reduce_or3A_193 = vector.broadcast %reduce_or3A : f32 to vector<16xf32>
              %reduce_or3A_194 = vector.broadcast %reduce_or3A_192 : f32 to vector<16xf32>
              %reduce_or3A_195 = arith.select %ne3A_191, %reduce_or3A_193, %reduce_or3A_194 : vector<16xi1>, vector<16xf32>
              %reduce_or3A_196 = arith.constant true
              %reduce_or3A_197 = vector.broadcast %reduce_or3A_196 : i1 to vector<16xi1>
              %reduce_or3A_198 = tpu.scan <max>, %reduce_or3A_195 masked %reduce_or3A_197 : vector<16xf32>, vector<16xi1> -> vector<16xf32>
              %reduce_or3A_199 = vector.extract %reduce_or3A_198[15] : f32 from vector<16xf32>
              %reduce_or3A_200 = arith.constant 0.000000e+00 : f32
              %reduce_or3A_201 = arith.cmpf ogt, %reduce_or3A_199, %reduce_or3A_200 : f32
              scf.condition(%reduce_or3A_201) %while3A_189 : vector<16xi32>
            } do {
            ^bb0(%while3A_189: vector<16xi32>):
              %ne3A = arith.constant 0 : i32
              %ne3A_190 = vector.broadcast %ne3A : i32 to vector<16xi32>
              %ne3A_191 = arith.cmpi ne, %while3A_189, %ne3A_190 : vector<16xi32>
              tpu.vector_store_idx %arg12[%add3A_184], %get3A_165 masked %ne3A_191 : memref<8192xf32, #tpu.memory_space<vmem>>[vector<16xi32>], vector<16xf32>, vector<16xi1>
              %gather3A_192 = tpu.vector_load_idx %arg12[%add3A_184] : memref<8192xf32, #tpu.memory_space<vmem>>[vector<16xi32>], vector<16xf32>,
              %gt3A_193 = arith.cmpf ogt, %get3A_165, %gather3A_192 : vector<16xf32>
              %and3A_194 = arith.andi %and3A_174, %gt3A_193 : vector<16xi1>
              %convert_element_type3A_195 = arith.extui %and3A_194 : vector<16xi1> to vector<16xi32>
              scf.yield %convert_element_type3A_195 : vector<16xi32>
            }
            %scan3A_188 = arith.constant 0 : i32
            scf.yield %scan3A_188 : i32
          }
          %scan3A_155 = arith.constant 256 : i32
          %scan3A_156 = arith.constant 0 : i32
          scf.yield %scan3A_156 : i32
        }
        %scan3A_143 = arith.constant 64 : i32
      } else {
      }
      %scan3A_52 = arith.constant 0 : i32
      %scan3A_53 = arith.constant 0 : i32
      %scan3A_54 = arith.constant 8 : i32
      %scan3A_55 = arith.addi %scan3A_53, %scan3A_54 : i32
      %scan3A_56 = arith.constant 1 : i32
      %scan3A_57 = scf.for %scan3A_137 = %scan3A_53 to %scan3A_55 step %scan3A_56 iter_args(%scan3A_138 = %scan3A_52) -> (i32)  : i32 {
        %mul3A_139 = arith.constant 32 : i32
        %mul3A_140 = arith.muli %scan3A_137, %mul3A_139 : i32
        %add3A_141 = arith.addi %mul3A_140, %add3A : i32
        %broadcast_in_dim3A = vector.broadcast %add3A_141 : i32 to vector<16xi32>
        %gather3A = tpu.vector_load_idx %arg11[%broadcast_in_dim3A] : memref<256xi32, #tpu.memory_space<vmem>>[vector<16xi32>], vector<16xi32>,
        %min3A = arith.constant 768 : i32
        %min3A_142 = vector.broadcast %min3A : i32 to vector<16xi32>
        %min3A_143 = arith.minsi %gather3A, %min3A_142 : vector<16xi32>
        %reduce_max3A = arith.constant true
        %reduce_max3A_144 = vector.broadcast %reduce_max3A : i1 to vector<16xi1>
        %reduce_max3A_145 = arith.constant -2147483648 : i32
        %reduce_max3A_146 = vector.broadcast %reduce_max3A_145 : i32 to vector<16xi32>
        %reduce_max3A_147 = arith.xori %min3A_143, %reduce_max3A_146 : vector<16xi32>
        %reduce_max3A_148 = tpu.scan <max>, %reduce_max3A_147 masked %reduce_max3A_144 : vector<16xi32>, vector<16xi1> -> vector<16xi32>
        %reduce_max3A_149 = arith.xori %reduce_max3A_148, %reduce_max3A_146 : vector<16xi32>
        %reduce_max3A_150 = vector.extract %reduce_max3A_149[15] : i32 from vector<16xi32>
        %add3A_151 = arith.constant 15 : i32
        %add3A_152 = arith.addi %reduce_max3A_150, %add3A_151 : i32
        %div3A = arith.constant 16 : i32
        %div3A_153 = arith.divsi %add3A_152, %div3A : i32
        %mul3A_154 = arith.constant 768 : i32
        %mul3A_155 = arith.muli %scan3A_137, %mul3A_154 : i32
        %while3A = arith.constant 0 : i32
        %while3A_156 = arith.constant 0 : i32
        %while3A_157 = arith.subi %div3A_153, %while3A : i32
        %while3A_158 = arith.addi %while3A, %while3A_157 : i32
        %while3A_159 = arith.constant 1 : i32
        %while3A_160 = arith.divsi %while3A_157, %while3A_159 : i32
        %while3A_161 = arith.muli %while3A_160, %while3A_159 : i32
        %while3A_162 = arith.addi %while3A, %while3A_161 : i32
        %while3A_163 = arith.constant 1 : i32
        %while3A_164 = scf.for %while3A_168 = %while3A to %while3A_162 step %while3A_163 iter_args(%while3A_169 = %while3A_156) -> (i32)  : i32 {
          %mul3A_170 = arith.constant 16 : i32
          %mul3A_171 = arith.muli %while3A_168, %mul3A_170 : i32
          %add3A_172 = vector.broadcast %mul3A_171 : i32 to vector<16xi32>
          %add3A_173 = arith.addi %add3A_172, %iota3A : vector<16xi32>
          %mul3A_174 = arith.constant 16 : i32
          %mul3A_175 = arith.muli %while3A_168, %mul3A_174 : i32
          %add3A_176 = arith.addi %mul3A_155, %mul3A_175 : i32
          %get3A = arith.index_cast %add3A_176 : i32 to index
          %get3A_177 = tpu.vector_load %arg9[%get3A] {strides = array<i32>} : memref<6144xi32, #tpu.memory_space<vmem>>, vector<16xi32>,
          %mul3A_178 = arith.constant 16 : i32
          %mul3A_179 = arith.muli %while3A_168, %mul3A_178 : i32
          %add3A_180 = arith.addi %mul3A_155, %mul3A_179 : i32
          %get3A_181 = arith.index_cast %add3A_180 : i32 to index
          %get3A_182 = tpu.vector_load %arg10[%get3A_181] {strides = array<i32>} : memref<6144xf32, #tpu.memory_space<vmem>>, vector<16xf32>,
          %lt3A = arith.cmpi slt, %add3A_173, %gather3A : vector<16xi32>
          %jit3A = arith.constant -1 : i32
          %broadcast_in_dim3A_183 = vector.broadcast %jit3A : i32 to vector<16xi32>
          %select_n3A = arith.select %lt3A, %get3A_177, %broadcast_in_dim3A_183 : vector<16xi1>, vector<16xi32>
          %masked_sort3A = arith.constant dense<true> : vector<16xi1>
          %masked_sort3A_184 = arith.constant -2147483648 : i32
          %masked_sort3A_185 = vector.broadcast %masked_sort3A_184 : i32 to vector<16xi32>
          %masked_sort3A_186 = arith.xori %select_n3A, %masked_sort3A_185 : vector<16xi32>
          %masked_sort3A_187, %masked_sort3A_188, %masked_sort3A_189 = tpu.sort %masked_sort3A_186, %get3A_182 masked %masked_sort3A : (vector<16xi32>, vector<16xf32>, vector<16xi1>) -> (vector<16xi1>, vector<16xi32>, vector<16xf32>)
          %masked_sort3A_190 = arith.xori %masked_sort3A_188, %masked_sort3A_185 : vector<16xi32>
          %ge3A = arith.constant 0 : i32
          %ge3A_191 = vector.broadcast %ge3A : i32 to vector<16xi32>
          %ge3A_192 = arith.cmpi sge, %masked_sort3A_190, %ge3A_191 : vector<16xi32>
          %shift_right_logical3A = arith.constant 18 : i32
          %shift_right_logical3A_193 = vector.broadcast %shift_right_logical3A : i32 to vector<16xi32>
          %shift_right_logical3A_194 = arith.shrui %masked_sort3A_190, %shift_right_logical3A_193 : vector<16xi32>
          %jit3A_195 = arith.constant 0 : i32
          %jit3A_196 = arith.constant 8191 : i32
          %max3A = vector.broadcast %jit3A_195 : i32 to vector<16xi32>
          %max3A_197 = arith.maxsi %max3A, %shift_right_logical3A_194 : vector<16xi32>
          %min3A_198 = vector.broadcast %jit3A_196 : i32 to vector<16xi32>
          %min3A_199 = arith.minsi %min3A_198, %max3A_197 : vector<16xi32>
          %and3A = arith.constant 262143 : i32
          %and3A_200 = vector.broadcast %and3A : i32 to vector<16xi32>
          %and3A_201 = arith.andi %masked_sort3A_190, %and3A_200 : vector<16xi32>
          %gather3A_202 = tpu.vector_load_idx %arg12[%min3A_199] : memref<8192xf32, #tpu.memory_space<vmem>>[vector<16xi32>], vector<16xf32>,
          %eq3A = arith.cmpf oeq, %masked_sort3A_189, %gather3A_202 : vector<16xf32>
          %and3A_203 = arith.andi %ge3A_192, %eq3A : vector<16xi1>
          %convert_element_type3A_204 = arith.extui %and3A_203 : vector<16xi1> to vector<16xi32>
          %sub3A = arith.constant 1 : i32
          %sub3A_205 = vector.broadcast %sub3A : i32 to vector<16xi32>
          %sub3A_206 = arith.subi %iota3A, %sub3A_205 : vector<16xi32>
          %max3A_207 = arith.constant 0 : i32
          %max3A_208 = vector.broadcast %max3A_207 : i32 to vector<16xi32>
          %max3A_209 = arith.maxsi %sub3A_206, %max3A_208 : vector<16xi32>
          %lt3A_210 = arith.constant 0 : i32
          %lt3A_211 = vector.broadcast %lt3A_210 : i32 to vector<16xi32>
          %lt3A_212 = arith.cmpi slt, %max3A_209, %lt3A_211 : vector<16xi32>
          %add3A_213 = arith.constant 16 : i32
          %add3A_214 = vector.broadcast %add3A_213 : i32 to vector<16xi32>
          %add3A_215 = arith.addi %max3A_209, %add3A_214 : vector<16xi32>
          %select_n3A_216 = arith.select %lt3A_212, %add3A_215, %max3A_209 : vector<16xi1>, vector<16xi32>
          %broadcast_in_dim3A_217 = vector.shape_cast %select_n3A_216 : vector<16xi32> to vector<16x1xi32>
          %gather3A_218 = vector.shape_cast %broadcast_in_dim3A_217 : vector<16x1xi32> to vector<16xi32>
          %gather3A_219 = tpu.dynamic_gather %shift_right_logical3A_194[%gather3A_218] in [0] : vector<16xi32>, vector<16xi32> -> vector<16xi32>
          %eq3A_220 = arith.cmpi eq, %shift_right_logical3A_194, %gather3A_219 : vector<16xi32>
          %ge3A_221 = arith.constant 1 : i32
          %ge3A_222 = vector.broadcast %ge3A_221 : i32 to vector<16xi32>
          %ge3A_223 = arith.cmpi sge, %iota3A, %ge3A_222 : vector<16xi32>
          %and3A_224 = arith.andi %eq3A_220, %ge3A_223 : vector<16xi1>
          %convert_element_type3A_225 = arith.extui %and3A_224 : vector<16xi1> to vector<16xi32>
          %sub3A_226 = arith.constant 1 : i32
          %sub3A_227 = vector.broadcast %sub3A_226 : i32 to vector<16xi32>
          %sub3A_228 = arith.subi %iota3A, %sub3A_227 : vector<16xi32>
          %max3A_229 = arith.constant 0 : i32
          %max3A_230 = vector.broadcast %max3A_229 : i32 to vector<16xi32>
          %max3A_231 = arith.maxsi %sub3A_228, %max3A_230 : vector<16xi32>
          %ne3A = arith.constant 0 : i32
          %ne3A_232 = vector.broadcast %ne3A : i32 to vector<16xi32>
          %ne3A_233 = arith.cmpi ne, %convert_element_type3A_225, %ne3A_232 : vector<16xi32>
          %lt3A_234 = arith.constant 0 : i32
          %lt3A_235 = vector.broadcast %lt3A_234 : i32 to vector<16xi32>
          %lt3A_236 = arith.cmpi slt, %max3A_231, %lt3A_235 : vector<16xi32>
          %add3A_237 = arith.constant 16 : i32
          %add3A_238 = vector.broadcast %add3A_237 : i32 to vector<16xi32>
          %add3A_239 = arith.addi %max3A_231, %add3A_238 : vector<16xi32>
          %select_n3A_240 = arith.select %lt3A_236, %add3A_239, %max3A_231 : vector<16xi1>, vector<16xi32>
          %broadcast_in_dim3A_241 = vector.shape_cast %select_n3A_240 : vector<16xi32> to vector<16x1xi32>
          %gather3A_242 = vector.shape_cast %broadcast_in_dim3A_241 : vector<16x1xi32> to vector<16xi32>
          %gather3A_243 = tpu.dynamic_gather %convert_element_type3A_204[%gather3A_242] in [0] : vector<16xi32>, vector<16xi32> -> vector<16xi32>
          %or3A = arith.ori %convert_element_type3A_204, %gather3A_243 : vector<16xi32>
          %select_n3A_244 = arith.select %ne3A_233, %or3A, %convert_element_type3A_204 : vector<16xi1>, vector<16xi32>
          %lt3A_245 = arith.constant 0 : i32
          %lt3A_246 = vector.broadcast %lt3A_245 : i32 to vector<16xi32>
          %lt3A_247 = arith.cmpi slt, %max3A_231, %lt3A_246 : vector<16xi32>
          %add3A_248 = arith.constant 16 : i32
          %add3A_249 = vector.broadcast %add3A_248 : i32 to vector<16xi32>
          %add3A_250 = arith.addi %max3A_231, %add3A_249 : vector<16xi32>
          %select_n3A_251 = arith.select %lt3A_247, %add3A_250, %max3A_231 : vector<16xi1>, vector<16xi32>
          %broadcast_in_dim3A_252 = vector.shape_cast %select_n3A_251 : vector<16xi32> to vector<16x1xi32>
          %gather3A_253 = vector.shape_cast %broadcast_in_dim3A_252 : vector<16x1xi32> to vector<16xi32>
          %gather3A_254 = tpu.dynamic_gather %convert_element_type3A_225[%gather3A_253] in [0] : vector<16xi32>, vector<16xi32> -> vector<16xi32>
          %and3A_255 = arith.andi %convert_element_type3A_225, %gather3A_254 : vector<16xi32>
          %sub3A_256 = arith.constant 2 : i32
          %sub3A_257 = vector.broadcast %sub3A_256 : i32 to vector<16xi32>
          %sub3A_258 = arith.subi %iota3A, %sub3A_257 : vector<16xi32>
          %max3A_259 = arith.constant 0 : i32
          %max3A_260 = vector.broadcast %max3A_259 : i32 to vector<16xi32>
          %max3A_261 = arith.maxsi %sub3A_258, %max3A_260 : vector<16xi32>
          %ne3A_262 = arith.constant 0 : i32
          %ne3A_263 = vector.broadcast %ne3A_262 : i32 to vector<16xi32>
          %ne3A_264 = arith.cmpi ne, %and3A_255, %ne3A_263 : vector<16xi32>
          %lt3A_265 = arith.constant 0 : i32
          %lt3A_266 = vector.broadcast %lt3A_265 : i32 to vector<16xi32>
          %lt3A_267 = arith.cmpi slt, %max3A_261, %lt3A_266 : vector<16xi32>
          %add3A_268 = arith.constant 16 : i32
          %add3A_269 = vector.broadcast %add3A_268 : i32 to vector<16xi32>
          %add3A_270 = arith.addi %max3A_261, %add3A_269 : vector<16xi32>
          %select_n3A_271 = arith.select %lt3A_267, %add3A_270, %max3A_261 : vector<16xi1>, vector<16xi32>
          %broadcast_in_dim3A_272 = vector.shape_cast %select_n3A_271 : vector<16xi32> to vector<16x1xi32>
          %gather3A_273 = vector.shape_cast %broadcast_in_dim3A_272 : vector<16x1xi32> to vector<16xi32>
          %gather3A_274 = tpu.dynamic_gather %select_n3A_244[%gather3A_273] in [0] : vector<16xi32>, vector<16xi32> -> vector<16xi32>
          %or3A_275 = arith.ori %select_n3A_244, %gather3A_274 : vector<16xi32>
          %select_n3A_276 = arith.select %ne3A_264, %or3A_275, %select_n3A_244 : vector<16xi1>, vector<16xi32>
          %lt3A_277 = arith.constant 0 : i32
          %lt3A_278 = vector.broadcast %lt3A_277 : i32 to vector<16xi32>
          %lt3A_279 = arith.cmpi slt, %max3A_261, %lt3A_278 : vector<16xi32>
          %add3A_280 = arith.constant 16 : i32
          %add3A_281 = vector.broadcast %add3A_280 : i32 to vector<16xi32>
          %add3A_282 = arith.addi %max3A_261, %add3A_281 : vector<16xi32>
          %select_n3A_283 = arith.select %lt3A_279, %add3A_282, %max3A_261 : vector<16xi1>, vector<16xi32>
          %broadcast_in_dim3A_284 = vector.shape_cast %select_n3A_283 : vector<16xi32> to vector<16x1xi32>
          %gather3A_285 = vector.shape_cast %broadcast_in_dim3A_284 : vector<16x1xi32> to vector<16xi32>
          %gather3A_286 = tpu.dynamic_gather %and3A_255[%gather3A_285] in [0] : vector<16xi32>, vector<16xi32> -> vector<16xi32>
          %and3A_287 = arith.andi %and3A_255, %gather3A_286 : vector<16xi32>
          %sub3A_288 = arith.constant 4 : i32
          %sub3A_289 = vector.broadcast %sub3A_288 : i32 to vector<16xi32>
          %sub3A_290 = arith.subi %iota3A, %sub3A_289 : vector<16xi32>
          %max3A_291 = arith.constant 0 : i32
          %max3A_292 = vector.broadcast %max3A_291 : i32 to vector<16xi32>
          %max3A_293 = arith.maxsi %sub3A_290, %max3A_292 : vector<16xi32>
          %ne3A_294 = arith.constant 0 : i32
          %ne3A_295 = vector.broadcast %ne3A_294 : i32 to vector<16xi32>
          %ne3A_296 = arith.cmpi ne, %and3A_287, %ne3A_295 : vector<16xi32>
          %lt3A_297 = arith.constant 0 : i32
          %lt3A_298 = vector.broadcast %lt3A_297 : i32 to vector<16xi32>
          %lt3A_299 = arith.cmpi slt, %max3A_293, %lt3A_298 : vector<16xi32>
          %add3A_300 = arith.constant 16 : i32
          %add3A_301 = vector.broadcast %add3A_300 : i32 to vector<16xi32>
          %add3A_302 = arith.addi %max3A_293, %add3A_301 : vector<16xi32>
          %select_n3A_303 = arith.select %lt3A_299, %add3A_302, %max3A_293 : vector<16xi1>, vector<16xi32>
          %broadcast_in_dim3A_304 = vector.shape_cast %select_n3A_303 : vector<16xi32> to vector<16x1xi32>
          %gather3A_305 = vector.shape_cast %broadcast_in_dim3A_304 : vector<16x1xi32> to vector<16xi32>
          %gather3A_306 = tpu.dynamic_gather %select_n3A_276[%gather3A_305] in [0] : vector<16xi32>, vector<16xi32> -> vector<16xi32>
          %or3A_307 = arith.ori %select_n3A_276, %gather3A_306 : vector<16xi32>
          %select_n3A_308 = arith.select %ne3A_296, %or3A_307, %select_n3A_276 : vector<16xi1>, vector<16xi32>
          %lt3A_309 = arith.constant 0 : i32
          %lt3A_310 = vector.broadcast %lt3A_309 : i32 to vector<16xi32>
          %lt3A_311 = arith.cmpi slt, %max3A_293, %lt3A_310 : vector<16xi32>
          %add3A_312 = arith.constant 16 : i32
          %add3A_313 = vector.broadcast %add3A_312 : i32 to vector<16xi32>
          %add3A_314 = arith.addi %max3A_293, %add3A_313 : vector<16xi32>
          %select_n3A_315 = arith.select %lt3A_311, %add3A_314, %max3A_293 : vector<16xi1>, vector<16xi32>
          %broadcast_in_dim3A_316 = vector.shape_cast %select_n3A_315 : vector<16xi32> to vector<16x1xi32>
          %gather3A_317 = vector.shape_cast %broadcast_in_dim3A_316 : vector<16x1xi32> to vector<16xi32>
          %gather3A_318 = tpu.dynamic_gather %and3A_287[%gather3A_317] in [0] : vector<16xi32>, vector<16xi32> -> vector<16xi32>
          %and3A_319 = arith.andi %and3A_287, %gather3A_318 : vector<16xi32>
          %sub3A_320 = arith.constant 8 : i32
          %sub3A_321 = vector.broadcast %sub3A_320 : i32 to vector<16xi32>
          %sub3A_322 = arith.subi %iota3A, %sub3A_321 : vector<16xi32>
          %max3A_323 = arith.constant 0 : i32
          %max3A_324 = vector.broadcast %max3A_323 : i32 to vector<16xi32>
          %max3A_325 = arith.maxsi %sub3A_322, %max3A_324 : vector<16xi32>
          %ne3A_326 = arith.constant 0 : i32
          %ne3A_327 = vector.broadcast %ne3A_326 : i32 to vector<16xi32>
          %ne3A_328 = arith.cmpi ne, %and3A_319, %ne3A_327 : vector<16xi32>
          %lt3A_329 = arith.constant 0 : i32
          %lt3A_330 = vector.broadcast %lt3A_329 : i32 to vector<16xi32>
          %lt3A_331 = arith.cmpi slt, %max3A_325, %lt3A_330 : vector<16xi32>
          %add3A_332 = arith.constant 16 : i32
          %add3A_333 = vector.broadcast %add3A_332 : i32 to vector<16xi32>
          %add3A_334 = arith.addi %max3A_325, %add3A_333 : vector<16xi32>
          %select_n3A_335 = arith.select %lt3A_331, %add3A_334, %max3A_325 : vector<16xi1>, vector<16xi32>
          %broadcast_in_dim3A_336 = vector.shape_cast %select_n3A_335 : vector<16xi32> to vector<16x1xi32>
          %gather3A_337 = vector.shape_cast %broadcast_in_dim3A_336 : vector<16x1xi32> to vector<16xi32>
          %gather3A_338 = tpu.dynamic_gather %select_n3A_308[%gather3A_337] in [0] : vector<16xi32>, vector<16xi32> -> vector<16xi32>
          %or3A_339 = arith.ori %select_n3A_308, %gather3A_338 : vector<16xi32>
          %select_n3A_340 = arith.select %ne3A_328, %or3A_339, %select_n3A_308 : vector<16xi1>, vector<16xi32>
          %lt3A_341 = arith.constant 0 : i32
          %lt3A_342 = vector.broadcast %lt3A_341 : i32 to vector<16xi32>
          %lt3A_343 = arith.cmpi slt, %max3A_325, %lt3A_342 : vector<16xi32>
          %add3A_344 = arith.constant 16 : i32
          %add3A_345 = vector.broadcast %add3A_344 : i32 to vector<16xi32>
          %add3A_346 = arith.addi %max3A_325, %add3A_345 : vector<16xi32>
          %select_n3A_347 = arith.select %lt3A_343, %add3A_346, %max3A_325 : vector<16xi1>, vector<16xi32>
          %broadcast_in_dim3A_348 = vector.shape_cast %select_n3A_347 : vector<16xi32> to vector<16x1xi32>
          %gather3A_349 = vector.shape_cast %broadcast_in_dim3A_348 : vector<16x1xi32> to vector<16xi32>
          %gather3A_350 = tpu.dynamic_gather %and3A_319[%gather3A_349] in [0] : vector<16xi32>, vector<16xi32> -> vector<16xi32>
          %and3A_351 = arith.andi %and3A_319, %gather3A_350 : vector<16xi32>
          %ne3A_352 = arith.constant 0 : i32
          %ne3A_353 = vector.broadcast %ne3A_352 : i32 to vector<16xi32>
          %ne3A_354 = arith.cmpi ne, %convert_element_type3A_225, %ne3A_353 : vector<16xi32>
          %sub3A_355 = arith.constant 1 : i32
          %sub3A_356 = vector.broadcast %sub3A_355 : i32 to vector<16xi32>
          %sub3A_357 = arith.subi %iota3A, %sub3A_356 : vector<16xi32>
          %max3A_358 = arith.constant 0 : i32
          %max3A_359 = vector.broadcast %max3A_358 : i32 to vector<16xi32>
          %max3A_360 = arith.maxsi %sub3A_357, %max3A_359 : vector<16xi32>
          %lt3A_361 = arith.constant 0 : i32
          %lt3A_362 = vector.broadcast %lt3A_361 : i32 to vector<16xi32>
          %lt3A_363 = arith.cmpi slt, %max3A_360, %lt3A_362 : vector<16xi32>
          %add3A_364 = arith.constant 16 : i32
          %add3A_365 = vector.broadcast %add3A_364 : i32 to vector<16xi32>
          %add3A_366 = arith.addi %max3A_360, %add3A_365 : vector<16xi32>
          %select_n3A_367 = arith.select %lt3A_363, %add3A_366, %max3A_360 : vector<16xi1>, vector<16xi32>
          %broadcast_in_dim3A_368 = vector.shape_cast %select_n3A_367 : vector<16xi32> to vector<16x1xi32>
          %gather3A_369 = vector.shape_cast %broadcast_in_dim3A_368 : vector<16x1xi32> to vector<16xi32>
          %gather3A_370 = tpu.dynamic_gather %select_n3A_340[%gather3A_369] in [0] : vector<16xi32>, vector<16xi32> -> vector<16xi32>
          %jit3A_371 = arith.constant 0 : i32
          %broadcast_in_dim3A_372 = vector.broadcast %jit3A_371 : i32 to vector<16xi32>
          %select_n3A_373 = arith.select %ne3A_354, %gather3A_370, %broadcast_in_dim3A_372 : vector<16xi1>, vector<16xi32>
          %ne3A_374 = arith.constant 0 : i32
          %ne3A_375 = vector.broadcast %ne3A_374 : i32 to vector<16xi32>
          %ne3A_376 = arith.cmpi ne, %convert_element_type3A_204, %ne3A_375 : vector<16xi32>
          %eq3A_377 = arith.constant 0 : i32
          %eq3A_378 = vector.broadcast %eq3A_377 : i32 to vector<16xi32>
          %eq3A_379 = arith.cmpi eq, %select_n3A_373, %eq3A_378 : vector<16xi32>
          %and3A_380 = arith.andi %ne3A_376, %eq3A_379 : vector<16xi1>
          %gather3A_381 = tpu.vector_load_idx %arg13[%min3A_199] : memref<8192xi32, #tpu.memory_space<vmem>>[vector<16xi32>], vector<16xi32>,
          %lt3A_382 = arith.cmpi slt, %and3A_201, %gather3A_381 : vector<16xi32>
          %and3A_383 = arith.andi %and3A_380, %lt3A_382 : vector<16xi1>
          tpu.vector_store_idx %arg13[%min3A_199], %and3A_201 masked %and3A_383 : memref<8192xi32, #tpu.memory_space<vmem>>[vector<16xi32>], vector<16xi32>, vector<16xi1>
          %while3A_384 = arith.constant 0 : i32
          scf.yield %while3A_384 : i32
        }
        %while3A_165 = arith.constant 1 : i32
        %while3A_166 = scf.for %while3A_168 = %while3A_162 to %while3A_158 step %while3A_165 iter_args(%while3A_169 = %while3A_164) -> (i32)  : i32 {
          %mul3A_170 = arith.constant 16 : i32
          %mul3A_171 = arith.muli %while3A_168, %mul3A_170 : i32
          %add3A_172 = vector.broadcast %mul3A_171 : i32 to vector<16xi32>
          %add3A_173 = arith.addi %add3A_172, %iota3A : vector<16xi32>
          %mul3A_174 = arith.constant 16 : i32
          %mul3A_175 = arith.muli %while3A_168, %mul3A_174 : i32
          %add3A_176 = arith.addi %mul3A_155, %mul3A_175 : i32
          %get3A = arith.index_cast %add3A_176 : i32 to index
          %get3A_177 = tpu.vector_load %arg9[%get3A] {strides = array<i32>} : memref<6144xi32, #tpu.memory_space<vmem>>, vector<16xi32>,
          %mul3A_178 = arith.constant 16 : i32
          %mul3A_179 = arith.muli %while3A_168, %mul3A_178 : i32
          %add3A_180 = arith.addi %mul3A_155, %mul3A_179 : i32
          %get3A_181 = arith.index_cast %add3A_180 : i32 to index
          %get3A_182 = tpu.vector_load %arg10[%get3A_181] {strides = array<i32>} : memref<6144xf32, #tpu.memory_space<vmem>>, vector<16xf32>,
          %lt3A = arith.cmpi slt, %add3A_173, %gather3A : vector<16xi32>
          %jit3A = arith.constant -1 : i32
          %broadcast_in_dim3A_183 = vector.broadcast %jit3A : i32 to vector<16xi32>
          %select_n3A = arith.select %lt3A, %get3A_177, %broadcast_in_dim3A_183 : vector<16xi1>, vector<16xi32>
          %masked_sort3A = arith.constant dense<true> : vector<16xi1>
          %masked_sort3A_184 = arith.constant -2147483648 : i32
          %masked_sort3A_185 = vector.broadcast %masked_sort3A_184 : i32 to vector<16xi32>
          %masked_sort3A_186 = arith.xori %select_n3A, %masked_sort3A_185 : vector<16xi32>
          %masked_sort3A_187, %masked_sort3A_188, %masked_sort3A_189 = tpu.sort %masked_sort3A_186, %get3A_182 masked %masked_sort3A : (vector<16xi32>, vector<16xf32>, vector<16xi1>) -> (vector<16xi1>, vector<16xi32>, vector<16xf32>)
          %masked_sort3A_190 = arith.xori %masked_sort3A_188, %masked_sort3A_185 : vector<16xi32>
          %ge3A = arith.constant 0 : i32
          %ge3A_191 = vector.broadcast %ge3A : i32 to vector<16xi32>
          %ge3A_192 = arith.cmpi sge, %masked_sort3A_190, %ge3A_191 : vector<16xi32>
          %shift_right_logical3A = arith.constant 18 : i32
          %shift_right_logical3A_193 = vector.broadcast %shift_right_logical3A : i32 to vector<16xi32>
          %shift_right_logical3A_194 = arith.shrui %masked_sort3A_190, %shift_right_logical3A_193 : vector<16xi32>
          %jit3A_195 = arith.constant 0 : i32
          %jit3A_196 = arith.constant 8191 : i32
          %max3A = vector.broadcast %jit3A_195 : i32 to vector<16xi32>
          %max3A_197 = arith.maxsi %max3A, %shift_right_logical3A_194 : vector<16xi32>
          %min3A_198 = vector.broadcast %jit3A_196 : i32 to vector<16xi32>
          %min3A_199 = arith.minsi %min3A_198, %max3A_197 : vector<16xi32>
          %and3A = arith.constant 262143 : i32
          %and3A_200 = vector.broadcast %and3A : i32 to vector<16xi32>
          %and3A_201 = arith.andi %masked_sort3A_190, %and3A_200 : vector<16xi32>
          %gather3A_202 = tpu.vector_load_idx %arg12[%min3A_199] : memref<8192xf32, #tpu.memory_space<vmem>>[vector<16xi32>], vector<16xf32>,
          %eq3A = arith.cmpf oeq, %masked_sort3A_189, %gather3A_202 : vector<16xf32>
          %and3A_203 = arith.andi %ge3A_192, %eq3A : vector<16xi1>
          %convert_element_type3A_204 = arith.extui %and3A_203 : vector<16xi1> to vector<16xi32>
          %sub3A = arith.constant 1 : i32
          %sub3A_205 = vector.broadcast %sub3A : i32 to vector<16xi32>
          %sub3A_206 = arith.subi %iota3A, %sub3A_205 : vector<16xi32>
          %max3A_207 = arith.constant 0 : i32
          %max3A_208 = vector.broadcast %max3A_207 : i32 to vector<16xi32>
          %max3A_209 = arith.maxsi %sub3A_206, %max3A_208 : vector<16xi32>
          %lt3A_210 = arith.constant 0 : i32
          %lt3A_211 = vector.broadcast %lt3A_210 : i32 to vector<16xi32>
          %lt3A_212 = arith.cmpi slt, %max3A_209, %lt3A_211 : vector<16xi32>
          %add3A_213 = arith.constant 16 : i32
          %add3A_214 = vector.broadcast %add3A_213 : i32 to vector<16xi32>
          %add3A_215 = arith.addi %max3A_209, %add3A_214 : vector<16xi32>
          %select_n3A_216 = arith.select %lt3A_212, %add3A_215, %max3A_209 : vector<16xi1>, vector<16xi32>
          %broadcast_in_dim3A_217 = vector.shape_cast %select_n3A_216 : vector<16xi32> to vector<16x1xi32>
          %gather3A_218 = vector.shape_cast %broadcast_in_dim3A_217 : vector<16x1xi32> to vector<16xi32>
          %gather3A_219 = tpu.dynamic_gather %shift_right_logical3A_194[%gather3A_218] in [0] : vector<16xi32>, vector<16xi32> -> vector<16xi32>
          %eq3A_220 = arith.cmpi eq, %shift_right_logical3A_194, %gather3A_219 : vector<16xi32>
          %ge3A_221 = arith.constant 1 : i32
          %ge3A_222 = vector.broadcast %ge3A_221 : i32 to vector<16xi32>
          %ge3A_223 = arith.cmpi sge, %iota3A, %ge3A_222 : vector<16xi32>
          %and3A_224 = arith.andi %eq3A_220, %ge3A_223 : vector<16xi1>
          %convert_element_type3A_225 = arith.extui %and3A_224 : vector<16xi1> to vector<16xi32>
          %sub3A_226 = arith.constant 1 : i32
          %sub3A_227 = vector.broadcast %sub3A_226 : i32 to vector<16xi32>
          %sub3A_228 = arith.subi %iota3A, %sub3A_227 : vector<16xi32>
          %max3A_229 = arith.constant 0 : i32
          %max3A_230 = vector.broadcast %max3A_229 : i32 to vector<16xi32>
          %max3A_231 = arith.maxsi %sub3A_228, %max3A_230 : vector<16xi32>
          %ne3A = arith.constant 0 : i32
          %ne3A_232 = vector.broadcast %ne3A : i32 to vector<16xi32>
          %ne3A_233 = arith.cmpi ne, %convert_element_type3A_225, %ne3A_232 : vector<16xi32>
          %lt3A_234 = arith.constant 0 : i32
          %lt3A_235 = vector.broadcast %lt3A_234 : i32 to vector<16xi32>
          %lt3A_236 = arith.cmpi slt, %max3A_231, %lt3A_235 : vector<16xi32>
          %add3A_237 = arith.constant 16 : i32
          %add3A_238 = vector.broadcast %add3A_237 : i32 to vector<16xi32>
          %add3A_239 = arith.addi %max3A_231, %add3A_238 : vector<16xi32>
          %select_n3A_240 = arith.select %lt3A_236, %add3A_239, %max3A_231 : vector<16xi1>, vector<16xi32>
          %broadcast_in_dim3A_241 = vector.shape_cast %select_n3A_240 : vector<16xi32> to vector<16x1xi32>
          %gather3A_242 = vector.shape_cast %broadcast_in_dim3A_241 : vector<16x1xi32> to vector<16xi32>
          %gather3A_243 = tpu.dynamic_gather %convert_element_type3A_204[%gather3A_242] in [0] : vector<16xi32>, vector<16xi32> -> vector<16xi32>
          %or3A = arith.ori %convert_element_type3A_204, %gather3A_243 : vector<16xi32>
          %select_n3A_244 = arith.select %ne3A_233, %or3A, %convert_element_type3A_204 : vector<16xi1>, vector<16xi32>
          %lt3A_245 = arith.constant 0 : i32
          %lt3A_246 = vector.broadcast %lt3A_245 : i32 to vector<16xi32>
          %lt3A_247 = arith.cmpi slt, %max3A_231, %lt3A_246 : vector<16xi32>
          %add3A_248 = arith.constant 16 : i32
          %add3A_249 = vector.broadcast %add3A_248 : i32 to vector<16xi32>
          %add3A_250 = arith.addi %max3A_231, %add3A_249 : vector<16xi32>
          %select_n3A_251 = arith.select %lt3A_247, %add3A_250, %max3A_231 : vector<16xi1>, vector<16xi32>
          %broadcast_in_dim3A_252 = vector.shape_cast %select_n3A_251 : vector<16xi32> to vector<16x1xi32>
          %gather3A_253 = vector.shape_cast %broadcast_in_dim3A_252 : vector<16x1xi32> to vector<16xi32>
          %gather3A_254 = tpu.dynamic_gather %convert_element_type3A_225[%gather3A_253] in [0] : vector<16xi32>, vector<16xi32> -> vector<16xi32>
          %and3A_255 = arith.andi %convert_element_type3A_225, %gather3A_254 : vector<16xi32>
          %sub3A_256 = arith.constant 2 : i32
          %sub3A_257 = vector.broadcast %sub3A_256 : i32 to vector<16xi32>
          %sub3A_258 = arith.subi %iota3A, %sub3A_257 : vector<16xi32>
          %max3A_259 = arith.constant 0 : i32
          %max3A_260 = vector.broadcast %max3A_259 : i32 to vector<16xi32>
          %max3A_261 = arith.maxsi %sub3A_258, %max3A_260 : vector<16xi32>
          %ne3A_262 = arith.constant 0 : i32
          %ne3A_263 = vector.broadcast %ne3A_262 : i32 to vector<16xi32>
          %ne3A_264 = arith.cmpi ne, %and3A_255, %ne3A_263 : vector<16xi32>
          %lt3A_265 = arith.constant 0 : i32
          %lt3A_266 = vector.broadcast %lt3A_265 : i32 to vector<16xi32>
          %lt3A_267 = arith.cmpi slt, %max3A_261, %lt3A_266 : vector<16xi32>
          %add3A_268 = arith.constant 16 : i32
          %add3A_269 = vector.broadcast %add3A_268 : i32 to vector<16xi32>
          %add3A_270 = arith.addi %max3A_261, %add3A_269 : vector<16xi32>
          %select_n3A_271 = arith.select %lt3A_267, %add3A_270, %max3A_261 : vector<16xi1>, vector<16xi32>
          %broadcast_in_dim3A_272 = vector.shape_cast %select_n3A_271 : vector<16xi32> to vector<16x1xi32>
          %gather3A_273 = vector.shape_cast %broadcast_in_dim3A_272 : vector<16x1xi32> to vector<16xi32>
          %gather3A_274 = tpu.dynamic_gather %select_n3A_244[%gather3A_273] in [0] : vector<16xi32>, vector<16xi32> -> vector<16xi32>
          %or3A_275 = arith.ori %select_n3A_244, %gather3A_274 : vector<16xi32>
          %select_n3A_276 = arith.select %ne3A_264, %or3A_275, %select_n3A_244 : vector<16xi1>, vector<16xi32>
          %lt3A_277 = arith.constant 0 : i32
          %lt3A_278 = vector.broadcast %lt3A_277 : i32 to vector<16xi32>
          %lt3A_279 = arith.cmpi slt, %max3A_261, %lt3A_278 : vector<16xi32>
          %add3A_280 = arith.constant 16 : i32
          %add3A_281 = vector.broadcast %add3A_280 : i32 to vector<16xi32>
          %add3A_282 = arith.addi %max3A_261, %add3A_281 : vector<16xi32>
          %select_n3A_283 = arith.select %lt3A_279, %add3A_282, %max3A_261 : vector<16xi1>, vector<16xi32>
          %broadcast_in_dim3A_284 = vector.shape_cast %select_n3A_283 : vector<16xi32> to vector<16x1xi32>
          %gather3A_285 = vector.shape_cast %broadcast_in_dim3A_284 : vector<16x1xi32> to vector<16xi32>
          %gather3A_286 = tpu.dynamic_gather %and3A_255[%gather3A_285] in [0] : vector<16xi32>, vector<16xi32> -> vector<16xi32>
          %and3A_287 = arith.andi %and3A_255, %gather3A_286 : vector<16xi32>
          %sub3A_288 = arith.constant 4 : i32
          %sub3A_289 = vector.broadcast %sub3A_288 : i32 to vector<16xi32>
          %sub3A_290 = arith.subi %iota3A, %sub3A_289 : vector<16xi32>
          %max3A_291 = arith.constant 0 : i32
          %max3A_292 = vector.broadcast %max3A_291 : i32 to vector<16xi32>
          %max3A_293 = arith.maxsi %sub3A_290, %max3A_292 : vector<16xi32>
          %ne3A_294 = arith.constant 0 : i32
          %ne3A_295 = vector.broadcast %ne3A_294 : i32 to vector<16xi32>
          %ne3A_296 = arith.cmpi ne, %and3A_287, %ne3A_295 : vector<16xi32>
          %lt3A_297 = arith.constant 0 : i32
          %lt3A_298 = vector.broadcast %lt3A_297 : i32 to vector<16xi32>
          %lt3A_299 = arith.cmpi slt, %max3A_293, %lt3A_298 : vector<16xi32>
          %add3A_300 = arith.constant 16 : i32
          %add3A_301 = vector.broadcast %add3A_300 : i32 to vector<16xi32>
          %add3A_302 = arith.addi %max3A_293, %add3A_301 : vector<16xi32>
          %select_n3A_303 = arith.select %lt3A_299, %add3A_302, %max3A_293 : vector<16xi1>, vector<16xi32>
          %broadcast_in_dim3A_304 = vector.shape_cast %select_n3A_303 : vector<16xi32> to vector<16x1xi32>
          %gather3A_305 = vector.shape_cast %broadcast_in_dim3A_304 : vector<16x1xi32> to vector<16xi32>
          %gather3A_306 = tpu.dynamic_gather %select_n3A_276[%gather3A_305] in [0] : vector<16xi32>, vector<16xi32> -> vector<16xi32>
          %or3A_307 = arith.ori %select_n3A_276, %gather3A_306 : vector<16xi32>
          %select_n3A_308 = arith.select %ne3A_296, %or3A_307, %select_n3A_276 : vector<16xi1>, vector<16xi32>
          %lt3A_309 = arith.constant 0 : i32
          %lt3A_310 = vector.broadcast %lt3A_309 : i32 to vector<16xi32>
          %lt3A_311 = arith.cmpi slt, %max3A_293, %lt3A_310 : vector<16xi32>
          %add3A_312 = arith.constant 16 : i32
          %add3A_313 = vector.broadcast %add3A_312 : i32 to vector<16xi32>
          %add3A_314 = arith.addi %max3A_293, %add3A_313 : vector<16xi32>
          %select_n3A_315 = arith.select %lt3A_311, %add3A_314, %max3A_293 : vector<16xi1>, vector<16xi32>
          %broadcast_in_dim3A_316 = vector.shape_cast %select_n3A_315 : vector<16xi32> to vector<16x1xi32>
          %gather3A_317 = vector.shape_cast %broadcast_in_dim3A_316 : vector<16x1xi32> to vector<16xi32>
          %gather3A_318 = tpu.dynamic_gather %and3A_287[%gather3A_317] in [0] : vector<16xi32>, vector<16xi32> -> vector<16xi32>
          %and3A_319 = arith.andi %and3A_287, %gather3A_318 : vector<16xi32>
          %sub3A_320 = arith.constant 8 : i32
          %sub3A_321 = vector.broadcast %sub3A_320 : i32 to vector<16xi32>
          %sub3A_322 = arith.subi %iota3A, %sub3A_321 : vector<16xi32>
          %max3A_323 = arith.constant 0 : i32
          %max3A_324 = vector.broadcast %max3A_323 : i32 to vector<16xi32>
          %max3A_325 = arith.maxsi %sub3A_322, %max3A_324 : vector<16xi32>
          %ne3A_326 = arith.constant 0 : i32
          %ne3A_327 = vector.broadcast %ne3A_326 : i32 to vector<16xi32>
          %ne3A_328 = arith.cmpi ne, %and3A_319, %ne3A_327 : vector<16xi32>
          %lt3A_329 = arith.constant 0 : i32
          %lt3A_330 = vector.broadcast %lt3A_329 : i32 to vector<16xi32>
          %lt3A_331 = arith.cmpi slt, %max3A_325, %lt3A_330 : vector<16xi32>
          %add3A_332 = arith.constant 16 : i32
          %add3A_333 = vector.broadcast %add3A_332 : i32 to vector<16xi32>
          %add3A_334 = arith.addi %max3A_325, %add3A_333 : vector<16xi32>
          %select_n3A_335 = arith.select %lt3A_331, %add3A_334, %max3A_325 : vector<16xi1>, vector<16xi32>
          %broadcast_in_dim3A_336 = vector.shape_cast %select_n3A_335 : vector<16xi32> to vector<16x1xi32>
          %gather3A_337 = vector.shape_cast %broadcast_in_dim3A_336 : vector<16x1xi32> to vector<16xi32>
          %gather3A_338 = tpu.dynamic_gather %select_n3A_308[%gather3A_337] in [0] : vector<16xi32>, vector<16xi32> -> vector<16xi32>
          %or3A_339 = arith.ori %select_n3A_308, %gather3A_338 : vector<16xi32>
          %select_n3A_340 = arith.select %ne3A_328, %or3A_339, %select_n3A_308 : vector<16xi1>, vector<16xi32>
          %lt3A_341 = arith.constant 0 : i32
          %lt3A_342 = vector.broadcast %lt3A_341 : i32 to vector<16xi32>
          %lt3A_343 = arith.cmpi slt, %max3A_325, %lt3A_342 : vector<16xi32>
          %add3A_344 = arith.constant 16 : i32
          %add3A_345 = vector.broadcast %add3A_344 : i32 to vector<16xi32>
          %add3A_346 = arith.addi %max3A_325, %add3A_345 : vector<16xi32>
          %select_n3A_347 = arith.select %lt3A_343, %add3A_346, %max3A_325 : vector<16xi1>, vector<16xi32>
          %broadcast_in_dim3A_348 = vector.shape_cast %select_n3A_347 : vector<16xi32> to vector<16x1xi32>
          %gather3A_349 = vector.shape_cast %broadcast_in_dim3A_348 : vector<16x1xi32> to vector<16xi32>
          %gather3A_350 = tpu.dynamic_gather %and3A_319[%gather3A_349] in [0] : vector<16xi32>, vector<16xi32> -> vector<16xi32>
          %and3A_351 = arith.andi %and3A_319, %gather3A_350 : vector<16xi32>
          %ne3A_352 = arith.constant 0 : i32
          %ne3A_353 = vector.broadcast %ne3A_352 : i32 to vector<16xi32>
          %ne3A_354 = arith.cmpi ne, %convert_element_type3A_225, %ne3A_353 : vector<16xi32>
          %sub3A_355 = arith.constant 1 : i32
          %sub3A_356 = vector.broadcast %sub3A_355 : i32 to vector<16xi32>
          %sub3A_357 = arith.subi %iota3A, %sub3A_356 : vector<16xi32>
          %max3A_358 = arith.constant 0 : i32
          %max3A_359 = vector.broadcast %max3A_358 : i32 to vector<16xi32>
          %max3A_360 = arith.maxsi %sub3A_357, %max3A_359 : vector<16xi32>
          %lt3A_361 = arith.constant 0 : i32
          %lt3A_362 = vector.broadcast %lt3A_361 : i32 to vector<16xi32>
          %lt3A_363 = arith.cmpi slt, %max3A_360, %lt3A_362 : vector<16xi32>
          %add3A_364 = arith.constant 16 : i32
          %add3A_365 = vector.broadcast %add3A_364 : i32 to vector<16xi32>
          %add3A_366 = arith.addi %max3A_360, %add3A_365 : vector<16xi32>
          %select_n3A_367 = arith.select %lt3A_363, %add3A_366, %max3A_360 : vector<16xi1>, vector<16xi32>
          %broadcast_in_dim3A_368 = vector.shape_cast %select_n3A_367 : vector<16xi32> to vector<16x1xi32>
          %gather3A_369 = vector.shape_cast %broadcast_in_dim3A_368 : vector<16x1xi32> to vector<16xi32>
          %gather3A_370 = tpu.dynamic_gather %select_n3A_340[%gather3A_369] in [0] : vector<16xi32>, vector<16xi32> -> vector<16xi32>
          %jit3A_371 = arith.constant 0 : i32
          %broadcast_in_dim3A_372 = vector.broadcast %jit3A_371 : i32 to vector<16xi32>
          %select_n3A_373 = arith.select %ne3A_354, %gather3A_370, %broadcast_in_dim3A_372 : vector<16xi1>, vector<16xi32>
          %ne3A_374 = arith.constant 0 : i32
          %ne3A_375 = vector.broadcast %ne3A_374 : i32 to vector<16xi32>
          %ne3A_376 = arith.cmpi ne, %convert_element_type3A_204, %ne3A_375 : vector<16xi32>
          %eq3A_377 = arith.constant 0 : i32
          %eq3A_378 = vector.broadcast %eq3A_377 : i32 to vector<16xi32>
          %eq3A_379 = arith.cmpi eq, %select_n3A_373, %eq3A_378 : vector<16xi32>
          %and3A_380 = arith.andi %ne3A_376, %eq3A_379 : vector<16xi1>
          %gather3A_381 = tpu.vector_load_idx %arg13[%min3A_199] : memref<8192xi32, #tpu.memory_space<vmem>>[vector<16xi32>], vector<16xi32>,
          %lt3A_382 = arith.cmpi slt, %and3A_201, %gather3A_381 : vector<16xi32>
          %and3A_383 = arith.andi %and3A_380, %lt3A_382 : vector<16xi1>
          tpu.vector_store_idx %arg13[%min3A_199], %and3A_201 masked %and3A_383 : memref<8192xi32, #tpu.memory_space<vmem>>[vector<16xi32>], vector<16xi32>, vector<16xi1>
          %while3A_384 = arith.constant 0 : i32
          scf.yield %while3A_384 : i32
        }
        %scan3A_167 = arith.constant 0 : i32
        scf.yield %scan3A_167 : i32
      }
      %scan3A_58 = arith.constant 8 : i32
      %gt3A_59 = arith.constant 768 : i32
      %gt3A_60 = arith.cmpi sgt, %scan3A_41, %gt3A_59 : i32
      %convert_element_type3A_61 = arith.extui %gt3A_60 : i1 to i32
      %cond3A_62 = arith.constant 0 : i32
      %cond3A_63 = arith.cmpi ne, %convert_element_type3A_61, %cond3A_62 : i32
      scf.if %cond3A_63 {
        %scan3A_137 = arith.constant 0 : i32
        %scan3A_138 = arith.constant 0 : i32
        %scan3A_139 = arith.constant 64 : i32
        %scan3A_140 = arith.addi %scan3A_138, %scan3A_139 : i32
        %scan3A_141 = arith.constant 1 : i32
        %scan3A_142 = scf.for %scan3A_144 = %scan3A_138 to %scan3A_140 step %scan3A_141 iter_args(%scan3A_145 = %scan3A_137) -> (i32)  : i32 {
          %mul3A_146 = arith.constant 4096 : i32
          %mul3A_147 = arith.muli %scan3A_144, %mul3A_146 : i32
          %add3A_148 = arith.addi %mul3A_10, %mul3A_147 : i32
          "tpu.region"() ({
            %run_scoped3A = tpu.sem_alloc : memref<!tpu.dma_semaphore, #tpu.memory_space<semaphore_mem>>
            %dma_start3A_157 = tpu.memref_slice %arg6[%add3A_148] : memref<2097152xi32, #tpu.memory_space<hbm>> -> memref<4096xi32, #tpu.memory_space<hbm>>
            %dma_start3A_158 = tpu.memref_slice %arg6[%add3A_148] : memref<2097152xi32, #tpu.memory_space<hbm>> -> memref<4096xi32, #tpu.memory_space<hbm>>
            tpu.enqueue_dma source(%dma_start3A_158 : memref<4096xi32, #tpu.memory_space<hbm>>) target(%arg22 : memref<4096xi32, #tpu.memory_space<vmem>>) target_semaphore(%run_scoped3A : memref<!tpu.dma_semaphore, #tpu.memory_space<semaphore_mem>>)
            %dma_wait3A_159 = tpu.memref_slice %arg6[%add3A_148] : memref<2097152xi32, #tpu.memory_space<hbm>> -> memref<4096xi32, #tpu.memory_space<hbm>>
            %dma_wait3A_160 = tpu.memref_slice %arg6[%add3A_148] : memref<2097152xi32, #tpu.memory_space<hbm>> -> memref<4096xi32, #tpu.memory_space<hbm>>
            tpu.wait_dma2 semaphore(%run_scoped3A : memref<!tpu.dma_semaphore, #tpu.memory_space<semaphore_mem>>) src(%dma_wait3A_160 : memref<4096xi32, #tpu.memory_space<hbm>>) dst(%arg22 : memref<4096xi32, #tpu.memory_space<vmem>>)
            tpu.yield
          }) : () -> ()
          "tpu.region"() ({
            %run_scoped3A = tpu.sem_alloc : memref<!tpu.dma_semaphore, #tpu.memory_space<semaphore_mem>>
            %dma_start3A_157 = tpu.memref_slice %arg7[%add3A_148] : memref<2097152xf32, #tpu.memory_space<hbm>> -> memref<4096xf32, #tpu.memory_space<hbm>>
            %dma_start3A_158 = tpu.memref_slice %arg7[%add3A_148] : memref<2097152xf32, #tpu.memory_space<hbm>> -> memref<4096xf32, #tpu.memory_space<hbm>>
            tpu.enqueue_dma source(%dma_start3A_158 : memref<4096xf32, #tpu.memory_space<hbm>>) target(%arg23 : memref<4096xf32, #tpu.memory_space<vmem>>) target_semaphore(%run_scoped3A : memref<!tpu.dma_semaphore, #tpu.memory_space<semaphore_mem>>)
            %dma_wait3A_159 = tpu.memref_slice %arg7[%add3A_148] : memref<2097152xf32, #tpu.memory_space<hbm>> -> memref<4096xf32, #tpu.memory_space<hbm>>
            %dma_wait3A_160 = tpu.memref_slice %arg7[%add3A_148] : memref<2097152xf32, #tpu.memory_space<hbm>> -> memref<4096xf32, #tpu.memory_space<hbm>>
            tpu.wait_dma2 semaphore(%run_scoped3A : memref<!tpu.dma_semaphore, #tpu.memory_space<semaphore_mem>>) src(%dma_wait3A_160 : memref<4096xf32, #tpu.memory_space<hbm>>) dst(%arg23 : memref<4096xf32, #tpu.memory_space<vmem>>)
            tpu.yield
          }) : () -> ()
          %scan3A_149 = arith.constant 0 : i32
          %scan3A_150 = arith.constant 0 : i32
          %scan3A_151 = arith.constant 256 : i32
          %scan3A_152 = arith.addi %scan3A_150, %scan3A_151 : i32
          %scan3A_153 = arith.constant 1 : i32
          %scan3A_154 = scf.for %scan3A_157 = %scan3A_150 to %scan3A_152 step %scan3A_153 iter_args(%scan3A_158 = %scan3A_149) -> (i32)  : i32 {
            %mul3A_159 = arith.constant 16 : i32
            %mul3A_160 = arith.muli %scan3A_157, %mul3A_159 : i32
            %get3A = arith.index_cast %mul3A_160 : i32 to index
            %get3A_161 = tpu.vector_load %arg22[%get3A] {strides = array<i32>} : memref<4096xi32, #tpu.memory_space<vmem>>, vector<16xi32>,
            %mul3A_162 = arith.constant 16 : i32
            %mul3A_163 = arith.muli %scan3A_157, %mul3A_162 : i32
            %get3A_164 = arith.index_cast %mul3A_163 : i32 to index
            %get3A_165 = tpu.vector_load %arg23[%get3A_164] {strides = array<i32>} : memref<4096xf32, #tpu.memory_space<vmem>>, vector<16xf32>,
            %shift_right_logical3A = arith.constant 4 : i32
            %shift_right_logical3A_166 = vector.broadcast %shift_right_logical3A : i32 to vector<16xi32>
            %shift_right_logical3A_167 = arith.shrui %get3A_161, %shift_right_logical3A_166 : vector<16xi32>
            %and3A = arith.constant 31 : i32
            %and3A_168 = vector.broadcast %and3A : i32 to vector<16xi32>
            %and3A_169 = arith.andi %shift_right_logical3A_167, %and3A_168 : vector<16xi32>
            %eq3A = vector.broadcast %add3A : i32 to vector<16xi32>
            %eq3A_170 = arith.cmpi eq, %and3A_169, %eq3A : vector<16xi32>
            %gt3A_171 = arith.constant 0.000000e+00 : f32
            %gt3A_172 = vector.broadcast %gt3A_171 : f32 to vector<16xf32>
            %gt3A_173 = arith.cmpf ogt, %get3A_165, %gt3A_172 : vector<16xf32>
            %and3A_174 = arith.andi %eq3A_170, %gt3A_173 : vector<16xi1>
            %and3A_175 = arith.constant 15 : i32
            %and3A_176 = vector.broadcast %and3A_175 : i32 to vector<16xi32>
            %and3A_177 = arith.andi %get3A_161, %and3A_176 : vector<16xi32>
            %mul3A_178 = arith.constant 512 : i32
            %mul3A_179 = vector.broadcast %mul3A_178 : i32 to vector<16xi32>
            %mul3A_180 = arith.muli %and3A_177, %mul3A_179 : vector<16xi32>
            %shift_right_logical3A_181 = arith.constant 9 : i32
            %shift_right_logical3A_182 = vector.broadcast %shift_right_logical3A_181 : i32 to vector<16xi32>
            %shift_right_logical3A_183 = arith.shrui %get3A_161, %shift_right_logical3A_182 : vector<16xi32>
            %add3A_184 = arith.addi %mul3A_180, %shift_right_logical3A_183 : vector<16xi32>
            %mul3A_185 = arith.constant 4096 : i32
            %mul3A_186 = arith.muli %scan3A_144, %mul3A_185 : i32
            %mul3A_187 = arith.constant 16 : i32
            %mul3A_188 = arith.muli %scan3A_157, %mul3A_187 : i32
            %add3A_189 = arith.addi %mul3A_186, %mul3A_188 : i32
            %add3A_190 = vector.broadcast %add3A_189 : i32 to vector<16xi32>
            %add3A_191 = arith.addi %add3A_190, %iota3A : vector<16xi32>
            %gather3A = tpu.vector_load_idx %arg12[%add3A_184] : memref<8192xf32, #tpu.memory_space<vmem>>[vector<16xi32>], vector<16xf32>,
            %eq3A_192 = arith.cmpf oeq, %get3A_165, %gather3A : vector<16xf32>
            %and3A_193 = arith.andi %and3A_174, %eq3A_192 : vector<16xi1>
            %gather3A_194 = tpu.vector_load_idx %arg13[%add3A_184] : memref<8192xi32, #tpu.memory_space<vmem>>[vector<16xi32>], vector<16xi32>,
            %lt3A = arith.cmpi slt, %add3A_191, %gather3A_194 : vector<16xi32>
            %and3A_195 = arith.andi %and3A_193, %lt3A : vector<16xi1>
            %convert_element_type3A_196 = arith.extui %and3A_195 : vector<16xi1> to vector<16xi32>
            %while3A = scf.while (%while3A_198 = %convert_element_type3A_196) : (vector<16xi32>) -> vector<16xi32> {
              %ne3A = arith.constant 0 : i32
              %ne3A_199 = vector.broadcast %ne3A : i32 to vector<16xi32>
              %ne3A_200 = arith.cmpi ne, %while3A_198, %ne3A_199 : vector<16xi32>
              %reduce_or3A = arith.constant 1.000000e+00 : f32
              %reduce_or3A_201 = arith.constant 0.000000e+00 : f32
              %reduce_or3A_202 = vector.broadcast %reduce_or3A : f32 to vector<16xf32>
              %reduce_or3A_203 = vector.broadcast %reduce_or3A_201 : f32 to vector<16xf32>
              %reduce_or3A_204 = arith.select %ne3A_200, %reduce_or3A_202, %reduce_or3A_203 : vector<16xi1>, vector<16xf32>
              %reduce_or3A_205 = arith.constant true
              %reduce_or3A_206 = vector.broadcast %reduce_or3A_205 : i1 to vector<16xi1>
              %reduce_or3A_207 = tpu.scan <max>, %reduce_or3A_204 masked %reduce_or3A_206 : vector<16xf32>, vector<16xi1> -> vector<16xf32>
              %reduce_or3A_208 = vector.extract %reduce_or3A_207[15] : f32 from vector<16xf32>
              %reduce_or3A_209 = arith.constant 0.000000e+00 : f32
              %reduce_or3A_210 = arith.cmpf ogt, %reduce_or3A_208, %reduce_or3A_209 : f32
              scf.condition(%reduce_or3A_210) %while3A_198 : vector<16xi32>
            } do {
            ^bb0(%while3A_198: vector<16xi32>):
              %ne3A = arith.constant 0 : i32
              %ne3A_199 = vector.broadcast %ne3A : i32 to vector<16xi32>
              %ne3A_200 = arith.cmpi ne, %while3A_198, %ne3A_199 : vector<16xi32>
              tpu.vector_store_idx %arg13[%add3A_184], %add3A_191 masked %ne3A_200 : memref<8192xi32, #tpu.memory_space<vmem>>[vector<16xi32>], vector<16xi32>, vector<16xi1>
              %gather3A_201 = tpu.vector_load_idx %arg13[%add3A_184] : memref<8192xi32, #tpu.memory_space<vmem>>[vector<16xi32>], vector<16xi32>,
              %lt3A_202 = arith.cmpi slt, %add3A_191, %gather3A_201 : vector<16xi32>
              %and3A_203 = arith.andi %and3A_193, %lt3A_202 : vector<16xi1>
              %convert_element_type3A_204 = arith.extui %and3A_203 : vector<16xi1> to vector<16xi32>
              scf.yield %convert_element_type3A_204 : vector<16xi32>
            }
            %scan3A_197 = arith.constant 0 : i32
            scf.yield %scan3A_197 : i32
          }
          %scan3A_155 = arith.constant 256 : i32
          %scan3A_156 = arith.constant 0 : i32
          scf.yield %scan3A_156 : i32
        }
        %scan3A_143 = arith.constant 64 : i32
      } else {
      }
      %scan3A_64 = arith.constant 0 : i32
      %scan3A_65 = arith.constant 0 : i32
      %scan3A_66 = arith.constant 512 : i32
      %scan3A_67 = arith.addi %scan3A_65, %scan3A_66 : i32
      %scan3A_68 = arith.constant 1 : i32
      %scan3A_69 = scf.for %scan3A_137 = %scan3A_65 to %scan3A_67 step %scan3A_68 iter_args(%scan3A_138 = %scan3A_64) -> (i32)  : i32 {
        %mul3A_139 = arith.constant 16 : i32
        %mul3A_140 = arith.muli %scan3A_137, %mul3A_139 : i32
        %add3A_141 = vector.broadcast %mul3A_140 : i32 to vector<16xi32>
        %add3A_142 = arith.addi %add3A_141, %iota3A : vector<16xi32>
        %and3A = arith.constant 511 : i32
        %and3A_143 = vector.broadcast %and3A : i32 to vector<16xi32>
        %and3A_144 = arith.andi %add3A_142, %and3A_143 : vector<16xi32>
        %shift_right_logical3A = arith.constant 9 : i32
        %shift_right_logical3A_145 = vector.broadcast %shift_right_logical3A : i32 to vector<16xi32>
        %shift_right_logical3A_146 = arith.shrui %add3A_142, %shift_right_logical3A_145 : vector<16xi32>
        %mul3A_147 = arith.constant 512 : i32
        %mul3A_148 = vector.broadcast %mul3A_147 : i32 to vector<16xi32>
        %mul3A_149 = arith.muli %and3A_144, %mul3A_148 : vector<16xi32>
        %mul3A_150 = arith.constant 16 : i32
        %mul3A_151 = arith.muli %add3A, %mul3A_150 : i32
        %add3A_152 = vector.broadcast %mul3A_151 : i32 to vector<16xi32>
        %add3A_153 = arith.addi %mul3A_149, %add3A_152 : vector<16xi32>
        %add3A_154 = arith.addi %add3A_153, %shift_right_logical3A_146 : vector<16xi32>
        %mul3A_155 = arith.constant 16 : i32
        %mul3A_156 = arith.muli %scan3A_137, %mul3A_155 : i32
        %get3A = arith.index_cast %mul3A_156 : i32 to index
        %get3A_157 = tpu.vector_load %arg13[%get3A] {strides = array<i32>} : memref<8192xi32, #tpu.memory_space<vmem>>, vector<16xi32>,
        %lt3A = arith.constant 262144 : i32
        %lt3A_158 = vector.broadcast %lt3A : i32 to vector<16xi32>
        %lt3A_159 = arith.cmpi slt, %get3A_157, %lt3A_158 : vector<16xi32>
        %gt3A_160 = arith.constant 0 : i32
        %gt3A_161 = vector.broadcast %gt3A_160 : i32 to vector<16xi32>
        %gt3A_162 = arith.cmpi sgt, %add3A_154, %gt3A_161 : vector<16xi32>
        %and3A_163 = arith.andi %lt3A_159, %gt3A_162 : vector<16xi1>
        %mul3A_164 = arith.constant 16 : i32
        %mul3A_165 = vector.broadcast %mul3A_164 : i32 to vector<16xi32>
        %mul3A_166 = arith.muli %and3A_144, %mul3A_165 : vector<16xi32>
        %add3A_167 = arith.addi %mul3A_166, %shift_right_logical3A_146 : vector<16xi32>
        %select_n3A = arith.select %and3A_163, %get3A_157, %add3A_154 : vector<16xi1>, vector<16xi32>
        %mul3A_168 = arith.constant 3 : i32
        %mul3A_169 = arith.muli %scan3A_7, %mul3A_168 : i32
        %mul3A_170 = arith.constant 262144 : i32
        %mul3A_171 = arith.muli %mul3A_169, %mul3A_170 : i32
        %add3A_172 = vector.broadcast %mul3A_171 : i32 to vector<16xi32>
        %add3A_173 = arith.addi %select_n3A, %add3A_172 : vector<16xi32>
        tpu.vector_store_idx %arg14[%add3A_167], %add3A_173 : memref<8192xi32, #tpu.memory_space<vmem>>[vector<16xi32>], vector<16xi32>,
        %add3A_174 = arith.constant 262144 : i32
        %add3A_175 = vector.broadcast %add3A_174 : i32 to vector<16xi32>
        %add3A_176 = arith.addi %add3A_173, %add3A_175 : vector<16xi32>
        tpu.vector_store_idx %arg15[%add3A_167], %add3A_176 : memref<8192xi32, #tpu.memory_space<vmem>>[vector<16xi32>], vector<16xi32>,
        %add3A_177 = arith.constant 524288 : i32
        %add3A_178 = vector.broadcast %add3A_177 : i32 to vector<16xi32>
        %add3A_179 = arith.addi %add3A_173, %add3A_178 : vector<16xi32>
        tpu.vector_store_idx %arg16[%add3A_167], %add3A_179 : memref<8192xi32, #tpu.memory_space<vmem>>[vector<16xi32>], vector<16xi32>,
        %convert_element_type3A_180 = arith.extui %and3A_163 : vector<16xi1> to vector<16xi32>
        tpu.vector_store_idx %arg20[%add3A_167], %convert_element_type3A_180 : memref<8192xi32, #tpu.memory_space<vmem>>[vector<16xi32>], vector<16xi32>,
        %scan3A_181 = arith.constant 0 : i32
        scf.yield %scan3A_181 : i32
      }
      %scan3A_70 = arith.constant 512 : i32
      %dma_start3A = arith.constant 0 : i32
      %dma_start3A_71 = tpu.memref_slice %arg5[%dma_start3A] : memref<6291456xf32, #tpu.memory_space<hbm>> -> memref<6291456xf32, #tpu.memory_space<hbm>>
      tpu.enqueue_indirect_dma source(%dma_start3A_71 : memref<6291456xf32, #tpu.memory_space<hbm>>) target(%arg17 : memref<8192xf32, #tpu.memory_space<vmem>>) offsets(%arg14 : memref<8192xi32, #tpu.memory_space<vmem>>) semaphore(%arg24 : memref<!tpu.dma_semaphore, #tpu.memory_space<semaphore_mem>>)
      %dma_start3A_72 = arith.constant 0 : i32
      %dma_start3A_73 = tpu.memref_slice %arg5[%dma_start3A_72] : memref<6291456xf32, #tpu.memory_space<hbm>> -> memref<6291456xf32, #tpu.memory_space<hbm>>
      tpu.enqueue_indirect_dma source(%dma_start3A_73 : memref<6291456xf32, #tpu.memory_space<hbm>>) target(%arg18 : memref<8192xf32, #tpu.memory_space<vmem>>) offsets(%arg15 : memref<8192xi32, #tpu.memory_space<vmem>>) semaphore(%arg25 : memref<!tpu.dma_semaphore, #tpu.memory_space<semaphore_mem>>)
      %dma_start3A_74 = arith.constant 0 : i32
      %dma_start3A_75 = tpu.memref_slice %arg5[%dma_start3A_74] : memref<6291456xf32, #tpu.memory_space<hbm>> -> memref<6291456xf32, #tpu.memory_space<hbm>>
      tpu.enqueue_indirect_dma source(%dma_start3A_75 : memref<6291456xf32, #tpu.memory_space<hbm>>) target(%arg19 : memref<8192xf32, #tpu.memory_space<vmem>>) offsets(%arg16 : memref<8192xi32, #tpu.memory_space<vmem>>) semaphore(%arg26 : memref<!tpu.dma_semaphore, #tpu.memory_space<semaphore_mem>>)
      %dma_wait3A_76 = arith.constant 0 : i32
      %dma_wait3A_77 = tpu.memref_slice %arg5[%dma_wait3A_76] : memref<6291456xf32, #tpu.memory_space<hbm>> -> memref<6291456xf32, #tpu.memory_space<hbm>>
      tpu.wait_indirect_dma semaphore(%arg24 : memref<!tpu.dma_semaphore, #tpu.memory_space<semaphore_mem>>) src(%dma_wait3A_77 : memref<6291456xf32, #tpu.memory_space<hbm>>) dst(%arg17 : memref<8192xf32, #tpu.memory_space<vmem>>)
      %scan3A_78 = arith.constant 0 : i32
      %scan3A_79 = arith.constant 0 : i32
      %scan3A_80 = arith.constant 512 : i32
      %scan3A_81 = arith.addi %scan3A_79, %scan3A_80 : i32
      %scan3A_82 = arith.constant 1 : i32
      %scan3A_83 = scf.for %scan3A_137 = %scan3A_79 to %scan3A_81 step %scan3A_82 iter_args(%scan3A_138 = %scan3A_78) -> (i32)  : i32 {
        %mul3A_139 = arith.constant 16 : i32
        %mul3A_140 = arith.muli %scan3A_137, %mul3A_139 : i32
        %get3A = arith.index_cast %mul3A_140 : i32 to index
        %get3A_141 = tpu.vector_load %arg20[%get3A] {strides = array<i32>} : memref<8192xi32, #tpu.memory_space<vmem>>, vector<16xi32>,
        %ne3A = arith.constant 0 : i32
        %ne3A_142 = vector.broadcast %ne3A : i32 to vector<16xi32>
        %ne3A_143 = arith.cmpi ne, %get3A_141, %ne3A_142 : vector<16xi32>
        %mul3A_144 = arith.constant 16 : i32
        %mul3A_145 = arith.muli %scan3A_137, %mul3A_144 : i32
        %get3A_146 = arith.index_cast %mul3A_145 : i32 to index
        %get3A_147 = tpu.vector_load %arg17[%get3A_146] {strides = array<i32>} : memref<8192xf32, #tpu.memory_space<vmem>>, vector<16xf32>,
        %lt3A = arith.constant 1.000000e+04 : f32
        %lt3A_148 = vector.broadcast %lt3A : f32 to vector<16xf32>
        %lt3A_149 = arith.cmpf olt, %get3A_147, %lt3A_148 : vector<16xf32>
        %and3A = arith.andi %ne3A_143, %lt3A_149 : vector<16xi1>
        %jit3A = arith.constant 0.000000e+00 : f32
        %broadcast_in_dim3A = vector.broadcast %jit3A : f32 to vector<16xf32>
        %select_n3A = arith.select %and3A, %get3A_147, %broadcast_in_dim3A : vector<16xi1>, vector<16xf32>
        %mul3A_150 = arith.constant 16 : i32
        %mul3A_151 = arith.muli %scan3A_137, %mul3A_150 : i32
        %swap3A = arith.index_cast %mul3A_151 : i32 to index
        %swap3A_152 = tpu.vector_load %arg21[%swap3A] {strides = array<i32>} : memref<8192xf32, #tpu.memory_space<vmem>>, vector<16xf32>,
        tpu.vector_store %arg21[%swap3A], %select_n3A {strides = array<i32>} : memref<8192xf32, #tpu.memory_space<vmem>>, vector<16xf32>,
        %scan3A_153 = arith.constant 0 : i32
        scf.yield %scan3A_153 : i32
      }
      %scan3A_84 = arith.constant 512 : i32
      %mul3A_85 = arith.constant 8 : i32
      %mul3A_86 = arith.muli %add3A, %mul3A_85 : i32
      %mul3A_87 = arith.constant 3 : i32
      %mul3A_88 = arith.muli %mul3A_86, %mul3A_87 : i32
      %mul3A_89 = arith.constant 3 : i32
      %mul3A_90 = arith.muli %scan3A_7, %mul3A_89 : i32
      %add3A_91 = arith.addi %mul3A_88, %mul3A_90 : i32
      %add3A_92 = arith.constant 0 : i32
      %add3A_93 = arith.addi %add3A_91, %add3A_92 : i32
      %mul3A_94 = arith.constant 8192 : i32
      %mul3A_95 = arith.muli %add3A_93, %mul3A_94 : i32
      "tpu.region"() ({
        %run_scoped3A = tpu.sem_alloc : memref<!tpu.dma_semaphore, #tpu.memory_space<semaphore_mem>>
        %dma_start3A_137 = tpu.memref_slice %arg8[%mul3A_95] : memref<6291456xf32, #tpu.memory_space<hbm>> -> memref<8192xf32, #tpu.memory_space<hbm>>
        %dma_start3A_138 = tpu.memref_slice %arg8[%mul3A_95] : memref<6291456xf32, #tpu.memory_space<hbm>> -> memref<8192xf32, #tpu.memory_space<hbm>>
        tpu.enqueue_dma source(%arg21 : memref<8192xf32, #tpu.memory_space<vmem>>) target(%dma_start3A_138 : memref<8192xf32, #tpu.memory_space<hbm>>) target_semaphore(%run_scoped3A : memref<!tpu.dma_semaphore, #tpu.memory_space<semaphore_mem>>)
        %dma_wait3A_139 = tpu.memref_slice %arg8[%mul3A_95] : memref<6291456xf32, #tpu.memory_space<hbm>> -> memref<8192xf32, #tpu.memory_space<hbm>>
        %dma_wait3A_140 = tpu.memref_slice %arg8[%mul3A_95] : memref<6291456xf32, #tpu.memory_space<hbm>> -> memref<8192xf32, #tpu.memory_space<hbm>>
        tpu.wait_dma2 semaphore(%run_scoped3A : memref<!tpu.dma_semaphore, #tpu.memory_space<semaphore_mem>>) src(%arg21 : memref<8192xf32, #tpu.memory_space<vmem>>) dst(%dma_wait3A_140 : memref<8192xf32, #tpu.memory_space<hbm>>)
        tpu.yield
      }) : () -> ()
      %dma_wait3A_96 = arith.constant 0 : i32
      %dma_wait3A_97 = tpu.memref_slice %arg5[%dma_wait3A_96] : memref<6291456xf32, #tpu.memory_space<hbm>> -> memref<6291456xf32, #tpu.memory_space<hbm>>
      tpu.wait_indirect_dma semaphore(%arg25 : memref<!tpu.dma_semaphore, #tpu.memory_space<semaphore_mem>>) src(%dma_wait3A_97 : memref<6291456xf32, #tpu.memory_space<hbm>>) dst(%arg18 : memref<8192xf32, #tpu.memory_space<vmem>>)
      %scan3A_98 = arith.constant 0 : i32
      %scan3A_99 = arith.constant 0 : i32
      %scan3A_100 = arith.constant 512 : i32
      %scan3A_101 = arith.addi %scan3A_99, %scan3A_100 : i32
      %scan3A_102 = arith.constant 1 : i32
      %scan3A_103 = scf.for %scan3A_137 = %scan3A_99 to %scan3A_101 step %scan3A_102 iter_args(%scan3A_138 = %scan3A_98) -> (i32)  : i32 {
        %mul3A_139 = arith.constant 16 : i32
        %mul3A_140 = arith.muli %scan3A_137, %mul3A_139 : i32
        %get3A = arith.index_cast %mul3A_140 : i32 to index
        %get3A_141 = tpu.vector_load %arg20[%get3A] {strides = array<i32>} : memref<8192xi32, #tpu.memory_space<vmem>>, vector<16xi32>,
        %ne3A = arith.constant 0 : i32
        %ne3A_142 = vector.broadcast %ne3A : i32 to vector<16xi32>
        %ne3A_143 = arith.cmpi ne, %get3A_141, %ne3A_142 : vector<16xi32>
        %mul3A_144 = arith.constant 16 : i32
        %mul3A_145 = arith.muli %scan3A_137, %mul3A_144 : i32
        %get3A_146 = arith.index_cast %mul3A_145 : i32 to index
        %get3A_147 = tpu.vector_load %arg18[%get3A_146] {strides = array<i32>} : memref<8192xf32, #tpu.memory_space<vmem>>, vector<16xf32>,
        %lt3A = arith.constant 1.000000e+04 : f32
        %lt3A_148 = vector.broadcast %lt3A : f32 to vector<16xf32>
        %lt3A_149 = arith.cmpf olt, %get3A_147, %lt3A_148 : vector<16xf32>
        %and3A = arith.andi %ne3A_143, %lt3A_149 : vector<16xi1>
        %jit3A = arith.constant 0.000000e+00 : f32
        %broadcast_in_dim3A = vector.broadcast %jit3A : f32 to vector<16xf32>
        %select_n3A = arith.select %and3A, %get3A_147, %broadcast_in_dim3A : vector<16xi1>, vector<16xf32>
        %mul3A_150 = arith.constant 16 : i32
        %mul3A_151 = arith.muli %scan3A_137, %mul3A_150 : i32
        %swap3A = arith.index_cast %mul3A_151 : i32 to index
        %swap3A_152 = tpu.vector_load %arg21[%swap3A] {strides = array<i32>} : memref<8192xf32, #tpu.memory_space<vmem>>, vector<16xf32>,
        tpu.vector_store %arg21[%swap3A], %select_n3A {strides = array<i32>} : memref<8192xf32, #tpu.memory_space<vmem>>, vector<16xf32>,
        %scan3A_153 = arith.constant 0 : i32
        scf.yield %scan3A_153 : i32
      }
      %scan3A_104 = arith.constant 512 : i32
      %mul3A_105 = arith.constant 8 : i32
      %mul3A_106 = arith.muli %add3A, %mul3A_105 : i32
      %mul3A_107 = arith.constant 3 : i32
      %mul3A_108 = arith.muli %mul3A_106, %mul3A_107 : i32
      %mul3A_109 = arith.constant 3 : i32
      %mul3A_110 = arith.muli %scan3A_7, %mul3A_109 : i32
      %add3A_111 = arith.addi %mul3A_108, %mul3A_110 : i32
      %add3A_112 = arith.constant 1 : i32
      %add3A_113 = arith.addi %add3A_111, %add3A_112 : i32
      %mul3A_114 = arith.constant 8192 : i32
      %mul3A_115 = arith.muli %add3A_113, %mul3A_114 : i32
      "tpu.region"() ({
        %run_scoped3A = tpu.sem_alloc : memref<!tpu.dma_semaphore, #tpu.memory_space<semaphore_mem>>
        %dma_start3A_137 = tpu.memref_slice %arg8[%mul3A_115] : memref<6291456xf32, #tpu.memory_space<hbm>> -> memref<8192xf32, #tpu.memory_space<hbm>>
        %dma_start3A_138 = tpu.memref_slice %arg8[%mul3A_115] : memref<6291456xf32, #tpu.memory_space<hbm>> -> memref<8192xf32, #tpu.memory_space<hbm>>
        tpu.enqueue_dma source(%arg21 : memref<8192xf32, #tpu.memory_space<vmem>>) target(%dma_start3A_138 : memref<8192xf32, #tpu.memory_space<hbm>>) target_semaphore(%run_scoped3A : memref<!tpu.dma_semaphore, #tpu.memory_space<semaphore_mem>>)
        %dma_wait3A_139 = tpu.memref_slice %arg8[%mul3A_115] : memref<6291456xf32, #tpu.memory_space<hbm>> -> memref<8192xf32, #tpu.memory_space<hbm>>
        %dma_wait3A_140 = tpu.memref_slice %arg8[%mul3A_115] : memref<6291456xf32, #tpu.memory_space<hbm>> -> memref<8192xf32, #tpu.memory_space<hbm>>
        tpu.wait_dma2 semaphore(%run_scoped3A : memref<!tpu.dma_semaphore, #tpu.memory_space<semaphore_mem>>) src(%arg21 : memref<8192xf32, #tpu.memory_space<vmem>>) dst(%dma_wait3A_140 : memref<8192xf32, #tpu.memory_space<hbm>>)
        tpu.yield
      }) : () -> ()
      %dma_wait3A_116 = arith.constant 0 : i32
      %dma_wait3A_117 = tpu.memref_slice %arg5[%dma_wait3A_116] : memref<6291456xf32, #tpu.memory_space<hbm>> -> memref<6291456xf32, #tpu.memory_space<hbm>>
      tpu.wait_indirect_dma semaphore(%arg26 : memref<!tpu.dma_semaphore, #tpu.memory_space<semaphore_mem>>) src(%dma_wait3A_117 : memref<6291456xf32, #tpu.memory_space<hbm>>) dst(%arg19 : memref<8192xf32, #tpu.memory_space<vmem>>)
      %scan3A_118 = arith.constant 0 : i32
      %scan3A_119 = arith.constant 0 : i32
      %scan3A_120 = arith.constant 512 : i32
      %scan3A_121 = arith.addi %scan3A_119, %scan3A_120 : i32
      %scan3A_122 = arith.constant 1 : i32
      %scan3A_123 = scf.for %scan3A_137 = %scan3A_119 to %scan3A_121 step %scan3A_122 iter_args(%scan3A_138 = %scan3A_118) -> (i32)  : i32 {
        %mul3A_139 = arith.constant 16 : i32
        %mul3A_140 = arith.muli %scan3A_137, %mul3A_139 : i32
        %get3A = arith.index_cast %mul3A_140 : i32 to index
        %get3A_141 = tpu.vector_load %arg20[%get3A] {strides = array<i32>} : memref<8192xi32, #tpu.memory_space<vmem>>, vector<16xi32>,
        %ne3A = arith.constant 0 : i32
        %ne3A_142 = vector.broadcast %ne3A : i32 to vector<16xi32>
        %ne3A_143 = arith.cmpi ne, %get3A_141, %ne3A_142 : vector<16xi32>
        %mul3A_144 = arith.constant 16 : i32
        %mul3A_145 = arith.muli %scan3A_137, %mul3A_144 : i32
        %get3A_146 = arith.index_cast %mul3A_145 : i32 to index
        %get3A_147 = tpu.vector_load %arg19[%get3A_146] {strides = array<i32>} : memref<8192xf32, #tpu.memory_space<vmem>>, vector<16xf32>,
        %lt3A = arith.constant 1.000000e+04 : f32
        %lt3A_148 = vector.broadcast %lt3A : f32 to vector<16xf32>
        %lt3A_149 = arith.cmpf olt, %get3A_147, %lt3A_148 : vector<16xf32>
        %and3A = arith.andi %ne3A_143, %lt3A_149 : vector<16xi1>
        %jit3A = arith.constant 0.000000e+00 : f32
        %broadcast_in_dim3A = vector.broadcast %jit3A : f32 to vector<16xf32>
        %select_n3A = arith.select %and3A, %get3A_147, %broadcast_in_dim3A : vector<16xi1>, vector<16xf32>
        %mul3A_150 = arith.constant 16 : i32
        %mul3A_151 = arith.muli %scan3A_137, %mul3A_150 : i32
        %swap3A = arith.index_cast %mul3A_151 : i32 to index
        %swap3A_152 = tpu.vector_load %arg21[%swap3A] {strides = array<i32>} : memref<8192xf32, #tpu.memory_space<vmem>>, vector<16xf32>,
        tpu.vector_store %arg21[%swap3A], %select_n3A {strides = array<i32>} : memref<8192xf32, #tpu.memory_space<vmem>>, vector<16xf32>,
        %scan3A_153 = arith.constant 0 : i32
        scf.yield %scan3A_153 : i32
      }
      %scan3A_124 = arith.constant 512 : i32
      %mul3A_125 = arith.constant 8 : i32
      %mul3A_126 = arith.muli %add3A, %mul3A_125 : i32
      %mul3A_127 = arith.constant 3 : i32
      %mul3A_128 = arith.muli %mul3A_126, %mul3A_127 : i32
      %mul3A_129 = arith.constant 3 : i32
      %mul3A_130 = arith.muli %scan3A_7, %mul3A_129 : i32
      %add3A_131 = arith.addi %mul3A_128, %mul3A_130 : i32
      %add3A_132 = arith.constant 2 : i32
      %add3A_133 = arith.addi %add3A_131, %add3A_132 : i32
      %mul3A_134 = arith.constant 8192 : i32
      %mul3A_135 = arith.muli %add3A_133, %mul3A_134 : i32
      "tpu.region"() ({
        %run_scoped3A = tpu.sem_alloc : memref<!tpu.dma_semaphore, #tpu.memory_space<semaphore_mem>>
        %dma_start3A_137 = tpu.memref_slice %arg8[%mul3A_135] : memref<6291456xf32, #tpu.memory_space<hbm>> -> memref<8192xf32, #tpu.memory_space<hbm>>
        %dma_start3A_138 = tpu.memref_slice %arg8[%mul3A_135] : memref<6291456xf32, #tpu.memory_space<hbm>> -> memref<8192xf32, #tpu.memory_space<hbm>>
        tpu.enqueue_dma source(%arg21 : memref<8192xf32, #tpu.memory_space<vmem>>) target(%dma_start3A_138 : memref<8192xf32, #tpu.memory_space<hbm>>) target_semaphore(%run_scoped3A : memref<!tpu.dma_semaphore, #tpu.memory_space<semaphore_mem>>)
        %dma_wait3A_139 = tpu.memref_slice %arg8[%mul3A_135] : memref<6291456xf32, #tpu.memory_space<hbm>> -> memref<8192xf32, #tpu.memory_space<hbm>>
        %dma_wait3A_140 = tpu.memref_slice %arg8[%mul3A_135] : memref<6291456xf32, #tpu.memory_space<hbm>> -> memref<8192xf32, #tpu.memory_space<hbm>>
        tpu.wait_dma2 semaphore(%run_scoped3A : memref<!tpu.dma_semaphore, #tpu.memory_space<semaphore_mem>>) src(%arg21 : memref<8192xf32, #tpu.memory_space<vmem>>) dst(%dma_wait3A_140 : memref<8192xf32, #tpu.memory_space<hbm>>)
        tpu.yield
      }) : () -> ()
      %scan3A_136 = arith.constant 0 : i32
      scf.yield %scan3A_136 : i32
    }
    %scan3A_6 = arith.constant 8 : i32
    return
  }
}

#map = affine_map<(d0, d1) -> (0)>
module attributes {stable_mosaic.version = 14 : i64} {
  func.func @_bin_body(%arg0: i32, %arg1: i32, %arg2: memref<2097152xi32, #tpu.memory_space<hbm>>, %arg3: memref<2097152xf32, #tpu.memory_space<hbm>>, %arg4: memref<1572864xi32, #tpu.memory_space<hbm>>, %arg5: memref<1572864xf32, #tpu.memory_space<hbm>>, %arg6: memref<2048xi32, #tpu.memory_space<hbm>>, %arg7: memref<4096xi32, #tpu.memory_space<vmem>>, %arg8: memref<4096xf32, #tpu.memory_space<vmem>>, %arg9: memref<64xi32, #tpu.memory_space<vmem>>, %arg10: memref<24576xi32, #tpu.memory_space<vmem>>, %arg11: memref<24576xf32, #tpu.memory_space<vmem>>, %arg12: memref<!tpu.dma_semaphore, #tpu.memory_space<semaphore_mem>>) attributes {dimension_semantics = [#tpu.dimension_semantics<core_parallel>, #tpu.dimension_semantics<subcore_parallel>], iteration_bounds = array<i64: 2, 16>, scalar_prefetch = 0 : i64, scratch_operands = 6 : i64, tpu.core_type = #tpu.core_type<sc_vector_subcore>, window_params = [{transform_indices = #map}, {transform_indices = #map}, {transform_indices = #map}, {transform_indices = #map}, {transform_indices = #map}]} {
    %mul3A = arith.constant 2 : i32
    %mul3A_0 = arith.muli %arg1, %mul3A : i32
    %add3A = arith.addi %mul3A_0, %arg0 : i32
    %iota3A = tpu.iota {dimensions = array<i32: 0>} : vector<16xi32>
    %scan3A = arith.constant 0 : i32
    %scan3A_1 = arith.constant 0 : i32
    %scan3A_2 = arith.constant 2 : i32
    %scan3A_3 = arith.addi %scan3A_1, %scan3A_2 : i32
    %scan3A_4 = arith.constant 1 : i32
    %scan3A_5 = scf.for %scan3A_7 = %scan3A_1 to %scan3A_3 step %scan3A_4 iter_args(%scan3A_8 = %scan3A) -> (i32)  : i32 {
      %mul3A_9 = arith.constant 2 : i32
      %mul3A_10 = arith.muli %add3A, %mul3A_9 : i32
      %add3A_11 = arith.addi %mul3A_10, %scan3A_7 : i32
      %mul3A_12 = arith.constant 32768 : i32
      %mul3A_13 = arith.muli %add3A_11, %mul3A_12 : i32
      %jit3A = arith.constant 8 : i32
      %eq3A = arith.constant 0 : i32
      %eq3A_14 = arith.cmpi eq, %jit3A, %eq3A : i32
      %jit3A_15 = arith.constant 1 : i32
      %select_n3A = arith.select %eq3A_14, %jit3A_15, %jit3A : i32
      %rem3A = arith.remsi %add3A_11, %select_n3A : i32
      %ne3A = arith.constant 0 : i32
      %ne3A_16 = arith.cmpi ne, %rem3A, %ne3A : i32
      %lt3A = arith.constant 0 : i32
      %lt3A_17 = arith.cmpi slt, %rem3A, %lt3A : i32
      %lt3A_18 = arith.constant 0 : i32
      %lt3A_19 = arith.cmpi slt, %select_n3A, %lt3A_18 : i32
      %ne3A_20 = arith.xori %lt3A_17, %lt3A_19 : i1
      %and3A = arith.andi %ne3A_20, %ne3A_16 : i1
      %add3A_21 = arith.addi %rem3A, %select_n3A : i32
      %select_n3A_22 = arith.select %and3A, %add3A_21, %rem3A : i32
      %mul3A_23 = arith.constant 32768 : i32
      %mul3A_24 = arith.muli %select_n3A_22, %mul3A_23 : i32
      %broadcast_in_dim3A = arith.constant 0 : i32
      %broadcast_in_dim3A_25 = vector.broadcast %broadcast_in_dim3A : i32 to vector<16xi32>
      %swap3A = arith.constant 0 : index
      %swap3A_26 = tpu.vector_load %arg9[%swap3A] {strides = array<i32>} : memref<64xi32, #tpu.memory_space<vmem>>, vector<16xi32>,
      tpu.vector_store %arg9[%swap3A], %broadcast_in_dim3A_25 {strides = array<i32>} : memref<64xi32, #tpu.memory_space<vmem>>, vector<16xi32>,
      %broadcast_in_dim3A_27 = arith.constant 0 : i32
      %broadcast_in_dim3A_28 = vector.broadcast %broadcast_in_dim3A_27 : i32 to vector<16xi32>
      %swap3A_29 = arith.constant 16 : index
      %swap3A_30 = tpu.vector_load %arg9[%swap3A_29] {strides = array<i32>} : memref<64xi32, #tpu.memory_space<vmem>>, vector<16xi32>,
      tpu.vector_store %arg9[%swap3A_29], %broadcast_in_dim3A_28 {strides = array<i32>} : memref<64xi32, #tpu.memory_space<vmem>>, vector<16xi32>,
      %broadcast_in_dim3A_31 = arith.constant 0 : i32
      %broadcast_in_dim3A_32 = vector.broadcast %broadcast_in_dim3A_31 : i32 to vector<16xi32>
      %swap3A_33 = arith.constant 32 : index
      %swap3A_34 = tpu.vector_load %arg9[%swap3A_33] {strides = array<i32>} : memref<64xi32, #tpu.memory_space<vmem>>, vector<16xi32>,
      tpu.vector_store %arg9[%swap3A_33], %broadcast_in_dim3A_32 {strides = array<i32>} : memref<64xi32, #tpu.memory_space<vmem>>, vector<16xi32>,
      %broadcast_in_dim3A_35 = arith.constant 0 : i32
      %broadcast_in_dim3A_36 = vector.broadcast %broadcast_in_dim3A_35 : i32 to vector<16xi32>
      %swap3A_37 = arith.constant 48 : index
      %swap3A_38 = tpu.vector_load %arg9[%swap3A_37] {strides = array<i32>} : memref<64xi32, #tpu.memory_space<vmem>>, vector<16xi32>,
      tpu.vector_store %arg9[%swap3A_37], %broadcast_in_dim3A_36 {strides = array<i32>} : memref<64xi32, #tpu.memory_space<vmem>>, vector<16xi32>,
      %scan3A_39 = arith.constant 0 : i32
      %scan3A_40 = arith.constant 0 : i32
      %scan3A_41 = arith.constant 8 : i32
      %scan3A_42 = arith.addi %scan3A_40, %scan3A_41 : i32
      %scan3A_43 = arith.constant 1 : i32
      %scan3A_44 = scf.for %scan3A_57 = %scan3A_40 to %scan3A_42 step %scan3A_43 iter_args(%scan3A_58 = %scan3A_39) -> (i32)  : i32 {
        %mul3A_59 = arith.constant 4096 : i32
        %mul3A_60 = arith.muli %scan3A_57, %mul3A_59 : i32
        %add3A_61 = arith.addi %mul3A_13, %mul3A_60 : i32
        "tpu.region"() ({
          %run_scoped3A = tpu.sem_alloc : memref<!tpu.dma_semaphore, #tpu.memory_space<semaphore_mem>>
          %dma_start3A = tpu.memref_slice %arg2[%add3A_61] : memref<2097152xi32, #tpu.memory_space<hbm>> -> memref<4096xi32, #tpu.memory_space<hbm>>
          %dma_start3A_70 = tpu.memref_slice %arg2[%add3A_61] : memref<2097152xi32, #tpu.memory_space<hbm>> -> memref<4096xi32, #tpu.memory_space<hbm>>
          tpu.enqueue_dma source(%dma_start3A_70 : memref<4096xi32, #tpu.memory_space<hbm>>) target(%arg7 : memref<4096xi32, #tpu.memory_space<vmem>>) target_semaphore(%run_scoped3A : memref<!tpu.dma_semaphore, #tpu.memory_space<semaphore_mem>>)
          %dma_wait3A = tpu.memref_slice %arg2[%add3A_61] : memref<2097152xi32, #tpu.memory_space<hbm>> -> memref<4096xi32, #tpu.memory_space<hbm>>
          %dma_wait3A_71 = tpu.memref_slice %arg2[%add3A_61] : memref<2097152xi32, #tpu.memory_space<hbm>> -> memref<4096xi32, #tpu.memory_space<hbm>>
          tpu.wait_dma2 semaphore(%run_scoped3A : memref<!tpu.dma_semaphore, #tpu.memory_space<semaphore_mem>>) src(%dma_wait3A_71 : memref<4096xi32, #tpu.memory_space<hbm>>) dst(%arg7 : memref<4096xi32, #tpu.memory_space<vmem>>)
          tpu.yield
        }) : () -> ()
        "tpu.region"() ({
          %run_scoped3A = tpu.sem_alloc : memref<!tpu.dma_semaphore, #tpu.memory_space<semaphore_mem>>
          %dma_start3A = tpu.memref_slice %arg3[%add3A_61] : memref<2097152xf32, #tpu.memory_space<hbm>> -> memref<4096xf32, #tpu.memory_space<hbm>>
          %dma_start3A_70 = tpu.memref_slice %arg3[%add3A_61] : memref<2097152xf32, #tpu.memory_space<hbm>> -> memref<4096xf32, #tpu.memory_space<hbm>>
          tpu.enqueue_dma source(%dma_start3A_70 : memref<4096xf32, #tpu.memory_space<hbm>>) target(%arg8 : memref<4096xf32, #tpu.memory_space<vmem>>) target_semaphore(%run_scoped3A : memref<!tpu.dma_semaphore, #tpu.memory_space<semaphore_mem>>)
          %dma_wait3A = tpu.memref_slice %arg3[%add3A_61] : memref<2097152xf32, #tpu.memory_space<hbm>> -> memref<4096xf32, #tpu.memory_space<hbm>>
          %dma_wait3A_71 = tpu.memref_slice %arg3[%add3A_61] : memref<2097152xf32, #tpu.memory_space<hbm>> -> memref<4096xf32, #tpu.memory_space<hbm>>
          tpu.wait_dma2 semaphore(%run_scoped3A : memref<!tpu.dma_semaphore, #tpu.memory_space<semaphore_mem>>) src(%dma_wait3A_71 : memref<4096xf32, #tpu.memory_space<hbm>>) dst(%arg8 : memref<4096xf32, #tpu.memory_space<vmem>>)
          tpu.yield
        }) : () -> ()
        %scan3A_62 = arith.constant 0 : i32
        %scan3A_63 = arith.constant 0 : i32
        %scan3A_64 = arith.constant 256 : i32
        %scan3A_65 = arith.addi %scan3A_63, %scan3A_64 : i32
        %scan3A_66 = arith.constant 1 : i32
        %scan3A_67 = scf.for %scan3A_70 = %scan3A_63 to %scan3A_65 step %scan3A_66 iter_args(%scan3A_71 = %scan3A_62) -> (i32)  : i32 {
          %mul3A_72 = arith.constant 16 : i32
          %mul3A_73 = arith.muli %scan3A_70, %mul3A_72 : i32
          %get3A = arith.index_cast %mul3A_73 : i32 to index
          %get3A_74 = tpu.vector_load %arg7[%get3A] {strides = array<i32>} : memref<4096xi32, #tpu.memory_space<vmem>>, vector<16xi32>,
          %mul3A_75 = arith.constant 16 : i32
          %mul3A_76 = arith.muli %scan3A_70, %mul3A_75 : i32
          %get3A_77 = arith.index_cast %mul3A_76 : i32 to index
          %get3A_78 = tpu.vector_load %arg8[%get3A_77] {strides = array<i32>} : memref<4096xf32, #tpu.memory_space<vmem>>, vector<16xf32>,
          %gt3A = arith.constant 0.000000e+00 : f32
          %gt3A_79 = vector.broadcast %gt3A : f32 to vector<16xf32>
          %gt3A_80 = arith.cmpf ogt, %get3A_78, %gt3A_79 : vector<16xf32>
          %shift_right_logical3A = arith.constant 4 : i32
          %shift_right_logical3A_81 = vector.broadcast %shift_right_logical3A : i32 to vector<16xi32>
          %shift_right_logical3A_82 = arith.shrui %get3A_74, %shift_right_logical3A_81 : vector<16xi32>
          %and3A_83 = arith.constant 31 : i32
          %and3A_84 = vector.broadcast %and3A_83 : i32 to vector<16xi32>
          %and3A_85 = arith.andi %shift_right_logical3A_82, %and3A_84 : vector<16xi32>
          %jit3A_86 = arith.constant 63 : i32
          %broadcast_in_dim3A_87 = vector.broadcast %jit3A_86 : i32 to vector<16xi32>
          %select_n3A_88 = arith.select %gt3A_80, %and3A_85, %broadcast_in_dim3A_87 : vector<16xi1>, vector<16xi32>
          %mul3A_89 = arith.constant 4096 : i32
          %mul3A_90 = arith.muli %scan3A_57, %mul3A_89 : i32
          %add3A_91 = arith.addi %mul3A_24, %mul3A_90 : i32
          %mul3A_92 = arith.constant 16 : i32
          %mul3A_93 = arith.muli %scan3A_70, %mul3A_92 : i32
          %add3A_94 = arith.addi %add3A_91, %mul3A_93 : i32
          %add3A_95 = vector.broadcast %add3A_94 : i32 to vector<16xi32>
          %add3A_96 = arith.addi %add3A_95, %iota3A : vector<16xi32>
          %and3A_97 = arith.constant 15 : i32
          %and3A_98 = vector.broadcast %and3A_97 : i32 to vector<16xi32>
          %and3A_99 = arith.andi %get3A_74, %and3A_98 : vector<16xi32>
          %mul3A_100 = arith.constant 512 : i32
          %mul3A_101 = vector.broadcast %mul3A_100 : i32 to vector<16xi32>
          %mul3A_102 = arith.muli %and3A_99, %mul3A_101 : vector<16xi32>
          %shift_right_logical3A_103 = arith.constant 9 : i32
          %shift_right_logical3A_104 = vector.broadcast %shift_right_logical3A_103 : i32 to vector<16xi32>
          %shift_right_logical3A_105 = arith.shrui %get3A_74, %shift_right_logical3A_104 : vector<16xi32>
          %add3A_106 = arith.addi %mul3A_102, %shift_right_logical3A_105 : vector<16xi32>
          %shift_left3A = arith.constant 18 : i32
          %shift_left3A_107 = vector.broadcast %shift_left3A : i32 to vector<16xi32>
          %shift_left3A_108 = arith.shli %add3A_106, %shift_left3A_107 : vector<16xi32>
          %or3A = arith.ori %shift_left3A_108, %add3A_96 : vector<16xi32>
          %masked_sort3A = arith.constant dense<true> : vector<16xi1>
          %masked_sort3A_109 = arith.constant -2147483648 : i32
          %masked_sort3A_110 = vector.broadcast %masked_sort3A_109 : i32 to vector<16xi32>
          %masked_sort3A_111 = arith.xori %select_n3A_88, %masked_sort3A_110 : vector<16xi32>
          %masked_sort3A_112, %masked_sort3A_113, %masked_sort3A_114 = tpu.sort %masked_sort3A_111, %iota3A masked %masked_sort3A : (vector<16xi32>, vector<16xi32>, vector<16xi1>) -> (vector<16xi1>, vector<16xi32>, vector<16xi32>)
          %masked_sort3A_115 = arith.xori %masked_sort3A_113, %masked_sort3A_110 : vector<16xi32>
          %lt3A_116 = arith.constant 0 : i32
          %lt3A_117 = vector.broadcast %lt3A_116 : i32 to vector<16xi32>
          %lt3A_118 = arith.cmpi slt, %masked_sort3A_114, %lt3A_117 : vector<16xi32>
          %add3A_119 = arith.constant 16 : i32
          %add3A_120 = vector.broadcast %add3A_119 : i32 to vector<16xi32>
          %add3A_121 = arith.addi %masked_sort3A_114, %add3A_120 : vector<16xi32>
          %select_n3A_122 = arith.select %lt3A_118, %add3A_121, %masked_sort3A_114 : vector<16xi1>, vector<16xi32>
          %broadcast_in_dim3A_123 = vector.shape_cast %select_n3A_122 : vector<16xi32> to vector<16x1xi32>
          %gather3A = vector.shape_cast %broadcast_in_dim3A_123 : vector<16x1xi32> to vector<16xi32>
          %gather3A_124 = tpu.dynamic_gather %get3A_78[%gather3A] in [0] : vector<16xf32>, vector<16xi32> -> vector<16xf32>
          %lt3A_125 = arith.constant 0 : i32
          %lt3A_126 = vector.broadcast %lt3A_125 : i32 to vector<16xi32>
          %lt3A_127 = arith.cmpi slt, %masked_sort3A_114, %lt3A_126 : vector<16xi32>
          %add3A_128 = arith.constant 16 : i32
          %add3A_129 = vector.broadcast %add3A_128 : i32 to vector<16xi32>
          %add3A_130 = arith.addi %masked_sort3A_114, %add3A_129 : vector<16xi32>
          %select_n3A_131 = arith.select %lt3A_127, %add3A_130, %masked_sort3A_114 : vector<16xi1>, vector<16xi32>
          %broadcast_in_dim3A_132 = vector.shape_cast %select_n3A_131 : vector<16xi32> to vector<16x1xi32>
          %gather3A_133 = vector.shape_cast %broadcast_in_dim3A_132 : vector<16x1xi32> to vector<16xi32>
          %gather3A_134 = tpu.dynamic_gather %or3A[%gather3A_133] in [0] : vector<16xi32>, vector<16xi32> -> vector<16xi32>
          %lt3A_135 = arith.constant 32 : i32
          %lt3A_136 = vector.broadcast %lt3A_135 : i32 to vector<16xi32>
          %lt3A_137 = arith.cmpi slt, %masked_sort3A_115, %lt3A_136 : vector<16xi32>
          %sub3A = arith.constant 1 : i32
          %sub3A_138 = vector.broadcast %sub3A : i32 to vector<16xi32>
          %sub3A_139 = arith.subi %iota3A, %sub3A_138 : vector<16xi32>
          %max3A = arith.constant 0 : i32
          %max3A_140 = vector.broadcast %max3A : i32 to vector<16xi32>
          %max3A_141 = arith.maxsi %sub3A_139, %max3A_140 : vector<16xi32>
          %lt3A_142 = arith.constant 0 : i32
          %lt3A_143 = vector.broadcast %lt3A_142 : i32 to vector<16xi32>
          %lt3A_144 = arith.cmpi slt, %max3A_141, %lt3A_143 : vector<16xi32>
          %add3A_145 = arith.constant 16 : i32
          %add3A_146 = vector.broadcast %add3A_145 : i32 to vector<16xi32>
          %add3A_147 = arith.addi %max3A_141, %add3A_146 : vector<16xi32>
          %select_n3A_148 = arith.select %lt3A_144, %add3A_147, %max3A_141 : vector<16xi1>, vector<16xi32>
          %broadcast_in_dim3A_149 = vector.shape_cast %select_n3A_148 : vector<16xi32> to vector<16x1xi32>
          %gather3A_150 = vector.shape_cast %broadcast_in_dim3A_149 : vector<16x1xi32> to vector<16xi32>
          %gather3A_151 = tpu.dynamic_gather %masked_sort3A_115[%gather3A_150] in [0] : vector<16xi32>, vector<16xi32> -> vector<16xi32>
          %eq3A_152 = arith.cmpi eq, %masked_sort3A_115, %gather3A_151 : vector<16xi32>
          %ge3A = arith.constant 1 : i32
          %ge3A_153 = vector.broadcast %ge3A : i32 to vector<16xi32>
          %ge3A_154 = arith.cmpi sge, %iota3A, %ge3A_153 : vector<16xi32>
          %and3A_155 = arith.andi %eq3A_152, %ge3A_154 : vector<16xi1>
          %convert_element_type3A = arith.extui %and3A_155 : vector<16xi1> to vector<16xi32>
          %sub3A_156 = arith.constant 1 : i32
          %sub3A_157 = vector.broadcast %sub3A_156 : i32 to vector<16xi32>
          %sub3A_158 = arith.subi %iota3A, %sub3A_157 : vector<16xi32>
          %max3A_159 = arith.constant 0 : i32
          %max3A_160 = vector.broadcast %max3A_159 : i32 to vector<16xi32>
          %max3A_161 = arith.maxsi %sub3A_158, %max3A_160 : vector<16xi32>
          %ne3A_162 = arith.constant 0 : i32
          %ne3A_163 = vector.broadcast %ne3A_162 : i32 to vector<16xi32>
          %ne3A_164 = arith.cmpi ne, %convert_element_type3A, %ne3A_163 : vector<16xi32>
          %lt3A_165 = arith.constant 0 : i32
          %lt3A_166 = vector.broadcast %lt3A_165 : i32 to vector<16xi32>
          %lt3A_167 = arith.cmpi slt, %max3A_161, %lt3A_166 : vector<16xi32>
          %add3A_168 = arith.constant 16 : i32
          %add3A_169 = vector.broadcast %add3A_168 : i32 to vector<16xi32>
          %add3A_170 = arith.addi %max3A_161, %add3A_169 : vector<16xi32>
          %select_n3A_171 = arith.select %lt3A_167, %add3A_170, %max3A_161 : vector<16xi1>, vector<16xi32>
          %broadcast_in_dim3A_172 = vector.shape_cast %select_n3A_171 : vector<16xi32> to vector<16x1xi32>
          %gather3A_173 = vector.shape_cast %broadcast_in_dim3A_172 : vector<16x1xi32> to vector<16xi32>
          %gather3A_174 = tpu.dynamic_gather %iota3A[%gather3A_173] in [0] : vector<16xi32>, vector<16xi32> -> vector<16xi32>
          %select_n3A_175 = arith.select %ne3A_164, %gather3A_174, %iota3A : vector<16xi1>, vector<16xi32>
          %lt3A_176 = arith.constant 0 : i32
          %lt3A_177 = vector.broadcast %lt3A_176 : i32 to vector<16xi32>
          %lt3A_178 = arith.cmpi slt, %max3A_161, %lt3A_177 : vector<16xi32>
          %add3A_179 = arith.constant 16 : i32
          %add3A_180 = vector.broadcast %add3A_179 : i32 to vector<16xi32>
          %add3A_181 = arith.addi %max3A_161, %add3A_180 : vector<16xi32>
          %select_n3A_182 = arith.select %lt3A_178, %add3A_181, %max3A_161 : vector<16xi1>, vector<16xi32>
          %broadcast_in_dim3A_183 = vector.shape_cast %select_n3A_182 : vector<16xi32> to vector<16x1xi32>
          %gather3A_184 = vector.shape_cast %broadcast_in_dim3A_183 : vector<16x1xi32> to vector<16xi32>
          %gather3A_185 = tpu.dynamic_gather %convert_element_type3A[%gather3A_184] in [0] : vector<16xi32>, vector<16xi32> -> vector<16xi32>
          %and3A_186 = arith.andi %convert_element_type3A, %gather3A_185 : vector<16xi32>
          %sub3A_187 = arith.constant 2 : i32
          %sub3A_188 = vector.broadcast %sub3A_187 : i32 to vector<16xi32>
          %sub3A_189 = arith.subi %iota3A, %sub3A_188 : vector<16xi32>
          %max3A_190 = arith.constant 0 : i32
          %max3A_191 = vector.broadcast %max3A_190 : i32 to vector<16xi32>
          %max3A_192 = arith.maxsi %sub3A_189, %max3A_191 : vector<16xi32>
          %ne3A_193 = arith.constant 0 : i32
          %ne3A_194 = vector.broadcast %ne3A_193 : i32 to vector<16xi32>
          %ne3A_195 = arith.cmpi ne, %and3A_186, %ne3A_194 : vector<16xi32>
          %lt3A_196 = arith.constant 0 : i32
          %lt3A_197 = vector.broadcast %lt3A_196 : i32 to vector<16xi32>
          %lt3A_198 = arith.cmpi slt, %max3A_192, %lt3A_197 : vector<16xi32>
          %add3A_199 = arith.constant 16 : i32
          %add3A_200 = vector.broadcast %add3A_199 : i32 to vector<16xi32>
          %add3A_201 = arith.addi %max3A_192, %add3A_200 : vector<16xi32>
          %select_n3A_202 = arith.select %lt3A_198, %add3A_201, %max3A_192 : vector<16xi1>, vector<16xi32>
          %broadcast_in_dim3A_203 = vector.shape_cast %select_n3A_202 : vector<16xi32> to vector<16x1xi32>
          %gather3A_204 = vector.shape_cast %broadcast_in_dim3A_203 : vector<16x1xi32> to vector<16xi32>
          %gather3A_205 = tpu.dynamic_gather %select_n3A_175[%gather3A_204] in [0] : vector<16xi32>, vector<16xi32> -> vector<16xi32>
          %select_n3A_206 = arith.select %ne3A_195, %gather3A_205, %select_n3A_175 : vector<16xi1>, vector<16xi32>
          %lt3A_207 = arith.constant 0 : i32
          %lt3A_208 = vector.broadcast %lt3A_207 : i32 to vector<16xi32>
          %lt3A_209 = arith.cmpi slt, %max3A_192, %lt3A_208 : vector<16xi32>
          %add3A_210 = arith.constant 16 : i32
          %add3A_211 = vector.broadcast %add3A_210 : i32 to vector<16xi32>
          %add3A_212 = arith.addi %max3A_192, %add3A_211 : vector<16xi32>
          %select_n3A_213 = arith.select %lt3A_209, %add3A_212, %max3A_192 : vector<16xi1>, vector<16xi32>
          %broadcast_in_dim3A_214 = vector.shape_cast %select_n3A_213 : vector<16xi32> to vector<16x1xi32>
          %gather3A_215 = vector.shape_cast %broadcast_in_dim3A_214 : vector<16x1xi32> to vector<16xi32>
          %gather3A_216 = tpu.dynamic_gather %and3A_186[%gather3A_215] in [0] : vector<16xi32>, vector<16xi32> -> vector<16xi32>
          %and3A_217 = arith.andi %and3A_186, %gather3A_216 : vector<16xi32>
          %sub3A_218 = arith.constant 4 : i32
          %sub3A_219 = vector.broadcast %sub3A_218 : i32 to vector<16xi32>
          %sub3A_220 = arith.subi %iota3A, %sub3A_219 : vector<16xi32>
          %max3A_221 = arith.constant 0 : i32
          %max3A_222 = vector.broadcast %max3A_221 : i32 to vector<16xi32>
          %max3A_223 = arith.maxsi %sub3A_220, %max3A_222 : vector<16xi32>
          %ne3A_224 = arith.constant 0 : i32
          %ne3A_225 = vector.broadcast %ne3A_224 : i32 to vector<16xi32>
          %ne3A_226 = arith.cmpi ne, %and3A_217, %ne3A_225 : vector<16xi32>
          %lt3A_227 = arith.constant 0 : i32
          %lt3A_228 = vector.broadcast %lt3A_227 : i32 to vector<16xi32>
          %lt3A_229 = arith.cmpi slt, %max3A_223, %lt3A_228 : vector<16xi32>
          %add3A_230 = arith.constant 16 : i32
          %add3A_231 = vector.broadcast %add3A_230 : i32 to vector<16xi32>
          %add3A_232 = arith.addi %max3A_223, %add3A_231 : vector<16xi32>
          %select_n3A_233 = arith.select %lt3A_229, %add3A_232, %max3A_223 : vector<16xi1>, vector<16xi32>
          %broadcast_in_dim3A_234 = vector.shape_cast %select_n3A_233 : vector<16xi32> to vector<16x1xi32>
          %gather3A_235 = vector.shape_cast %broadcast_in_dim3A_234 : vector<16x1xi32> to vector<16xi32>
          %gather3A_236 = tpu.dynamic_gather %select_n3A_206[%gather3A_235] in [0] : vector<16xi32>, vector<16xi32> -> vector<16xi32>
          %select_n3A_237 = arith.select %ne3A_226, %gather3A_236, %select_n3A_206 : vector<16xi1>, vector<16xi32>
          %lt3A_238 = arith.constant 0 : i32
          %lt3A_239 = vector.broadcast %lt3A_238 : i32 to vector<16xi32>
          %lt3A_240 = arith.cmpi slt, %max3A_223, %lt3A_239 : vector<16xi32>
          %add3A_241 = arith.constant 16 : i32
          %add3A_242 = vector.broadcast %add3A_241 : i32 to vector<16xi32>
          %add3A_243 = arith.addi %max3A_223, %add3A_242 : vector<16xi32>
          %select_n3A_244 = arith.select %lt3A_240, %add3A_243, %max3A_223 : vector<16xi1>, vector<16xi32>
          %broadcast_in_dim3A_245 = vector.shape_cast %select_n3A_244 : vector<16xi32> to vector<16x1xi32>
          %gather3A_246 = vector.shape_cast %broadcast_in_dim3A_245 : vector<16x1xi32> to vector<16xi32>
          %gather3A_247 = tpu.dynamic_gather %and3A_217[%gather3A_246] in [0] : vector<16xi32>, vector<16xi32> -> vector<16xi32>
          %and3A_248 = arith.andi %and3A_217, %gather3A_247 : vector<16xi32>
          %sub3A_249 = arith.constant 8 : i32
          %sub3A_250 = vector.broadcast %sub3A_249 : i32 to vector<16xi32>
          %sub3A_251 = arith.subi %iota3A, %sub3A_250 : vector<16xi32>
          %max3A_252 = arith.constant 0 : i32
          %max3A_253 = vector.broadcast %max3A_252 : i32 to vector<16xi32>
          %max3A_254 = arith.maxsi %sub3A_251, %max3A_253 : vector<16xi32>
          %ne3A_255 = arith.constant 0 : i32
          %ne3A_256 = vector.broadcast %ne3A_255 : i32 to vector<16xi32>
          %ne3A_257 = arith.cmpi ne, %and3A_248, %ne3A_256 : vector<16xi32>
          %lt3A_258 = arith.constant 0 : i32
          %lt3A_259 = vector.broadcast %lt3A_258 : i32 to vector<16xi32>
          %lt3A_260 = arith.cmpi slt, %max3A_254, %lt3A_259 : vector<16xi32>
          %add3A_261 = arith.constant 16 : i32
          %add3A_262 = vector.broadcast %add3A_261 : i32 to vector<16xi32>
          %add3A_263 = arith.addi %max3A_254, %add3A_262 : vector<16xi32>
          %select_n3A_264 = arith.select %lt3A_260, %add3A_263, %max3A_254 : vector<16xi1>, vector<16xi32>
          %broadcast_in_dim3A_265 = vector.shape_cast %select_n3A_264 : vector<16xi32> to vector<16x1xi32>
          %gather3A_266 = vector.shape_cast %broadcast_in_dim3A_265 : vector<16x1xi32> to vector<16xi32>
          %gather3A_267 = tpu.dynamic_gather %select_n3A_237[%gather3A_266] in [0] : vector<16xi32>, vector<16xi32> -> vector<16xi32>
          %select_n3A_268 = arith.select %ne3A_257, %gather3A_267, %select_n3A_237 : vector<16xi1>, vector<16xi32>
          %lt3A_269 = arith.constant 0 : i32
          %lt3A_270 = vector.broadcast %lt3A_269 : i32 to vector<16xi32>
          %lt3A_271 = arith.cmpi slt, %max3A_254, %lt3A_270 : vector<16xi32>
          %add3A_272 = arith.constant 16 : i32
          %add3A_273 = vector.broadcast %add3A_272 : i32 to vector<16xi32>
          %add3A_274 = arith.addi %max3A_254, %add3A_273 : vector<16xi32>
          %select_n3A_275 = arith.select %lt3A_271, %add3A_274, %max3A_254 : vector<16xi1>, vector<16xi32>
          %broadcast_in_dim3A_276 = vector.shape_cast %select_n3A_275 : vector<16xi32> to vector<16x1xi32>
          %gather3A_277 = vector.shape_cast %broadcast_in_dim3A_276 : vector<16x1xi32> to vector<16xi32>
          %gather3A_278 = tpu.dynamic_gather %and3A_248[%gather3A_277] in [0] : vector<16xi32>, vector<16xi32> -> vector<16xi32>
          %and3A_279 = arith.andi %and3A_248, %gather3A_278 : vector<16xi32>
          %sub3A_280 = arith.subi %iota3A, %select_n3A_268 : vector<16xi32>
          %add3A_281 = arith.constant 1 : i32
          %add3A_282 = vector.broadcast %add3A_281 : i32 to vector<16xi32>
          %add3A_283 = arith.addi %iota3A, %add3A_282 : vector<16xi32>
          %min3A = arith.constant 15 : i32
          %min3A_284 = vector.broadcast %min3A : i32 to vector<16xi32>
          %min3A_285 = arith.minsi %add3A_283, %min3A_284 : vector<16xi32>
          %lt3A_286 = arith.constant 0 : i32
          %lt3A_287 = vector.broadcast %lt3A_286 : i32 to vector<16xi32>
          %lt3A_288 = arith.cmpi slt, %min3A_285, %lt3A_287 : vector<16xi32>
          %add3A_289 = arith.constant 16 : i32
          %add3A_290 = vector.broadcast %add3A_289 : i32 to vector<16xi32>
          %add3A_291 = arith.addi %min3A_285, %add3A_290 : vector<16xi32>
          %select_n3A_292 = arith.select %lt3A_288, %add3A_291, %min3A_285 : vector<16xi1>, vector<16xi32>
          %broadcast_in_dim3A_293 = vector.shape_cast %select_n3A_292 : vector<16xi32> to vector<16x1xi32>
          %gather3A_294 = vector.shape_cast %broadcast_in_dim3A_293 : vector<16x1xi32> to vector<16xi32>
          %gather3A_295 = tpu.dynamic_gather %masked_sort3A_115[%gather3A_294] in [0] : vector<16xi32>, vector<16xi32> -> vector<16xi32>
          %eq3A_296 = arith.constant 15 : i32
          %eq3A_297 = vector.broadcast %eq3A_296 : i32 to vector<16xi32>
          %eq3A_298 = arith.cmpi eq, %iota3A, %eq3A_297 : vector<16xi32>
          %ne3A_299 = arith.cmpi ne, %gather3A_295, %masked_sort3A_115 : vector<16xi32>
          %or3A_300 = arith.ori %eq3A_298, %ne3A_299 : vector<16xi1>
          %gather3A_301 = tpu.vector_load_idx %arg9[%masked_sort3A_115] : memref<64xi32, #tpu.memory_space<vmem>>[vector<16xi32>], vector<16xi32>,
          %add3A_302 = arith.addi %gather3A_301, %sub3A_280 : vector<16xi32>
          %lt3A_303 = arith.constant 768 : i32
          %lt3A_304 = vector.broadcast %lt3A_303 : i32 to vector<16xi32>
          %lt3A_305 = arith.cmpi slt, %add3A_302, %lt3A_304 : vector<16xi32>
          %and3A_306 = arith.andi %lt3A_137, %lt3A_305 : vector<16xi1>
          %add3A_307 = arith.constant 1 : i32
          %add3A_308 = vector.broadcast %add3A_307 : i32 to vector<16xi32>
          %add3A_309 = arith.addi %add3A_302, %add3A_308 : vector<16xi32>
          %and3A_310 = arith.andi %or3A_300, %lt3A_137 : vector<16xi1>
          tpu.vector_store_idx %arg9[%masked_sort3A_115], %add3A_309 masked %and3A_310 : memref<64xi32, #tpu.memory_space<vmem>>[vector<16xi32>], vector<16xi32>, vector<16xi1>
          %mul3A_311 = arith.constant 768 : i32
          %mul3A_312 = vector.broadcast %mul3A_311 : i32 to vector<16xi32>
          %mul3A_313 = arith.muli %masked_sort3A_115, %mul3A_312 : vector<16xi32>
          %min3A_314 = arith.constant 767 : i32
          %min3A_315 = vector.broadcast %min3A_314 : i32 to vector<16xi32>
          %min3A_316 = arith.minsi %add3A_302, %min3A_315 : vector<16xi32>
          %add3A_317 = arith.addi %mul3A_313, %min3A_316 : vector<16xi32>
          tpu.vector_store_idx %arg10[%add3A_317], %gather3A_134 masked %and3A_306 : memref<24576xi32, #tpu.memory_space<vmem>>[vector<16xi32>], vector<16xi32>, vector<16xi1>
          tpu.vector_store_idx %arg11[%add3A_317], %gather3A_124 masked %and3A_306 : memref<24576xf32, #tpu.memory_space<vmem>>[vector<16xi32>], vector<16xf32>, vector<16xi1>
          %scan3A_318 = arith.constant 0 : i32
          scf.yield %scan3A_318 : i32
        }
        %scan3A_68 = arith.constant 256 : i32
        %scan3A_69 = arith.constant 0 : i32
        scf.yield %scan3A_69 : i32
      }
      %scan3A_45 = arith.constant 8 : i32
      %mul3A_46 = arith.constant 32 : i32
      %mul3A_47 = arith.muli %add3A_11, %mul3A_46 : i32
      %mul3A_48 = arith.constant 768 : i32
      %mul3A_49 = arith.muli %mul3A_47, %mul3A_48 : i32
      "tpu.region"() ({
        %run_scoped3A = tpu.sem_alloc : memref<!tpu.dma_semaphore, #tpu.memory_space<semaphore_mem>>
        %dma_start3A = tpu.memref_slice %arg4[%mul3A_49] : memref<1572864xi32, #tpu.memory_space<hbm>> -> memref<24576xi32, #tpu.memory_space<hbm>>
        %dma_start3A_57 = tpu.memref_slice %arg4[%mul3A_49] : memref<1572864xi32, #tpu.memory_space<hbm>> -> memref<24576xi32, #tpu.memory_space<hbm>>
        tpu.enqueue_dma source(%arg10 : memref<24576xi32, #tpu.memory_space<vmem>>) target(%dma_start3A_57 : memref<24576xi32, #tpu.memory_space<hbm>>) target_semaphore(%run_scoped3A : memref<!tpu.dma_semaphore, #tpu.memory_space<semaphore_mem>>)
        %dma_wait3A = tpu.memref_slice %arg4[%mul3A_49] : memref<1572864xi32, #tpu.memory_space<hbm>> -> memref<24576xi32, #tpu.memory_space<hbm>>
        %dma_wait3A_58 = tpu.memref_slice %arg4[%mul3A_49] : memref<1572864xi32, #tpu.memory_space<hbm>> -> memref<24576xi32, #tpu.memory_space<hbm>>
        tpu.wait_dma2 semaphore(%run_scoped3A : memref<!tpu.dma_semaphore, #tpu.memory_space<semaphore_mem>>) src(%arg10 : memref<24576xi32, #tpu.memory_space<vmem>>) dst(%dma_wait3A_58 : memref<24576xi32, #tpu.memory_space<hbm>>)
        tpu.yield
      }) : () -> ()
      %mul3A_50 = arith.constant 32 : i32
      %mul3A_51 = arith.muli %add3A_11, %mul3A_50 : i32
      %mul3A_52 = arith.constant 768 : i32
      %mul3A_53 = arith.muli %mul3A_51, %mul3A_52 : i32
      "tpu.region"() ({
        %run_scoped3A = tpu.sem_alloc : memref<!tpu.dma_semaphore, #tpu.memory_space<semaphore_mem>>
        %dma_start3A = tpu.memref_slice %arg5[%mul3A_53] : memref<1572864xf32, #tpu.memory_space<hbm>> -> memref<24576xf32, #tpu.memory_space<hbm>>
        %dma_start3A_57 = tpu.memref_slice %arg5[%mul3A_53] : memref<1572864xf32, #tpu.memory_space<hbm>> -> memref<24576xf32, #tpu.memory_space<hbm>>
        tpu.enqueue_dma source(%arg11 : memref<24576xf32, #tpu.memory_space<vmem>>) target(%dma_start3A_57 : memref<24576xf32, #tpu.memory_space<hbm>>) target_semaphore(%run_scoped3A : memref<!tpu.dma_semaphore, #tpu.memory_space<semaphore_mem>>)
        %dma_wait3A = tpu.memref_slice %arg5[%mul3A_53] : memref<1572864xf32, #tpu.memory_space<hbm>> -> memref<24576xf32, #tpu.memory_space<hbm>>
        %dma_wait3A_58 = tpu.memref_slice %arg5[%mul3A_53] : memref<1572864xf32, #tpu.memory_space<hbm>> -> memref<24576xf32, #tpu.memory_space<hbm>>
        tpu.wait_dma2 semaphore(%run_scoped3A : memref<!tpu.dma_semaphore, #tpu.memory_space<semaphore_mem>>) src(%arg11 : memref<24576xf32, #tpu.memory_space<vmem>>) dst(%dma_wait3A_58 : memref<24576xf32, #tpu.memory_space<hbm>>)
        tpu.yield
      }) : () -> ()
      %mul3A_54 = arith.constant 32 : i32
      %mul3A_55 = arith.muli %add3A_11, %mul3A_54 : i32
      "tpu.region"() ({
        %run_scoped3A = tpu.sem_alloc : memref<!tpu.dma_semaphore, #tpu.memory_space<semaphore_mem>>
        %dma_start3A = arith.constant 0 : i32
        %dma_start3A_57 = tpu.memref_slice %arg9[%dma_start3A] : memref<64xi32, #tpu.memory_space<vmem>> -> memref<32xi32, #tpu.memory_space<vmem>>
        %dma_start3A_58 = tpu.memref_slice %arg6[%mul3A_55] : memref<2048xi32, #tpu.memory_space<hbm>> -> memref<32xi32, #tpu.memory_space<hbm>>
        %dma_start3A_59 = tpu.memref_slice %arg6[%mul3A_55] : memref<2048xi32, #tpu.memory_space<hbm>> -> memref<32xi32, #tpu.memory_space<hbm>>
        %dma_start3A_60 = arith.constant 0 : i32
        %dma_start3A_61 = tpu.memref_slice %arg9[%dma_start3A_60] : memref<64xi32, #tpu.memory_space<vmem>> -> memref<32xi32, #tpu.memory_space<vmem>>
        tpu.enqueue_dma source(%dma_start3A_61 : memref<32xi32, #tpu.memory_space<vmem>>) target(%dma_start3A_59 : memref<32xi32, #tpu.memory_space<hbm>>) target_semaphore(%run_scoped3A : memref<!tpu.dma_semaphore, #tpu.memory_space<semaphore_mem>>)
        %dma_wait3A = arith.constant 0 : i32
        %dma_wait3A_62 = tpu.memref_slice %arg9[%dma_wait3A] : memref<64xi32, #tpu.memory_space<vmem>> -> memref<32xi32, #tpu.memory_space<vmem>>
        %dma_wait3A_63 = tpu.memref_slice %arg6[%mul3A_55] : memref<2048xi32, #tpu.memory_space<hbm>> -> memref<32xi32, #tpu.memory_space<hbm>>
        %dma_wait3A_64 = tpu.memref_slice %arg6[%mul3A_55] : memref<2048xi32, #tpu.memory_space<hbm>> -> memref<32xi32, #tpu.memory_space<hbm>>
        %dma_wait3A_65 = arith.constant 0 : i32
        %dma_wait3A_66 = tpu.memref_slice %arg9[%dma_wait3A_65] : memref<64xi32, #tpu.memory_space<vmem>> -> memref<32xi32, #tpu.memory_space<vmem>>
        tpu.wait_dma2 semaphore(%run_scoped3A : memref<!tpu.dma_semaphore, #tpu.memory_space<semaphore_mem>>) src(%dma_wait3A_66 : memref<32xi32, #tpu.memory_space<vmem>>) dst(%dma_wait3A_64 : memref<32xi32, #tpu.memory_space<hbm>>)
        tpu.yield
      }) : () -> ()
      %scan3A_56 = arith.constant 0 : i32
      scf.yield %scan3A_56 : i32
    }
    %scan3A_6 = arith.constant 2 : i32
    return
  }
}

module attributes {stable_mosaic.version = 14 : i64} {
  func.func @_prep_body(%arg0: i32, %arg1: i32, %arg2: memref<1x2x128x512xf32, #tpu.memory_space<vmem>>, %arg3: memref<1x1x128x512xf32, #tpu.memory_space<vmem>>, %arg4: memref<1x128x512xi32, #tpu.memory_space<vmem>>, %arg5: memref<1x128x512xf32, #tpu.memory_space<vmem>>) attributes {dimension_semantics = [#tpu.dimension_semantics<arbitrary>, #tpu.dimension_semantics<arbitrary>], iteration_bounds = array<i64: 8, 4>, scalar_prefetch = 0 : i64, scratch_operands = 0 : i64, tpu.core_type = #tpu.core_type<tc>, window_params = [{transform_indices = @transform_0, window_bounds = array<i64: 1, 2, 128, 512>}, {transform_indices = @transform_1, window_bounds = array<i64: 1, 1, 128, 512>}, {transform_indices = @transform_2, window_bounds = array<i64: 1, 128, 512>}, {transform_indices = @transform_3, window_bounds = array<i64: 1, 128, 512>}]} {
    %get3A = arith.constant 0 : index
    %get3A_0 = arith.constant 0 : index
    %get3A_1 = arith.constant 0 : index
    %get3A_2 = arith.constant 0 : index
    %get3A_3 = vector.load %arg2[%get3A, %get3A_0, %get3A_1, %get3A_2] : memref<1x2x128x512xf32, #tpu.memory_space<vmem>>, vector<1x1x128x512xf32>
    %get3A_4 = vector.shape_cast %get3A_3 : vector<1x1x128x512xf32> to vector<128x512xf32>
    %get3A_5 = arith.constant 0 : index
    %get3A_6 = arith.constant 1 : index
    %get3A_7 = arith.constant 0 : index
    %get3A_8 = arith.constant 0 : index
    %get3A_9 = vector.load %arg2[%get3A_5, %get3A_6, %get3A_7, %get3A_8] : memref<1x2x128x512xf32, #tpu.memory_space<vmem>>, vector<1x1x128x512xf32>
    %get3A_10 = vector.shape_cast %get3A_9 : vector<1x1x128x512xf32> to vector<128x512xf32>
    %iota3A = tpu.iota {dimensions = array<i32: 1>} : vector<128x512xi32>
    %convert_element_type3A = arith.sitofp %iota3A : vector<128x512xi32> to vector<128x512xf32>
    %iota3A_11 = tpu.iota {dimensions = array<i32: 0>} : vector<128x512xi32>
    %convert_element_type3A_12 = arith.sitofp %iota3A_11 : vector<128x512xi32> to vector<128x512xf32>
    %mul3A = arith.constant 128 : i32
    %mul3A_13 = arith.muli %arg1, %mul3A : i32
    %convert_element_type3A_14 = arith.sitofp %mul3A_13 : i32 to f32
    %add3A = vector.broadcast %convert_element_type3A_14 : f32 to vector<128x512xf32>
    %add3A_15 = arith.addf %convert_element_type3A_12, %add3A : vector<128x512xf32>
    %add3A_16 = arith.addf %convert_element_type3A, %get3A_4 : vector<128x512xf32>
    %round3A = math.roundeven %add3A_16 : vector<128x512xf32>
    %add3A_17 = arith.addf %add3A_15, %get3A_10 : vector<128x512xf32>
    %round3A_18 = math.roundeven %add3A_17 : vector<128x512xf32>
    %ge3A = arith.constant 0.000000e+00 : f32
    %ge3A_19 = vector.broadcast %ge3A : f32 to vector<128x512xf32>
    %ge3A_20 = arith.cmpf oge, %round3A, %ge3A_19 : vector<128x512xf32>
    %lt3A = arith.constant 5.120000e+02 : f32
    %lt3A_21 = vector.broadcast %lt3A : f32 to vector<128x512xf32>
    %lt3A_22 = arith.cmpf olt, %round3A, %lt3A_21 : vector<128x512xf32>
    %and3A = arith.andi %ge3A_20, %lt3A_22 : vector<128x512xi1>
    %ge3A_23 = arith.constant 0.000000e+00 : f32
    %ge3A_24 = vector.broadcast %ge3A_23 : f32 to vector<128x512xf32>
    %ge3A_25 = arith.cmpf oge, %round3A_18, %ge3A_24 : vector<128x512xf32>
    %and3A_26 = arith.andi %and3A, %ge3A_25 : vector<128x512xi1>
    %lt3A_27 = arith.constant 5.120000e+02 : f32
    %lt3A_28 = vector.broadcast %lt3A_27 : f32 to vector<128x512xf32>
    %lt3A_29 = arith.cmpf olt, %round3A_18, %lt3A_28 : vector<128x512xf32>
    %and3A_30 = arith.andi %and3A_26, %lt3A_29 : vector<128x512xi1>
    %jit3A = arith.constant 0 : i32
    %jit3A_31 = arith.constant 511 : i32
    %convert_element_type3A_32 = arith.sitofp %jit3A : i32 to f32
    %max3A = vector.broadcast %convert_element_type3A_32 : f32 to vector<128x512xf32>
    %max3A_33 = arith.maximumf %max3A, %round3A : vector<128x512xf32>
    %convert_element_type3A_34 = arith.sitofp %jit3A_31 : i32 to f32
    %min3A = vector.broadcast %convert_element_type3A_34 : f32 to vector<128x512xf32>
    %min3A_35 = arith.minimumf %min3A, %max3A_33 : vector<128x512xf32>
    %convert_element_type3A_36 = arith.fptosi %min3A_35 : vector<128x512xf32> to vector<128x512xi32>
    %jit3A_37 = arith.constant 0 : i32
    %jit3A_38 = arith.constant 511 : i32
    %convert_element_type3A_39 = arith.sitofp %jit3A_37 : i32 to f32
    %max3A_40 = vector.broadcast %convert_element_type3A_39 : f32 to vector<128x512xf32>
    %max3A_41 = arith.maximumf %max3A_40, %round3A_18 : vector<128x512xf32>
    %convert_element_type3A_42 = arith.sitofp %jit3A_38 : i32 to f32
    %min3A_43 = vector.broadcast %convert_element_type3A_42 : f32 to vector<128x512xf32>
    %min3A_44 = arith.minimumf %min3A_43, %max3A_41 : vector<128x512xf32>
    %convert_element_type3A_45 = arith.fptosi %min3A_44 : vector<128x512xf32> to vector<128x512xi32>
    %mul3A_46 = arith.constant 512 : i32
    %mul3A_47 = vector.broadcast %mul3A_46 : i32 to vector<128x512xi32>
    %mul3A_48 = arith.muli %convert_element_type3A_45, %mul3A_47 : vector<128x512xi32>
    %add3A_49 = arith.addi %mul3A_48, %convert_element_type3A_36 : vector<128x512xi32>
    %jit3A_50 = arith.constant 0 : i32
    %broadcast_in_dim3A = vector.broadcast %jit3A_50 : i32 to vector<128x512xi32>
    %select_n3A = arith.select %and3A_30, %add3A_49, %broadcast_in_dim3A : vector<128x512xi1>, vector<128x512xi32>
    %swap3A = arith.constant 0 : index
    %swap3A_51 = arith.constant 0 : index
    %swap3A_52 = arith.constant 0 : index
    %swap3A_53 = vector.load %arg4[%swap3A, %swap3A_51, %swap3A_52] : memref<1x128x512xi32, #tpu.memory_space<vmem>>, vector<1x128x512xi32>
    %swap3A_54 = vector.shape_cast %swap3A_53 : vector<1x128x512xi32> to vector<128x512xi32>
    %swap3A_55 = vector.shape_cast %select_n3A : vector<128x512xi32> to vector<1x128x512xi32>
    tpu.vector_store %arg4[%swap3A, %swap3A_51, %swap3A_52], %swap3A_55 {strides = array<i32>} : memref<1x128x512xi32, #tpu.memory_space<vmem>>, vector<1x128x512xi32>,
    %get3A_56 = arith.constant 0 : index
    %get3A_57 = arith.constant 0 : index
    %get3A_58 = arith.constant 0 : index
    %get3A_59 = arith.constant 0 : index
    %get3A_60 = vector.load %arg3[%get3A_56, %get3A_57, %get3A_58, %get3A_59] : memref<1x1x128x512xf32, #tpu.memory_space<vmem>>, vector<1x1x128x512xf32>
    %get3A_61 = vector.shape_cast %get3A_60 : vector<1x1x128x512xf32> to vector<128x512xf32>
    %add3A_62 = arith.constant 9.99999993E-9 : f32
    %add3A_63 = vector.broadcast %add3A_62 : f32 to vector<128x512xf32>
    %add3A_64 = arith.addf %get3A_61, %add3A_63 : vector<128x512xf32>
    %div3A = arith.constant 1.000000e+00 : f32
    %div3A_65 = vector.broadcast %div3A : f32 to vector<128x512xf32>
    %div3A_66 = arith.divf %div3A_65, %add3A_64 : vector<128x512xf32>
    %lt3A_67 = arith.constant 1.000000e+04 : f32
    %lt3A_68 = vector.broadcast %lt3A_67 : f32 to vector<128x512xf32>
    %lt3A_69 = arith.cmpf olt, %div3A_66, %lt3A_68 : vector<128x512xf32>
    %convert_element_type3A_70 = arith.extui %lt3A_69 : vector<128x512xi1> to vector<128x512xi32>
    %convert_element_type3A_71 = arith.sitofp %convert_element_type3A_70 : vector<128x512xi32> to vector<128x512xf32>
    %mul3A_72 = arith.mulf %div3A_66, %convert_element_type3A_71 : vector<128x512xf32>
    %swap3A_73 = arith.constant 0 : index
    %swap3A_74 = arith.constant 0 : index
    %swap3A_75 = arith.constant 0 : index
    %swap3A_76 = vector.load %arg5[%swap3A_73, %swap3A_74, %swap3A_75] : memref<1x128x512xf32, #tpu.memory_space<vmem>>, vector<1x128x512xf32>
    %swap3A_77 = vector.shape_cast %swap3A_76 : vector<1x128x512xf32> to vector<128x512xf32>
    %swap3A_78 = vector.shape_cast %mul3A_72 : vector<128x512xf32> to vector<1x128x512xf32>
    tpu.vector_store %arg5[%swap3A_73, %swap3A_74, %swap3A_75], %swap3A_78 {strides = array<i32>} : memref<1x128x512xf32, #tpu.memory_space<vmem>>, vector<1x128x512xf32>,
    return
  }
  func.func @transform_0(%arg0: i32, %arg1: i32) -> (i32, i32, i32, i32) {
    %c0_i32 = arith.constant 0 : i32
    %c0_i32_0 = arith.constant 0 : i32
    %c0_i32_1 = arith.constant 0 : i32
    return %arg0, %c0_i32, %arg1, %c0_i32_0 : i32, i32, i32, i32
  }
  func.func @transform_1(%arg0: i32, %arg1: i32) -> (i32, i32, i32, i32) {
    %c2_i32 = arith.constant 2 : i32
    %c0_i32 = arith.constant 0 : i32
    %c0_i32_0 = arith.constant 0 : i32
    return %arg0, %c2_i32, %arg1, %c0_i32 : i32, i32, i32, i32
  }
  func.func @transform_2(%arg0: i32, %arg1: i32) -> (i32, i32, i32) {
    %c0_i32 = arith.constant 0 : i32
    %c0_i32_0 = arith.constant 0 : i32
    return %arg0, %arg1, %c0_i32 : i32, i32, i32
  }
  func.func @transform_3(%arg0: i32, %arg1: i32) -> (i32, i32, i32) {
    %c0_i32 = arith.constant 0 : i32
    %c0_i32_0 = arith.constant 0 : i32
    return %arg0, %arg1, %c0_i32 : i32, i32, i32
  }
}

</mosaic_0001>

<sc_bundles>
// kernel: kernel.5.cloned.1.call-start
scs
__scs_entry_jumppad:
0x0: {  	(pc) =	sbr.rel $0x88, $3  }
0x1: {  	(tag) =	ssettag $0x0;
	lr =	simm.s32 $0x1  }
0x2: {  	[smem:$0x3F9F] =	sst lr;
	_ =	strace $0xD0000000  }
0x3: {  	_ = 	snop  }
0x4: {  	_ = 	snop  }
0x5: {  	_ = 	snop  }
0x6: {  	_ = 	snop  }
0x7: {  	_ = 	snop  }
__scs_overlays_trampoline_lowered:
0x8: {  	[smem:$0x3FAE] =	sst s0  }
0x9: {  	[smem:$0x3FAF] =	sst s1  }
0xa: {  	[smem:$0x3FB0] =	sst s2  }
0xb: {  	[smem:$0x3FB1] =	sst s3  }
0xc: {  	[smem:$0x3FB2] =	sst s4  }
0xd: {  	[smem:$0x3FB3] =	sst s5  }
0xe: {  	[smem:$0x3FB4] =	sst s6  }
0xf: {  	[smem:$0x3FB5] =	sst s7  }
0x10: {  	[smem:$0x3FB6] =	sst s8  }
0x11: {  	[smem:$0x3FB7] =	sst s9;
	s0 =	simm.s32 @!p0 $0x0  }
0x12: {  	s1 =	sld [smem:$0x3F9D];
	s0 =	simm.s32 @p0 $0x1  }
0x13: {  	[smem:$0x3FB8] =	sst s0;
	s0 =	simm.s32 @!p1 $0x0  }
0x14: {  	s2 =	sld [smem:$0x3F9C];
	s0 =	simm.s32 @p1 $0x1  }
0x15: {  	[smem:$0x3FB9] =	sst s0;
	s0 =	simm.s32 @!p2 $0x0  }
0x16: {  	s3 =	sld [smem:$0x3FDB];
	s0 =	simm.s32 @p2 $0x1  }
0x17: {  	s4 =	simm.s32 $0x1BF5;
	[smem:$0x3FBB] =	sst s0  }
0x18: {  	s0 =	sld [smem:$0x3F9E];
	_ =	swait.ge [sflag:s4], $0x0  }
0x19: {  	s7 =	sld [smem:$0x3F9F]  }
0x1a: {  	s8 =	sadd.s32 $0xFFFFE003, lr  }
0x1b: {  	s9 =	sadd.s32 $0xFFFFFEF7, lr;
	s5 =	simm.s32 $0xFFFFFFFF;
	p2 =	slt.u32 s8, $0xFFFFF086  }
0x1c: {  	p1 =	slt.u32 s9, $0xF7A;
	s5 =	simm.s32 @!p2 $0x0  }
0x1d: {  	s5 =	simm.s32 @p1 $0x1;
	p0 =	seq.s32 s7, s2  }
0x1e: {  	s7 =	smul.u32 @!p0 $0xF7A, s2;
	p2 =	seq.s32 @!p0 s5, $0x0  }
0x1f: {  	s9 =	smul.u32 $0xF7A, s1;
	s8 =	simm.s32 @!p0 $0x1BF5;
	p2 =	por !p2, p0  }
0x20: {  	[sflag:s8] =	ssyncset.s32 @!p0 $0xFFFFF086;
	s6 =	sadd.s32 @!p0 s3, s7;
	s7 =	simm.s32 @!p0 $0x108  }
0x21: {  	s3 =	sadd.s32 s3, s9;
	s6 =	sadd.s32 @!p0 $0x88, s6;
	s7 =	simm.s32 @p2 $0x1082  }
0x22: {  	[simem:s7], [sflag:s8] =	dma.local @!p0 [hbm:s6], $0xF7A  }
0x23: {  	s9 =	sor.u32 $0xD0000000, s2;
	s6 =	simm.s32 $0x108;
	_ =	swait.ge @!p0 [sflag:s8], $0x0  }
0x24: {  	s3 =	sadd.s32 $0x88, s3;
	s6 =	simm.s32 @!p1 $0x1082;
	[sflag:s4] =	ssyncset.s32 $0xFFFFF086  }
0x25: {  	[simem:s6], [sflag:s4] =	dma.local [hbm:s3], $0xF7A  }
0x26: {  	[smem:$0x3F9F] =	sst s1;
	(tag) =	ssettag s2;
	_ =	strace s9  }
0x27: {  	s1 =	sld [smem:$0x3FAF]  }
0x28: {  	s2 =	sld [smem:$0x3FB0]  }
0x29: {  	s4 =	sld [smem:$0x3FB2]  }
0x2a: {  	p0 =	seq.s32 s5, $0x0;
	s5 =	sld [smem:$0x3FB3]  }
0x2b: {  	s6 =	sld [smem:$0x3FB4]  }
0x2c: {  	s7 =	sld [smem:$0x3FB5]  }
0x2d: {  	s3 =	simm.s32 $0x108;
	s8 =	sld [smem:$0x3FB6]  }
0x2e: {  	s3 =	simm.s32 @!p0 $0x1082;
	s9 =	sld [smem:$0x3FB7]  }
0x2f: {  	lr =	sadd.s32 s0, s3;
	s0 =	sld [smem:$0x3FAE]  }
0x30: {  	s3 =	sld [smem:$0x3FB1]  }
0x31: {  	[smem:$0x3FBA] =	sst s10  }
0x32: {  	s10 =	sld [smem:$0x3FB8];
	_ =	sdelay $0x3  }
0x33: {  	p0 =	seq.s32 s10, $0x1;
	s10 =	sld [smem:$0x3FBA];
	_ =	sdelay $0x3  }
0x34: {  	[smem:$0x3FBA] =	sst s10  }
0x35: {  	s10 =	sld [smem:$0x3FB9];
	_ =	sdelay $0x3  }
0x36: {  	p1 =	seq.s32 s10, $0x1;
	s10 =	sld [smem:$0x3FBA];
	_ =	sdelay $0x3  }
0x37: {  	[smem:$0x3FBA] =	sst s10  }
0x38: {  	s10 =	sld [smem:$0x3FBB]  }
0x39: {  	_ = 	snop;
	(pc) =	sbr.ind lr, $3  }
0x3a: {  	_ = 	snop  }
0x3b: {  	_ = 	snop  }
0x3c: {  	p2 =	seq.s32 s10, $0x1;
	s10 =	sld [smem:$0x3FBA]  }
0x3d: {  	_ =	shalt  }
0x3e: {  	_ =	shalt  }
0x3f: {  	_ =	shalt  }
0x40: {  	_ =	shalt  }
0x41: {  	_ =	shalt  }
0x42: {  	_ =	shalt  }
0x43: {  	_ =	shalt  }
0x44: {  	_ =	shalt  }
0x45: {  	_ =	shalt  }
0x46: {  	_ =	shalt  }
0x47: {  	_ =	shalt  }
0x48: {  	_ =	shalt  }
0x49: {  	_ =	shalt  }
0x4a: {  	_ =	shalt  }
0x4b: {  	_ =	shalt  }
0x4c: {  	_ =	shalt  }
0x4d: {  	_ =	shalt  }
0x4e: {  	_ =	shalt  }
0x4f: {  	_ =	shalt  }
0x50: {  	_ =	shalt  }
0x51: {  	_ =	shalt  }
0x52: {  	_ =	shalt  }
0x53: {  	_ =	shalt  }
0x54: {  	_ =	shalt  }
0x55: {  	_ =	shalt  }
0x56: {  	_ =	shalt  }
0x57: {  	_ =	shalt  }
0x58: {  	_ =	shalt  }
0x59: {  	_ =	shalt  }
0x5a: {  	_ =	shalt  }
0x5b: {  	_ =	shalt  }
0x5c: {  	_ =	shalt  }
0x5d: {  	_ =	shalt  }
0x5e: {  	_ =	shalt  }
0x5f: {  	_ =	shalt  }
0x60: {  	_ =	shalt  }
0x61: {  	_ =	shalt  }
0x62: {  	_ =	shalt  }
0x63: {  	_ =	shalt  }
0x64: {  	_ =	shalt  }
0x65: {  	_ =	shalt  }
0x66: {  	_ =	shalt  }
0x67: {  	_ =	shalt  }
0x68: {  	_ =	shalt  }
0x69: {  	_ =	shalt  }
0x6a: {  	_ =	shalt  }
0x6b: {  	_ =	shalt  }
0x6c: {  	_ =	shalt  }
0x6d: {  	_ =	shalt  }
0x6e: {  	_ =	shalt  }
0x6f: {  	_ =	shalt  }
0x70: {  	_ =	shalt  }
0x71: {  	_ =	shalt  }
0x72: {  	_ =	shalt  }
0x73: {  	_ =	shalt  }
0x74: {  	_ =	shalt  }
0x75: {  	_ =	shalt  }
0x76: {  	_ =	shalt  }
0x77: {  	_ =	shalt  }
0x78: {  	_ =	shalt  }
0x79: {  	_ =	shalt  }
0x7a: {  	_ =	shalt  }
0x7b: {  	_ =	shalt  }
0x7c: {  	_ =	shalt  }
0x7d: {  	_ =	shalt  }
0x7e: {  	_ =	shalt  }
0x7f: {  	_ =	shalt  }
0x80: {  	_ =	shalt  }
0x81: {  	_ =	shalt  }
0x82: {  	_ =	shalt  }
0x83: {  	_ =	shalt  }
0x84: {  	_ =	shalt  }
0x85: {  	_ =	shalt  }
0x86: {  	_ =	shalt  }
0x87: {  	_ =	shalt  }
.Lfunc_end0:
.L_simem_size_0:
called_computation_lowered:
.L_overlay_start_0:
0x88: {  	s2 =	sld [smem:$0x3FD9]  }
0x89: {  	s3 =	sld [smem:$0x3FFE];
	_ =	sdelay $0x1  }
0x8a: {  	s1 =	srdreg.scid  }
0x8b: {  	s0 =	sand.u32 $0x1, s1  }
0x8c: {  	s16 =	sshll.u32 s0, $0xA;
	s2 =	sadd.s32 s3, s2  }
0x8d: {  	s2 =	sadd.s32 s2, s16  }
0x8e: {  	[smem:$0x3FC6] =	sst s2  }
0x8f: {  	_ = 	snop  }
0x90: {  	(tm) =	ssettm $0x1  }
0x91: {  	s17 =	sld [smem:$0x3FFB];
	_ =	sdelay $0x3  }
0x92: {  	_ =	strace s17  }
0x93: {  	s2 =	sld [smem:$0x3FFC];
	_ =	sdelay $0x3  }
0x94: {  	_ =	strace s2  }
0x95: {  	s2 =	sld [smem:$0x3FFD];
	_ =	sdelay $0x3  }
0x96: {  	_ =	strace s2  }
0x97: {  	_ =	strace $0x8FFFFFFF  }
0x98: {  	s18 =	sld [smem:$0x3FDB];
	_ =	sdelay $0x1  }
0x99: {  	s19 =	simm.s32 $_scs_section_size  }
0x9a: {  	s4 =	simm.s32 $_size__tile_overlayer_lowered;
	s5 =	simm.s32 $_tile_overlayer_lowered  }
0x9b: {  	s22 =	simm.s32 $0x1BFF;
	s21 =	sshll.u32 s5, $0x1;
	s2 =	sadd.s32 s19, s18  }
0x9c: {  	s6 =	simm.s32 $0x0;
	s20 =	sshll.u32 s4, $0x1;
	s4 =	sadd.s32 s21, s2  }
0x9d: {  	[timem:s6], [sflag:s22] =	dma.local [hbm:s4], s20  }
0x9e: {  	_ =	swait.ge [sflag:s22], s20  }
0x9f: {  	s3 =	ssub.s32 $0x0, s20;
	[sflag:s22] =	ssyncset.done $0x0  }
0xa0: {  	[sflag:s22] =	ssyncadd.s32 s3;
	_ =	sdelay $0x1  }
0xa1: {  	s23 =	simm.s32 $0x1B8B  }
0xa2: {  	_ =	swait.ge [sflag:s23], $0x1  }
0xa3: {  	[sflag:s23] =	ssyncset.done $0x0  }
0xa4: {  	s25 =	simm.s32 $0x1B8E;
	s24 =	sld [smem:$0x3FFE];
	[sflag:s23] =	ssyncadd.s32 $0xFFFFFFFF  }
0xa5: {  	s26 =	simm.s32 $execute0_lowered;
	[smem:$0x3FD2] =	sst s25  }
0xa6: {  	s4 =	sshll.u32 s26, $0x1;
	_ =	strace $0x80000046;
	[dreg:$0x1] =	wrdreg $0xFFFFFFFF  }
0xa7: {  	s28 =	simm.s32 $_size_execute0_lowered;
	s2 =	sadd.s32 s2, s4;
	[dreg:$0x0] =	wrdreg $0x0  }
0xa8: {  	s4 =	sshll.u32 s28, $0x1;
	[dreg:$0x2] =	wrdreg s2  }
0xa9: {  	[dreg:$0x3] =	wrdreg s4  }
0xaa: {  	[dreg:$0x4] =	wrdreg $0xC0  }
0xab: {  	_ =	task [dreg:s6], $0x5FFFF  }
0xac: {  	[dreg:$0x1] =	wrdreg $0xFFFFFFFF  }
0xad: {  	[dreg:$0x0] =	wrdreg $0x60  }
0xae: {  	[dreg:$0x2] =	wrdreg s24  }
0xaf: {  	[dreg:$0x3] =	wrdreg $0x9  }
0xb0: {  	_ =	task.clear_ibuf [dreg:s6], $0x4FFFF;
	_ =	strace $0x90000046  }
0xb1: {  	s29 =	simm.s32 $0x9;
	_ =	strace $0x80000048  }
0xb2: {  	_ =	swait.ge [sflag:s29], $0x1  }
0xb3: {  	[sflag:s29] =	ssyncadd.s32 $0xFFFFFFFF  }
0xb4: {  	_ =	strace $0x90000048  }
0xb5: {  	_ =	sfence  }
0xb6: {  	s30 =	sld [smem:$0x0];
	_ =	sdelay $0x2  }
0xb7: {  	s31 =	sshll.u32 s1, $0xD;
	s1 =	sshrl.u32 s1, $0x2  }
0xb8: {  	s3 =	sand.u32 $0x4000, s31;
	s1 =	sadd.s32 s1, s30  }
0xb9: {  	s0 =	sor.u32 s3, s0;
	s1 =	sshll.u32 s1, $0x11  }
0xba: {  	s0 =	sor.u32 s1, s0  }
0xbb: {  	s0 =	sadd.s32 $0x8F2B, s0  }
0xbc: {  	[sflag:s0] =	ssyncadd.remote.s32 $0x1  }
0xbd: {  	_ =	sfence.sel $0xFFFF  }
0xbe: {  	[dreg:$0x0] =	wrdreg $0xFFFFFFFF;
	(pc) =	sbr.abs _section_cstart, $3  }
0xbf: {  	[dreg:$0x1] =	wrdreg $0xFFFFFFFF  }
0xc0: {  	_ =	task.clear_ibuf [dreg:s6], $0x2FFFF;
	_ =	strace $0x9FFFFFFF  }
0xc1: {  	(tm) =	ssettm $0x7FFFFFFF  }
tec
execute0_lowered:
.L_overlay_start_1:
0x0: {  	(tag) =	ssettag $0x1  }
0x1: {  	v0 =	vimm.s32 $0xEDCBA987  }
0x2: {  	v1 =	vimm.s32 $0x65432100;
	v2 =	vimm.s32 $0x54321000;
	v3 =	vimm.s32 $0xDCBA9876  }
0x3: {  	v4 =	vimm.s32 $0xBA987654;
	v5 =	vimm.s32 $0x32100000;
	v6 =	vimm.s32 $0xE40000  }
0x4: {  	v7 =	vimm.s32 $0x7060504;
	vm1 =	vcmask $0x3F30;
	vm0 =	vcmask $0x3F04  }
0x5: {  	v0 =	vunpack.c.l.s4.s8 v0;
	v3 =	vunpack.c.l.s4.s8 v3;
	v4 =	vunpack.c.l.s4.s8 v4  }
0x6: {  	v1 =	vunpack.c.l.s4.s8 v1;
	v2 =	vunpack.c.l.s4.s8 v2;
	v5 =	vunpack.c.l.s4.s8 v5  }
0x7: {  	s7 =	rddreg [dreg:$0x0];
	v6 =	vunpack.c.l.s2.s4 v6;
	v3 =	vunpack.c.0.s8.s32 v3;
	v4 =	vunpack.c.0.s8.s32 v4  }
0x8: {  	s0 =	rddreg [dreg:$0x1];
	s1 =	simm.s32 $0x0;
	v0 =	vunpack.c.0.s8.s32 v0;
	v2 =	vunpack.c.0.s8.s32 v2;
	v5 =	vunpack.c.0.s8.s32 v5  }
0x9: {  	s3 =	srdreg.scid;
	s5 =	stileid.u32;
	s11 =	simm.s32 $0x1000;
	v6 =	vunpack.c.l.s4.s8 v6;
	v3 =	vand.u32 $0xF, v3;
	v4 =	vand.u32 $0xF, v4  }
0xa: {  	s12 =	simm.s32 $0x2000;
	s13 =	simm.s32 $0x2080;
	s14 =	simm.s32 $0x8080;
	v1 =	vunpack.c.0.s8.s32 v1;
	v2 =	vcombine.low v2, v3;
	v3 =	vcombine.low v5, v4  }
0xb: {  	s15 =	simm.s32 $0x0;
	s19 =	simm.s32 $0x0;
	[smem:$0x7FF] =	sst s1;
	v5 =	vunpack.c.0.s8.s32 v6;
	v4 =	vimm.s32 $0xFFEDCBA9;
	v6 =	vimm.s32 $0x87654321  }
0xc: {  	s2 =	sadd.s32 $0x2600, s7;
	s8 =	sand.u32 $0x1, s3;
	s3 =	sadd.s32 $0x42600, s7;
	v0 =	vand.u32 $0xF, v0;
	v8 =	vunpack.c.l.s4.s8 v4;
	v6 =	vunpack.c.l.s4.s8 v6  }
0xd: {  	s4 =	sadd.s32 $0x82600, s7;
	s6 =	sadd.s32 $0xB2600, s7;
	v7 =	vunpack.c.0.s8.s32 v7;
	s9 =	ssub.s32 $0x2, s8;
	v0 =	vcombine.low v1, v0;
	v4 =	vlaneseq.u32  }
0xe: {  	s31 =	sshll.u32 s5, $0x2;
	s7 =	sadd.s32 $0xE2600, s7;
	s10 =	sshrl.u32 s9, $0x1;
	v5 =	vand.u32 $0x3, v5;
	v8 =	vunpack.c.0.s8.s32 v8;
	v9 =	vunpack.c.0.s8.s32 v6  }
0xf: {  	_ =	strace $0x80000047;
	s8 =	sshll.u32 s8, $0x1;
	s9 =	ssub.s32 s9, s10;
	v1 =	vimm.s32 $0x0;
	v5 =	vsel vm1, v7, v5;
	v6 =	vperm.xlane v4, v0  }
0x10: {  	s8 =	sor.u32 s8, s31;
	s10 =	simm.s32 $0x1;
	s9 =	smax.u32 s9, $0x1;
	vm1 =	vcmask $0x3F3C;
	v7 =	vcombine.low v9, v8;
	v8 =	vadd.s32 $0x1, v4  }
.LBB2_1:
0x11: {  	p1 =	por $0x1, $0x1;
	s17 =	simm.s32 $0x0  }
.LBB2_2:
0x12: {  	[tilespmem:$0x2000] =	vst v1  }
0x13: {  	[tilespmem:$0x2010] =	vst v1;
	s18 =	sadd.s32 s17, s8  }
0x14: {  	s16 =	sor.u32 s8, s17;
	[tilespmem:$0x2020] =	vst v1;
	p0 =	por p1, p1;
	s18 =	sand.u32 $0x7, s18  }
0x15: {  	[tilespmem:$0x2030] =	vst v1;
	s20 =	simm.s32 $0x0;
	s17 =	sshll.u32 s16, $0xF;
	s18 =	sshll.u32 s18, $0xF  }
.LBB2_3:
0x16: {  	s21 =	sshll.u32 s20, $0xC  }
0x17: {  	s21 =	sor.u32 s17, s21  }
0x18: {  	s21 =	sshrl.u32 s21, $0x3  }
0x19: {  	s22 =	sadd.s32 s2, s21  }
0x1a: {  	[tilespmem:s19], [sflag:$0x1] =	stream.linear.gather [hbm4b:s22+s19], $0x1000, $0x38;
	[tilespmem:$0xE080] =	vst v63  }
0x1b: {  	_ =	swait.ge [sflag:s10], $0x1000  }
0x1c: {  	[sflag:s10] =	ssyncset.done $0x0  }
0x1d: {  	s21 =	sadd.s32 s3, s21;
	[sflag:s10] =	ssyncadd.s32 $0xFFFFF000  }
0x1e: {  	[tilespmem:s11], [sflag:$0x1] =	stream.linear.gather [hbm4b:s21+s19], $0x1000, $0x38;
	[tilespmem:$0xE080] =	vst v63  }
0x1f: {  	_ =	swait.ge [sflag:s10], $0x1000  }
0x20: {  	[sflag:s10] =	ssyncset.done $0x0  }
0x21: {  	s31 =	simm.s32 $0x0;
	[sflag:s10] =	ssyncadd.s32 $0xFFFFF000  }
0x22: {  	v9 =	vld [tilespmem:s31+$0x0];
	_ =	sdelay $0x1  }
0x23: {  	v10 =	vld [tilespmem:s31+$0x1000];
	_ =	sdelay $0x2  }
0x24: {  	v11 =	vshrl.u32 v9, $0x4  }
0x25: {  	v11 =	vand.u32 $0x1F, v11  }
0x26: {  	vm2 =	vgt.f32 v10, $0.0e+00;
	v11 =	vor.u32 $0x80000000, v11  }
0x27: {  	v11 =	vnsel vm2, $0x8000003F, v11  }
0x28: {  	(xrf1) =	vsort.ascd.msk.u32 $0xffff, v11, v4;
	_ =	sdelay $0xd  }
0x29: {  	v11, v12, _ =	vpop (xrf1)  }
0x2a: {  	v11 =	vxor.u32 $0x80000000, v11  }
0x2b: {  	v13 =	vperm.xlane v11, v0;
	_ =	sdelay $0x1  }
0x2c: {  	vm2 =	veq.s32 v11, v13  }
0x2d: {  	vm2 =	vmand vm2, vm0  }
0x2e: {  	v55 =	vsel vm2, $0x1, v1  }
0x2f: {  	v14 =	vperm.xlane v55, v0  }
0x30: {  	v15 =	vsel vm2, v6, v4  }
0x31: {  	v56 =	vperm.xlane v15, v2;
	v13 =	vand.u32 v55, v14  }
0x32: {  	vm2 =	veq.s32 v13, $0x0;
	v16 =	vperm.xlane v13, v2  }
0x33: {  	v14 =	vsel vm2, v15, v56  }
0x34: {  	v13 =	vand.u32 v16, v13;
	v15 =	vperm.xlane v14, v3  }
0x35: {  	v57 =	vld.idx.msk [tilespmem:v11+s12+$0x0], $0xffff;
	vm2 =	veq.s32 v13, $0x0;
	v17 =	vperm.xlane v13, v3  }
0x36: {  	v14 =	vsel vm2, v14, v15  }
0x37: {  	v59 =	vperm.xlane v11, v7;
	v13 =	vand.u32 v17, v13;
	v15 =	vperm.xlane v14, v5  }
0x38: {  	v58 =	vshll.u32 v9, $0x9;
	vm2 =	veq.s32 v13, $0x0  }
0x39: {  	v9 =	vshrl.u32 v9, $0x9;
	vm3 =	vne.s32 v59, v11;
	v14 =	vsel vm2, v14, v15  }
0x3a: {  	v61 =	vmul.u32 $0x300, v11;
	vm3 =	vmor vm3, vm1;
	v60 =	vsub.s32 v57, v14  }
0x3b: {  	v17 =	vand.u32 $0x1E00, v58;
	vm2 =	vlt.s32 v11, $0x20;
	v14 =	vadd.s32 v4, v60  }
0x3c: {  	vm3 =	vmand vm2, vm3;
	vm4 =	vlt.s32 v14, $0x300;
	vm5 =	vlt.s32 v14, $0x2FF  }
0x3d: {  	v9 =	vadd.s32 v9, v17;
	vm2 =	vmand vm2, vm4;
	v14 =	vnsel vm5, $0x2FF, v14  }
0x3e: {  	v62 =	vshrl.u32 v12, $0x1B;
	v9 =	vshll.u32 v9, $0x12;
	v14 =	vadd.s32 v61, v14  }
0x3f: {  	v63 =	vand.u32 $0x10, v62;
	v9 =	vor.u32 s18, v9  }
0x40: {  	v12 =	vadd.s32 v12, v63;
	v9 =	vor.u32 v4, v9  }
0x41: {  	v13 =	vadd.s32 v8, v60;
	v9 =	vperm.xlane v9, v12  }
0x42: {  	v10 =	vperm.xlane v10, v12;
	[tilespmem:v11+s12+$0x0] =	vst.idx.msk vm3, v13  }
0x43: {  	[tilespmem:v14+s13+$0x0] =	vst.idx.msk vm2, v9  }
0x44: {  	s23 =	simm.s32 $0x10;
	[tilespmem:v14+s14+$0x0] =	vst.idx.msk vm2, v10  }
0x45: {  	s22 =	simm.s32 $0x80;
	s21 =	smov.u32 s18;
	v9 =	vld [tilespmem:s23+$0x0]  }
.LBB2_4:
0x46: {  	p1 =	sne.s32 s22, $0x3FC0;
	v10 =	vld [tilespmem:s23+$0x1000];
	_ =	sdelay $0x3  }
0x47: {  	v11 =	vshrl.u32 v9, $0x4  }
0x48: {  	v11 =	vand.u32 $0x1F, v11  }
0x49: {  	vm2 =	vgt.f32 v10, $0.0e+00;
	v11 =	vor.u32 $0x80000000, v11  }
0x4a: {  	v11 =	vnsel vm2, $0x8000003F, v11  }
0x4b: {  	(xrf1) =	vsort.ascd.msk.u32 $0xffff, v11, v4;
	_ =	sdelay $0xd  }
0x4c: {  	v11, v12, _ =	vpop (xrf1)  }
0x4d: {  	v11 =	vxor.u32 $0x80000000, v11  }
0x4e: {  	v13 =	vperm.xlane v11, v0;
	_ =	sdelay $0x1  }
0x4f: {  	vm2 =	veq.s32 v11, v13  }
0x50: {  	vm2 =	vmand vm2, vm0  }
0x51: {  	v13 =	vsel vm2, $0x1, v1  }
0x52: {  	v14 =	vperm.xlane v13, v0  }
0x53: {  	v15 =	vsel vm2, v6, v4  }
0x54: {  	v13 =	vand.u32 v13, v14;
	v14 =	vperm.xlane v15, v2  }
0x55: {  	vm2 =	veq.s32 v13, $0x0;
	v16 =	vperm.xlane v13, v2  }
0x56: {  	v14 =	vsel vm2, v15, v14  }
0x57: {  	v13 =	vand.u32 v16, v13;
	v15 =	vperm.xlane v14, v3;
	v16 =	vld.idx.msk [tilespmem:v11+s12+$0x0], $0xffff  }
0x58: {  	vm2 =	veq.s32 v13, $0x0;
	v17 =	vperm.xlane v13, v3  }
0x59: {  	v14 =	vsel vm2, v14, v15  }
0x5a: {  	v13 =	vand.u32 v17, v13;
	v15 =	vperm.xlane v14, v5  }
0x5b: {  	v17 =	vshll.u32 v9, $0x9;
	vm2 =	veq.s32 v13, $0x0;
	v13 =	vperm.xlane v11, v7  }
0x5c: {  	v9 =	vshrl.u32 v9, $0x9;
	v17 =	vand.u32 $0x1E00, v17;
	v14 =	vsel vm2, v14, v15  }
0x5d: {  	vm2 =	vlt.s32 v11, $0x20;
	vm3 =	vne.s32 v13, v11;
	v13 =	vsub.s32 v16, v14  }
0x5e: {  	v15 =	vmul.u32 $0x300, v11;
	vm3 =	vmor vm3, vm1;
	v14 =	vadd.s32 v4, v13  }
0x5f: {  	vm4 =	vlt.s32 v14, $0x300;
	vm3 =	vmand vm2, vm3;
	vm5 =	vlt.s32 v14, $0x2FF  }
0x60: {  	v9 =	vadd.s32 v9, v17;
	vm2 =	vmand vm2, vm4;
	v14 =	vnsel vm5, $0x2FF, v14  }
0x61: {  	s21 =	sadd.s32 $0x10, s21;
	v9 =	vshll.u32 v9, $0x12;
	v16 =	vshrl.u32 v12, $0x1B;
	v14 =	vadd.s32 v15, v14  }
0x62: {  	v9 =	vor.u32 s21, v9;
	v15 =	vand.u32 $0x10, v16  }
0x63: {  	v9 =	vor.u32 v4, v9;
	v12 =	vadd.s32 v12, v15  }
.Ltmp0:
0x64: {  	v10 =	vperm.xlane v10, v12;
	v9 =	vperm.xlane v9, v12;
	v12 =	vadd.s32 v8, v13;
	(pc) =	sbr.rel @p1 .LBB2_4-.Ltmp0, $4  }
0x65: {  	[tilespmem:v11+s12+$0x0] =	vst.idx.msk vm3, v12  }
0x66: {  	[tilespmem:v14+s13+$0x0] =	vst.idx.msk vm2, v9  }
0x67: {  	s23 =	sshra.s32 s22, $0x2;
	[tilespmem:v14+s14+$0x0] =	vst.idx.msk vm2, v10  }
0x68: {  	s22 =	sadd.s32 $0x40, s22;
	v9 =	vld [tilespmem:s23+$0x0]  }
0x69: {  	_ = 	snop  }
0x6a: {  	v10 =	vld [tilespmem:s23+$0x1000];
	_ =	sdelay $0x2  }
0x6b: {  	v11 =	vshrl.u32 v9, $0x4  }
0x6c: {  	v11 =	vand.u32 $0x1F, v11  }
0x6d: {  	vm2 =	vgt.f32 v10, $0.0e+00;
	v11 =	vor.u32 $0x80000000, v11  }
0x6e: {  	v11 =	vnsel vm2, $0x8000003F, v11  }
0x6f: {  	(xrf1) =	vsort.ascd.msk.u32 $0xffff, v11, v4;
	_ =	sdelay $0xd  }
0x70: {  	v11, v12, _ =	vpop (xrf1)  }
0x71: {  	v11 =	vxor.u32 $0x80000000, v11  }
0x72: {  	v13 =	vperm.xlane v11, v0;
	_ =	sdelay $0x1  }
0x73: {  	vm2 =	veq.s32 v11, v13  }
0x74: {  	vm2 =	vmand vm2, vm0  }
0x75: {  	v55 =	vsel vm2, $0x1, v1  }
0x76: {  	v14 =	vperm.xlane v55, v0  }
0x77: {  	v15 =	vsel vm2, v6, v4  }
0x78: {  	v56 =	vperm.xlane v15, v2;
	v13 =	vand.u32 v55, v14  }
0x79: {  	vm2 =	veq.s32 v13, $0x0;
	v16 =	vperm.xlane v13, v2  }
0x7a: {  	v14 =	vsel vm2, v15, v56  }
0x7b: {  	v13 =	vand.u32 v16, v13;
	v15 =	vperm.xlane v14, v3  }
0x7c: {  	v57 =	vld.idx.msk [tilespmem:v11+s12+$0x0], $0xffff;
	vm2 =	veq.s32 v13, $0x0;
	v17 =	vperm.xlane v13, v3  }
0x7d: {  	v14 =	vsel vm2, v14, v15  }
0x7e: {  	v59 =	vperm.xlane v11, v7;
	v13 =	vand.u32 v17, v13;
	v15 =	vperm.xlane v14, v5  }
0x7f: {  	v58 =	vshll.u32 v9, $0x9;
	vm2 =	veq.s32 v13, $0x0  }
0x80: {  	v9 =	vshrl.u32 v9, $0x9;
	vm3 =	vne.s32 v59, v11;
	v14 =	vsel vm2, v14, v15  }
0x81: {  	v61 =	vmul.u32 $0x300, v11;
	vm3 =	vmor vm3, vm1;
	v60 =	vsub.s32 v57, v14  }
0x82: {  	v17 =	vand.u32 $0x1E00, v58;
	vm2 =	vlt.s32 v11, $0x20;
	v14 =	vadd.s32 v4, v60  }
0x83: {  	vm3 =	vmand vm2, vm3;
	vm4 =	vlt.s32 v14, $0x300;
	vm5 =	vlt.s32 v14, $0x2FF  }
0x84: {  	v9 =	vadd.s32 v9, v17;
	vm2 =	vmand vm2, vm4;
	v14 =	vnsel vm5, $0x2FF, v14  }
0x85: {  	s21 =	sadd.s32 $0x10, s21;
	s20 =	sadd.s32 $0x1, s20;
	v62 =	vshrl.u32 v12, $0x1B;
	v9 =	vshll.u32 v9, $0x12;
	v14 =	vadd.s32 v61, v14  }
0x86: {  	p1 =	sne.s32 s20, $0x8;
	v63 =	vand.u32 $0x10, v62;
	v9 =	vor.u32 s21, v9  }
.Ltmp1:
0x87: {  	v12 =	vadd.s32 v12, v63;
	v9 =	vor.u32 v4, v9;
	(pc) =	sbr.rel @p1 .LBB2_3-.Ltmp1, $4  }
0x88: {  	v13 =	vadd.s32 v8, v60;
	v9 =	vperm.xlane v9, v12  }
0x89: {  	v10 =	vperm.xlane v10, v12;
	[tilespmem:v11+s12+$0x0] =	vst.idx.msk vm3, v13  }
0x8a: {  	[tilespmem:v14+s13+$0x0] =	vst.idx.msk vm2, v9  }
0x8b: {  	s18 =	sadd.s32 $0x1000, s18;
	[tilespmem:v14+s14+$0x0] =	vst.idx.msk vm2, v10  }
0x8c: {  	s18 =	smul.u32 $0xC00, s16;
	_ =	sdelay $0x1  }
0x8d: {  	s17 =	sadd.s32 s4, s18  }
0x8e: {  	[hbm4b:s17+s1] =	stream.linear.scatter [tilespmem:s13], [sflag:$0x1], $0x6000, $0x38;
	[tilespmem:$0xE080] =	vst v63  }
0x8f: {  	s17 =	simm.s32 $0x1  }
0x90: {  	_ =	swait.ge [sflag:s17], $0x6000  }
0x91: {  	[sflag:s17] =	ssyncset.done $0x0  }
0x92: {  	s18 =	sadd.s32 s6, s18;
	[sflag:s17] =	ssyncadd.s32 $0xFFFFA000  }
0x93: {  	[hbm4b:s18+s1] =	stream.linear.scatter [tilespmem:s14], [sflag:$0x1], $0x6000, $0x38;
	[tilespmem:$0xE080] =	vst v63  }
0x94: {  	_ =	swait.ge [sflag:s17], $0x6000  }
0x95: {  	s31 =	sshll.u32 s16, $0x2;
	[sflag:s17] =	ssyncset.done $0x0  }
.Ltmp2:
0x96: {  	s16 =	sadd.s32 s7, s31;
	[sflag:s17] =	ssyncadd.s32 $0xFFFFA000;
	(pc) =	sbr.rel @p0 .LBB2_2-.Ltmp2, $4  }
0x97: {  	[hbm4b:s16+s1] =	stream.linear.scatter [tilespmem:s12], [sflag:$0x1], $0x20, $0x38;
	[tilespmem:$0xE080] =	vst v63  }
0x98: {  	_ =	swait.ge [sflag:s17], $0x20  }
0x99: {  	[sflag:s17] =	ssyncset.done $0x0  }
0x9a: {  	p1 =	por $0x0, $0x0;
	[sflag:s17] =	ssyncadd.s32 $0xFFFFFFE0  }
0x9b: {  	s15 =	sadd.s32 $0x1, s15  }
0x9c: {  	p0 =	sne.s32 s15, s9  }
.Ltmp3:
0x9d: {  	_ = 	snop;
	(pc) =	sbr.rel @p0 .LBB2_1-.Ltmp3, $1  }
0x9e: {  	_ =	sdelay $0x3  }
0x9f: {  	_ =	sfence.sel $0x180000  }
0xa0: {  	[bflag:$0x0] =	sbarrier.arrive $0xFFFF  }
0xa1: {  	p0 =	sne.s32 s5, $0x0;
	_ =	strace $0x90000047  }
0xa2: {  	s0 =	sadd.s32 @!p0 $0x100000, s0;
	[bflag:$0x2] =	sbarrier.arrive $0xFFFF  }
0xa3: {  	[sflag:s0] =	ssyncadd.tile.s32 @!p0 $0x1;
	_ =	shalt  }
.Lfunc_end2:
_tile_overlayer_lowered:
.L_overlay_start_2:
0xa4: {  	(tag) =	ssettag $0x2  }
0xa5: {  	s0 =	rddreg [dreg:$0x0];
	s2 =	stileid.u32  }
0xa6: {  	s1 =	rddreg [dreg:$0x1];
	p0 =	sne.s32 s2, $0x0  }
0xa7: {  	s3 =	rddreg [dreg:$0x2];
	[bflag:$0x3] =	sbarrier.arrive $0xFFFF;
	s2 =	simm.s32 @!p0 $0x1C01  }
0xa8: {  	[timem:s3], [sflag:s2] =	dma.local @!p0 [hbm:s0], s1  }
0xa9: {  	s0 =	simm.s32 @!p0 $0x1  }
0xaa: {  	_ =	swait.ge @!p0 [sflag:s0], s1  }
0xab: {  	s1 =	ssub.s32 @!p0 $0x0, s1;
	[sflag:s0] =	ssyncset.done @!p0 $0x0  }
0xac: {  	[sflag:s0] =	ssyncadd.s32 @!p0 s1  }
0xad: {  	[bflag:$0x3] =	sbarrier.arrive $0xFFFF  }
0xae: {  	_ =	shalt  }

// kernel: kernel.8.cloned.1.call-start
scs
__scs_entry_jumppad:
0x0: {  	(pc) =	sbr.rel $0x88, $3  }
0x1: {  	(tag) =	ssettag $0x0;
	lr =	simm.s32 $0x1  }
0x2: {  	[smem:$0x3F9F] =	sst lr;
	_ =	strace $0xD0000000  }
0x3: {  	_ = 	snop  }
0x4: {  	_ = 	snop  }
0x5: {  	_ = 	snop  }
0x6: {  	_ = 	snop  }
0x7: {  	_ = 	snop  }
__scs_overlays_trampoline_lowered:
0x8: {  	[smem:$0x3FAE] =	sst s0  }
0x9: {  	[smem:$0x3FAF] =	sst s1  }
0xa: {  	[smem:$0x3FB0] =	sst s2  }
0xb: {  	[smem:$0x3FB1] =	sst s3  }
0xc: {  	[smem:$0x3FB2] =	sst s4  }
0xd: {  	[smem:$0x3FB3] =	sst s5  }
0xe: {  	[smem:$0x3FB4] =	sst s6  }
0xf: {  	[smem:$0x3FB5] =	sst s7  }
0x10: {  	[smem:$0x3FB6] =	sst s8  }
0x11: {  	[smem:$0x3FB7] =	sst s9;
	s0 =	simm.s32 @!p0 $0x0  }
0x12: {  	s1 =	sld [smem:$0x3F9D];
	s0 =	simm.s32 @p0 $0x1  }
0x13: {  	[smem:$0x3FB8] =	sst s0;
	s0 =	simm.s32 @!p1 $0x0  }
0x14: {  	s2 =	sld [smem:$0x3F9C];
	s0 =	simm.s32 @p1 $0x1  }
0x15: {  	[smem:$0x3FB9] =	sst s0;
	s0 =	simm.s32 @!p2 $0x0  }
0x16: {  	s3 =	sld [smem:$0x3FDB];
	s0 =	simm.s32 @p2 $0x1  }
0x17: {  	s4 =	simm.s32 $0x1BF5;
	[smem:$0x3FBB] =	sst s0  }
0x18: {  	s0 =	sld [smem:$0x3F9E];
	_ =	swait.ge [sflag:s4], $0x0  }
0x19: {  	s7 =	sld [smem:$0x3F9F]  }
0x1a: {  	s8 =	sadd.s32 $0xFFFFE003, lr  }
0x1b: {  	s9 =	sadd.s32 $0xFFFFFEF7, lr;
	s5 =	simm.s32 $0xFFFFFFFF;
	p2 =	slt.u32 s8, $0xFFFFF086  }
0x1c: {  	p1 =	slt.u32 s9, $0xF7A;
	s5 =	simm.s32 @!p2 $0x0  }
0x1d: {  	s5 =	simm.s32 @p1 $0x1;
	p0 =	seq.s32 s7, s2  }
0x1e: {  	s7 =	smul.u32 @!p0 $0xF7A, s2;
	p2 =	seq.s32 @!p0 s5, $0x0  }
0x1f: {  	s9 =	smul.u32 $0xF7A, s1;
	s8 =	simm.s32 @!p0 $0x1BF5;
	p2 =	por !p2, p0  }
0x20: {  	[sflag:s8] =	ssyncset.s32 @!p0 $0xFFFFF086;
	s6 =	sadd.s32 @!p0 s3, s7;
	s7 =	simm.s32 @!p0 $0x108  }
0x21: {  	s3 =	sadd.s32 s3, s9;
	s6 =	sadd.s32 @!p0 $0x88, s6;
	s7 =	simm.s32 @p2 $0x1082  }
0x22: {  	[simem:s7], [sflag:s8] =	dma.local @!p0 [hbm:s6], $0xF7A  }
0x23: {  	s9 =	sor.u32 $0xD0000000, s2;
	s6 =	simm.s32 $0x108;
	_ =	swait.ge @!p0 [sflag:s8], $0x0  }
0x24: {  	s3 =	sadd.s32 $0x88, s3;
	s6 =	simm.s32 @!p1 $0x1082;
	[sflag:s4] =	ssyncset.s32 $0xFFFFF086  }
0x25: {  	[simem:s6], [sflag:s4] =	dma.local [hbm:s3], $0xF7A  }
0x26: {  	[smem:$0x3F9F] =	sst s1;
	(tag) =	ssettag s2;
	_ =	strace s9  }
0x27: {  	s1 =	sld [smem:$0x3FAF]  }
0x28: {  	s2 =	sld [smem:$0x3FB0]  }
0x29: {  	s4 =	sld [smem:$0x3FB2]  }
0x2a: {  	p0 =	seq.s32 s5, $0x0;
	s5 =	sld [smem:$0x3FB3]  }
0x2b: {  	s6 =	sld [smem:$0x3FB4]  }
0x2c: {  	s7 =	sld [smem:$0x3FB5]  }
0x2d: {  	s3 =	simm.s32 $0x108;
	s8 =	sld [smem:$0x3FB6]  }
0x2e: {  	s3 =	simm.s32 @!p0 $0x1082;
	s9 =	sld [smem:$0x3FB7]  }
0x2f: {  	lr =	sadd.s32 s0, s3;
	s0 =	sld [smem:$0x3FAE]  }
0x30: {  	s3 =	sld [smem:$0x3FB1]  }
0x31: {  	[smem:$0x3FBA] =	sst s10  }
0x32: {  	s10 =	sld [smem:$0x3FB8];
	_ =	sdelay $0x3  }
0x33: {  	p0 =	seq.s32 s10, $0x1;
	s10 =	sld [smem:$0x3FBA];
	_ =	sdelay $0x3  }
0x34: {  	[smem:$0x3FBA] =	sst s10  }
0x35: {  	s10 =	sld [smem:$0x3FB9];
	_ =	sdelay $0x3  }
0x36: {  	p1 =	seq.s32 s10, $0x1;
	s10 =	sld [smem:$0x3FBA];
	_ =	sdelay $0x3  }
0x37: {  	[smem:$0x3FBA] =	sst s10  }
0x38: {  	s10 =	sld [smem:$0x3FBB]  }
0x39: {  	_ = 	snop;
	(pc) =	sbr.ind lr, $3  }
0x3a: {  	_ = 	snop  }
0x3b: {  	_ = 	snop  }
0x3c: {  	p2 =	seq.s32 s10, $0x1;
	s10 =	sld [smem:$0x3FBA]  }
0x3d: {  	_ =	shalt  }
0x3e: {  	_ =	shalt  }
0x3f: {  	_ =	shalt  }
0x40: {  	_ =	shalt  }
0x41: {  	_ =	shalt  }
0x42: {  	_ =	shalt  }
0x43: {  	_ =	shalt  }
0x44: {  	_ =	shalt  }
0x45: {  	_ =	shalt  }
0x46: {  	_ =	shalt  }
0x47: {  	_ =	shalt  }
0x48: {  	_ =	shalt  }
0x49: {  	_ =	shalt  }
0x4a: {  	_ =	shalt  }
0x4b: {  	_ =	shalt  }
0x4c: {  	_ =	shalt  }
0x4d: {  	_ =	shalt  }
0x4e: {  	_ =	shalt  }
0x4f: {  	_ =	shalt  }
0x50: {  	_ =	shalt  }
0x51: {  	_ =	shalt  }
0x52: {  	_ =	shalt  }
0x53: {  	_ =	shalt  }
0x54: {  	_ =	shalt  }
0x55: {  	_ =	shalt  }
0x56: {  	_ =	shalt  }
0x57: {  	_ =	shalt  }
0x58: {  	_ =	shalt  }
0x59: {  	_ =	shalt  }
0x5a: {  	_ =	shalt  }
0x5b: {  	_ =	shalt  }
0x5c: {  	_ =	shalt  }
0x5d: {  	_ =	shalt  }
0x5e: {  	_ =	shalt  }
0x5f: {  	_ =	shalt  }
0x60: {  	_ =	shalt  }
0x61: {  	_ =	shalt  }
0x62: {  	_ =	shalt  }
0x63: {  	_ =	shalt  }
0x64: {  	_ =	shalt  }
0x65: {  	_ =	shalt  }
0x66: {  	_ =	shalt  }
0x67: {  	_ =	shalt  }
0x68: {  	_ =	shalt  }
0x69: {  	_ =	shalt  }
0x6a: {  	_ =	shalt  }
0x6b: {  	_ =	shalt  }
0x6c: {  	_ =	shalt  }
0x6d: {  	_ =	shalt  }
0x6e: {  	_ =	shalt  }
0x6f: {  	_ =	shalt  }
0x70: {  	_ =	shalt  }
0x71: {  	_ =	shalt  }
0x72: {  	_ =	shalt  }
0x73: {  	_ =	shalt  }
0x74: {  	_ =	shalt  }
0x75: {  	_ =	shalt  }
0x76: {  	_ =	shalt  }
0x77: {  	_ =	shalt  }
0x78: {  	_ =	shalt  }
0x79: {  	_ =	shalt  }
0x7a: {  	_ =	shalt  }
0x7b: {  	_ =	shalt  }
0x7c: {  	_ =	shalt  }
0x7d: {  	_ =	shalt  }
0x7e: {  	_ =	shalt  }
0x7f: {  	_ =	shalt  }
0x80: {  	_ =	shalt  }
0x81: {  	_ =	shalt  }
0x82: {  	_ =	shalt  }
0x83: {  	_ =	shalt  }
0x84: {  	_ =	shalt  }
0x85: {  	_ =	shalt  }
0x86: {  	_ =	shalt  }
0x87: {  	_ =	shalt  }
.Lfunc_end0:
.L_simem_size_0:
called_computation.1_lowered:
.L_overlay_start_0:
0x88: {  	s2 =	sld [smem:$0x3FD9]  }
0x89: {  	s3 =	sld [smem:$0x3FFE];
	_ =	sdelay $0x1  }
0x8a: {  	s1 =	srdreg.scid  }
0x8b: {  	s0 =	sand.u32 $0x1, s1  }
0x8c: {  	s17 =	sshll.u32 s0, $0xA;
	s2 =	sadd.s32 s3, s2  }
0x8d: {  	s2 =	sadd.s32 s2, s17  }
0x8e: {  	[smem:$0x3FC6] =	sst s2  }
0x8f: {  	_ = 	snop  }
0x90: {  	s2 =	sld [smem:$0x3FD0];
	(tm) =	ssettm $0x1  }
0x91: {  	s18 =	sld [smem:$0x3FFB];
	_ =	sdelay $0x3  }
0x92: {  	_ =	strace s18  }
0x93: {  	s3 =	sld [smem:$0x3FFC];
	_ =	sdelay $0x3  }
0x94: {  	_ =	strace s3  }
0x95: {  	s3 =	sld [smem:$0x3FFD];
	_ =	sdelay $0x3  }
0x96: {  	_ =	strace s3  }
0x97: {  	_ =	strace $0x8FFFFFFF  }
0x98: {  	s19 =	sld [smem:$0x3FDB];
	_ =	sdelay $0x1  }
0x99: {  	s4 =	simm.s32 $_scs_section_size  }
0x9a: {  	s5 =	simm.s32 $_size__tile_overlayer_lowered;
	s6 =	simm.s32 $_tile_overlayer_lowered  }
0x9b: {  	s22 =	simm.s32 $0x1BFF;
	s21 =	sshll.u32 s6, $0x1;
	s3 =	sadd.s32 s4, s19  }
0x9c: {  	s7 =	simm.s32 $0x0;
	s20 =	sshll.u32 s5, $0x1;
	s5 =	sadd.s32 s21, s3  }
0x9d: {  	[timem:s7], [sflag:s22] =	dma.local [hbm:s5], s20  }
0x9e: {  	_ =	swait.ge [sflag:s22], s20  }
0x9f: {  	s4 =	ssub.s32 $0x0, s20;
	[sflag:s22] =	ssyncset.done $0x0  }
0xa0: {  	[sflag:s22] =	ssyncadd.s32 s4;
	_ =	sdelay $0x1  }
0xa1: {  	s23 =	simm.s32 $0x1B8B  }
0xa2: {  	_ =	swait.ge [sflag:s23], $0x1  }
0xa3: {  	[sflag:s23] =	ssyncset.done $0x0  }
0xa4: {  	s25 =	simm.s32 $0x1B8E;
	s24 =	sld [smem:$0x3FFE];
	[sflag:s23] =	ssyncadd.s32 $0xFFFFFFFF  }
0xa5: {  	s26 =	simm.s32 $execute0_lowered;
	[smem:$0x3FD2] =	sst s25  }
0xa6: {  	s5 =	sshll.u32 s26, $0x1;
	_ =	strace $0x80000049;
	[dreg:$0x1] =	wrdreg $0xFFFFFFFF  }
0xa7: {  	s28 =	simm.s32 $_size_execute0_lowered;
	s3 =	sadd.s32 s3, s5;
	[dreg:$0x0] =	wrdreg $0x0  }
0xa8: {  	s5 =	sshll.u32 s28, $0x1;
	[dreg:$0x2] =	wrdreg s3  }
0xa9: {  	[dreg:$0x3] =	wrdreg s5  }
0xaa: {  	[dreg:$0x4] =	wrdreg $0xC0  }
0xab: {  	_ =	task [dreg:s7], $0x5FFFF  }
0xac: {  	[dreg:$0x1] =	wrdreg $0xFFFFFFFF  }
0xad: {  	[dreg:$0x0] =	wrdreg $0x60  }
0xae: {  	[dreg:$0x2] =	wrdreg s24  }
0xaf: {  	[dreg:$0x3] =	wrdreg s2  }
0xb0: {  	[dreg:$0x4] =	wrdreg $0x9  }
0xb1: {  	_ =	task.clear_ibuf [dreg:s7], $0x5FFFF;
	_ =	strace $0x90000049  }
0xb2: {  	s29 =	simm.s32 $0x9;
	_ =	strace $0x8000004B  }
0xb3: {  	_ =	swait.ge [sflag:s29], $0x1  }
0xb4: {  	[sflag:s29] =	ssyncadd.s32 $0xFFFFFFFF  }
0xb5: {  	_ =	strace $0x9000004B  }
0xb6: {  	_ =	sfence  }
0xb7: {  	s30 =	sld [smem:$0x0];
	_ =	sdelay $0x2  }
0xb8: {  	s31 =	sshll.u32 s1, $0xD;
	s1 =	sshrl.u32 s1, $0x2  }
0xb9: {  	s3 =	sand.u32 $0x4000, s31;
	s1 =	sadd.s32 s1, s30  }
0xba: {  	s0 =	sor.u32 s3, s0;
	s1 =	sshll.u32 s1, $0x11  }
0xbb: {  	s0 =	sor.u32 s1, s0  }
0xbc: {  	s0 =	sadd.s32 $0x8F2B, s0  }
0xbd: {  	[sflag:s0] =	ssyncadd.remote.s32 $0x1  }
0xbe: {  	_ =	sfence.sel $0xFFFF  }
0xbf: {  	[dreg:$0x0] =	wrdreg $0xFFFFFFFF;
	(pc) =	sbr.abs _section_cstart, $3  }
0xc0: {  	[dreg:$0x1] =	wrdreg $0xFFFFFFFF  }
0xc1: {  	_ =	task.clear_ibuf [dreg:s7], $0x2FFFF;
	_ =	strace $0x9FFFFFFF  }
0xc2: {  	(tm) =	ssettm $0x7FFFFFFF  }
0xc3: {  	_ =	shalt  }
tec
execute0_lowered:
.L_overlay_start_1:
0x0: {  	(tag) =	ssettag $0x1  }
0x1: {  	s0 =	rddreg [dreg:$0x0];
	v0 =	vimm.s32 $0xEDCBA987;
	v2 =	vimm.s32 $0x65432100;
	v6 =	vimm.s32 $0xDCBA9876  }
0x2: {  	s2 =	rddreg [dreg:$0x1];
	s4 =	simm.s32 $0x0;
	v8 =	vimm.s32 $0xE40000;
	v9 =	vimm.s32 $0x32100000;
	v10 =	vimm.s32 $0xBA987654  }
0x3: {  	s1 =	srdreg.scid;
	s3 =	stileid.u32;
	s15 =	simm.s32 $0x3000;
	v11 =	vimm.s32 $0x87654321;
	vm0 =	vcmask $0x3F30;
	v3 =	vunpack.c.l.s4.s8 v0  }
0x4: {  	s16 =	simm.s32 $0x4;
	s14 =	simm.s32 $0x2;
	s17 =	simm.s32 $0x17100;
	vm1 =	vcmask $0x3F3C;
	v4 =	vunpack.c.l.s4.s8 v2;
	v2 =	vimm.f32 $0.0e+00  }
0x5: {  	s18 =	simm.s32 $0x18100;
	s19 =	simm.s32 $0x5100;
	s20 =	simm.s32 $0x7100;
	v6 =	vunpack.c.l.s4.s8 v6;
	v5 =	vunpack.c.0.s8.s32 v3;
	v3 =	vimm.s32 $0x54321000  }
0x6: {  	s21 =	simm.s32 $0x9100;
	s1 =	sand.u32 $0x1, s1;
	s3 =	sshll.u32 s3, $0x1;
	v8 =	vunpack.c.l.s2.s4 v8;
	v9 =	vunpack.c.l.s4.s8 v9;
	v7 =	vunpack.c.l.s4.s8 v3  }
0x7: {  	s22 =	simm.s32 $0xB100;
	[smem:$0x7FF] =	sst s4;
	v10 =	vunpack.c.l.s4.s8 v10;
	v11 =	vunpack.c.l.s4.s8 v11;
	s4 =	sor.u32 s1, s3;
	v6 =	vunpack.c.0.s8.s32 v6  }
0x8: {  	s23 =	simm.s32 $0x13100;
	s24 =	simm.s32 $0x2000;
	s29 =	simm.s32 $0x15100;
	v0 =	vmov s4;
	v4 =	vunpack.c.0.s8.s32 v4;
	v7 =	vunpack.c.0.s8.s32 v7  }
0x9: {  	s30 =	simm.s32 $0x3;
	s5 =	sadd.s32 $0x82600, s0;
	s6 =	sadd.s32 $0xB2600, s0;
	v11 =	vunpack.c.0.s8.s32 v11;
	v5 =	vand.u32 $0xF, v5;
	v6 =	vand.u32 $0xF, v6  }
0xa: {  	s7 =	sadd.s32 $0xE2600, s0;
	s8 =	sadd.s32 $0x2600, s0;
	s9 =	sadd.s32 $0x42600, s0;
	v4 =	vcombine.low v4, v5;
	v5 =	vcombine.low v7, v6;
	v6 =	vunpack.c.l.s4.s8 v8  }
0xb: {  	s25 =	sadd.s32 $0xE2800, s0;
	s12 =	sadd.s32 $0xE2C00, s0;
	_ =	strace $0x8000004A;
	v8 =	vunpack.c.0.s8.s32 v9;
	v7 =	vunpack.c.0.s8.s32 v10;
	v10 =	vimm.s32 $0xFFEDCBA9  }
.Ltmp0:
0xc: {  	s1 =	ssub.s32 $0x2, s1;
	s3 =	sshll.u32 s4, $0x4;
	v9 =	vimm.s32 $0x7060504;
	v10 =	vunpack.c.l.s4.s8 v10;
	v6 =	vunpack.c.0.s8.s32 v6;
	(pc) =	sbr.rel .LBB2_1-.Ltmp0, $4  }
0xd: {  	[dreg:$0x3] =	wrdreg s7;
	s26 =	sshrl.u32 s1, $0x1;
	s28 =	smul.u32 $0x18, s4;
	v1 =	vmov s3;
	v3 =	vimm.s32 $0x40000;
	v9 =	vunpack.c.0.s8.s32 v9  }
0xe: {  	s13 =	sadd.s32 $0xE3000, s0;
	[dreg:$0x4] =	wrdreg s25;
	s1 =	ssub.s32 s1, s26;
	v12 =	vand.u32 $0xF, v7;
	v10 =	vunpack.c.0.s8.s32 v10;
	v6 =	vand.u32 $0x3, v6  }
0xf: {  	s7 =	simm.s32 $0x0;
	[dreg:$0x5] =	wrdreg s28;
	s31 =	smax.u32 s1, $0x1;
	v7 =	vlaneseq.u32;
	v8 =	vcombine.low v8, v12;
	v6 =	vsel vm0, v9, v6  }
0x10: {  	s3 =	simm.s32 $0x3100;
	s1 =	simm.s32 $0x1;
	[dreg:$0x6] =	wrdreg s31;
	vm0 =	vcmask $0x3F04;
	v9 =	vimm.s32 $0x0;
	v10 =	vcombine.low v11, v10  }
.LBB2_38:
0x11: {  	s7 =	rddreg [dreg:$0x7]  }
0x12: {  	s0 =	rddreg [dreg:$0x6];
	s7 =	sadd.s32 $0x1, s7  }
0x13: {  	p0 =	sne.s32 s7, s0  }
.Ltmp1:
0x14: {  	_ = 	snop;
	(pc) =	sbr.rel @!p0 .LBB2_39-.Ltmp1, $1  }
0x15: {  	_ =	sdelay $0x3  }
.LBB2_1:
0x16: {  	[dreg:$0x7] =	wrdreg s7;
	s31 =	simm.s32 $0x0  }
.LBB2_2:
0x17: {  	s0 =	simm.s32 $0x40;
	s7 =	simm.s32 $0x0  }
.LBB2_3:
0x18: {  	p0 =	sne.s32 s0, $0x7FC0;
	[tilespmem:s7+$0x3100] =	vst v2;
	s10 =	smov.u32 s0;
	s0 =	sadd.s32 $0x40, s0  }
.Ltmp2:
0x19: {  	[tilespmem:s7+$0x5100] =	vst v3;
	(pc) =	sbr.rel @p0 .LBB2_3-.Ltmp2, $2  }
0x1a: {  	_ =	sdelay $0x2  }
0x1b: {  	s7 =	sshra.s32 s10, $0x2  }
0x1c: {  	[tilespmem:s7+$0x3100] =	vst v2;
	s0 =	sshll.u32 s31, $0x5;
	s10 =	rddreg [dreg:$0x3]  }
0x1d: {  	[tilespmem:s7+$0x5100] =	vst v3;
	s11 =	sshll.u32 s31, $0x8;
	s7 =	sadd.s32 s10, s0;
	s0 =	simm.s32 $0x0  }
0x1e: {  	[tilespmem:s15], [sflag:$0x4] =	stream.linear.gather [hbm4b:s7+s0], $0x100, $0x38;
	[tilespmem:$0x19100] =	vst v63  }
0x1f: {  	s7 =	sor.u32 s4, s11  }
0x20: {  	_ =	swait.ge [sflag:s16], $0x100;
	s7 =	smul.u32 $0x60, s7  }
0x21: {  	[sflag:s16] =	ssyncset.done $0x0  }
0x22: {  	[sflag:s16] =	ssyncadd.s32 $0xFFFFFF00;
	s10 =	sadd.s32 s5, s7  }
0x23: {  	[tilespmem:s0], [sflag:$0x1] =	stream.linear.gather [hbm4b:s10+s0], $0x300, $0x38;
	[tilespmem:$0x19100] =	vst v63  }
0x24: {  	s11 =	simm.s32 $0x1800;
	s25 =	sadd.s32 s6, s7;
	s26 =	sadd.s32 $0xC00, s7  }
0x25: {  	[tilespmem:s11], [sflag:$0x2] =	stream.linear.gather [hbm4b:s25+s0], $0x300, $0x38;
	[tilespmem:$0x19100] =	vst v63  }
0x26: {  	s28 =	simm.s32 $0x300;
	s25 =	sadd.s32 s5, s26  }
0x27: {  	[tilespmem:s28], [sflag:$0x1] =	stream.linear.gather [hbm4b:s25+s0], $0x300, $0x38;
	[tilespmem:$0x19100] =	vst v63  }
0x28: {  	s10 =	sadd.s32 s6, s26;
	s25 =	simm.s32 $0x1B00  }
0x29: {  	[tilespmem:s25], [sflag:$0x2] =	stream.linear.gather [hbm4b:s10+s0], $0x300, $0x38;
	[tilespmem:$0x19100] =	vst v63  }
0x2a: {  	s10 =	sadd.s32 $0x1800, s7  }
0x2b: {  	s28 =	simm.s32 $0x600;
	s26 =	sadd.s32 s5, s10  }
0x2c: {  	[tilespmem:s28], [sflag:$0x1] =	stream.linear.gather [hbm4b:s26+s0], $0x300, $0x38;
	[tilespmem:$0x19100] =	vst v63  }
0x2d: {  	s25 =	simm.s32 $0x1E00;
	s10 =	sadd.s32 s6, s10  }
0x2e: {  	[tilespmem:s25], [sflag:$0x2] =	stream.linear.gather [hbm4b:s10+s0], $0x300, $0x38;
	[tilespmem:$0x19100] =	vst v63  }
0x2f: {  	s10 =	sadd.s32 $0x2400, s7  }
0x30: {  	s28 =	simm.s32 $0x900;
	s26 =	sadd.s32 s5, s10  }
0x31: {  	[tilespmem:s28], [sflag:$0x1] =	stream.linear.gather [hbm4b:s26+s0], $0x300, $0x38;
	[tilespmem:$0x19100] =	vst v63  }
0x32: {  	s25 =	simm.s32 $0x2100;
	s10 =	sadd.s32 s6, s10  }
0x33: {  	[tilespmem:s25], [sflag:$0x2] =	stream.linear.gather [hbm4b:s10+s0], $0x300, $0x38;
	[tilespmem:$0x19100] =	vst v63  }
0x34: {  	s10 =	sadd.s32 $0x3000, s7  }
0x35: {  	s28 =	simm.s32 $0xC00;
	s26 =	sadd.s32 s5, s10  }
0x36: {  	[tilespmem:s28], [sflag:$0x1] =	stream.linear.gather [hbm4b:s26+s0], $0x300, $0x38;
	[tilespmem:$0x19100] =	vst v63  }
0x37: {  	s25 =	simm.s32 $0x2400;
	s10 =	sadd.s32 s6, s10  }
0x38: {  	[tilespmem:s25], [sflag:$0x2] =	stream.linear.gather [hbm4b:s10+s0], $0x300, $0x38;
	[tilespmem:$0x19100] =	vst v63  }
0x39: {  	s10 =	sadd.s32 $0x3C00, s7  }
0x3a: {  	s28 =	simm.s32 $0xF00;
	s26 =	sadd.s32 s5, s10  }
0x3b: {  	[tilespmem:s28], [sflag:$0x1] =	stream.linear.gather [hbm4b:s26+s0], $0x300, $0x38;
	[tilespmem:$0x19100] =	vst v63  }
0x3c: {  	s10 =	sadd.s32 s6, s10;
	s26 =	simm.s32 $0x2700;
	s28 =	sadd.s32 $0x4800, s7  }
0x3d: {  	[tilespmem:s26], [sflag:$0x2] =	stream.linear.gather [hbm4b:s10+s0], $0x300, $0x38;
	[tilespmem:$0x19100] =	vst v63  }
0x3e: {  	s11 =	sadd.s32 s5, s28;
	s26 =	simm.s32 $0x1200  }
0x3f: {  	[tilespmem:s26], [sflag:$0x1] =	stream.linear.gather [hbm4b:s11+s0], $0x300, $0x38;
	[tilespmem:$0x19100] =	vst v63  }
0x40: {  	s7 =	sadd.s32 $0x5400, s7;
	s10 =	sadd.s32 s6, s28;
	s28 =	simm.s32 $0x2A00  }
0x41: {  	[tilespmem:s28], [sflag:$0x2] =	stream.linear.gather [hbm4b:s10+s0], $0x300, $0x38;
	[tilespmem:$0x19100] =	vst v63  }
0x42: {  	s25 =	sadd.s32 s5, s7;
	s26 =	simm.s32 $0x1500  }
0x43: {  	[tilespmem:s26], [sflag:$0x1] =	stream.linear.gather [hbm4b:s25+s0], $0x300, $0x38;
	[tilespmem:$0x19100] =	vst v63  }
0x44: {  	s7 =	sadd.s32 s6, s7;
	s28 =	simm.s32 $0x2D00  }
0x45: {  	[tilespmem:s28], [sflag:$0x2] =	stream.linear.gather [hbm4b:s7+s0], $0x300, $0x38;
	[tilespmem:$0x19100] =	vst v63  }
0x46: {  	_ =	swait.ge [sflag:s1], $0x1800  }
0x47: {  	[sflag:s1] =	ssyncset.done $0x0  }
0x48: {  	[sflag:s1] =	ssyncadd.s32 $0xFFFFE800  }
0x49: {  	_ =	swait.ge [sflag:s14], $0x1800  }
0x4a: {  	[sflag:s14] =	ssyncset.done $0x0  }
0x4b: {  	[sflag:s14] =	ssyncadd.s32 $0xFFFFE800  }
0x4c: {  	v26 =	vld [tilespmem:$0x3000]  }
0x4d: {  	v25 =	vld [tilespmem:$0x3010]  }
0x4e: {  	v24 =	vld [tilespmem:$0x3020]  }
0x4f: {  	v23 =	vld [tilespmem:$0x3030]  }
0x50: {  	v22 =	vld [tilespmem:$0x3040]  }
0x51: {  	v21 =	vld [tilespmem:$0x3050]  }
0x52: {  	v20 =	vld [tilespmem:$0x3060]  }
0x53: {  	v19 =	vld [tilespmem:$0x3070]  }
0x54: {  	v18 =	vld [tilespmem:$0x3080]  }
0x55: {  	v17 =	vld [tilespmem:$0x3090]  }
0x56: {  	v16 =	vld [tilespmem:$0x30A0]  }
.Ltmp3:
0x57: {  	v15 =	vld [tilespmem:$0x30B0];
	(pc) =	sbr.rel .LBB2_5-.Ltmp3, $4  }
0x58: {  	v14 =	vld [tilespmem:$0x30C0]  }
0x59: {  	v13 =	vld [tilespmem:$0x30D0]  }
0x5a: {  	v12 =	vld [tilespmem:$0x30E0]  }
0x5b: {  	s25 =	simm.s32 $0x0;
	s26 =	simm.s32 $0x0;
	v11 =	vld [tilespmem:$0x30F0]  }
.LBB2_7:
0x5c: {  	s28 =	simm.s32 $0x0  }
.LBB2_10:
0x5d: {  	_ =	sdelay $0x3  }
0x5e: {  	s7 =	sand.u32 $0xFFFFFF80, s10;
	s11 =	sand.u32 $0x70, s28  }
0x5f: {  	[tilespmem:v28+s3+$0x0] =	vst.idx.msk @p0 vm2, v29;
	s7 =	sor.u32 s11, s7  }
0x60: {  	v28 =	vld [tilespmem:s7+$0x0];
	_ =	sdelay $0x1  }
0x61: {  	v29 =	vld [tilespmem:s7+$0x1800];
	_ =	sdelay $0x1  }
0x62: {  	v30 =	vor.u32 s28, v7  }
0x63: {  	vm2 =	vlt.s32 v30, v27;
	v27 =	vxor.u32 $0x80000000, v28  }
0x64: {  	v27 =	vnsel vm2, $0x7FFFFFFF, v27  }
0x65: {  	(xrf1) =	vsort.ascd.msk.u32 $0xffff, v27, v29;
	_ =	sdelay $0xd  }
0x66: {  	v27, v53, _ =	vpop (xrf1)  }
0x67: {  	v54 =	vshrl.u32 v27, $0x12  }
0x68: {  	v29 =	vxor.u32 $0x2000, v54  }
0x69: {  	v55 =	vperm.xlane v29, v4;
	_ =	sdelay $0x1  }
0x6a: {  	v56 =	vperm.xlane v53, v4;
	vm2 =	veq.s32 v29, v55  }
0x6b: {  	vm2 =	vmand vm2, vm0  }
0x6c: {  	v30 =	vmax.f32 v53, v56;
	v31 =	vsel vm2, $0x1, v9  }
0x6d: {  	v28 =	vsel vm2, v30, v53;
	v57 =	vperm.xlane v31, v4  }
0x6e: {  	v32 =	vperm.xlane v28, v5  }
0x6f: {  	v30 =	vand.u32 v31, v57  }
0x70: {  	v58 =	vmin.u32 v29, $0x1FFF;
	v32 =	vmax.f32 v28, v32;
	vm2 =	veq.s32 v30, $0x0  }
0x71: {  	v59 =	vperm.xlane v30, v5;
	v28 =	vsel vm2, v28, v32  }
0x72: {  	v33 =	vperm.xlane v28, v8  }
0x73: {  	v30 =	vand.u32 v59, v30  }
0x74: {  	vm2 =	veq.s32 v30, $0x0;
	v60 =	vmax.f32 v28, v33  }
0x75: {  	v61 =	vld.idx.msk [tilespmem:v58+s3+$0x0], $0xffff;
	v62 =	vperm.xlane v30, v8;
	v28 =	vsel vm2, v28, v60  }
0x76: {  	v35 =	vperm.xlane v29, v10;
	v34 =	vperm.xlane v28, v6  }
0x77: {  	v30 =	vand.u32 v62, v30  }
0x78: {  	vm3 =	vne.s32 v35, v29;
	vm2 =	veq.s32 v30, $0x0;
	v63 =	vmax.f32 v28, v34  }
0x79: {  	vm4 =	vlt.s32 v27, $0x0;
	v27 =	vsel vm2, v28, v63;
	vm2 =	vmor vm3, vm1  }
0x7a: {  	vm2 =	vmand vm4, vm2;
	vm3 =	vgt.f32 v27, v61  }
0x7b: {  	vm2 =	vmand vm2, vm3;
	_ =	sdelay $0x5  }
0x7c: {  	[tilespmem:v58+s3+$0x0] =	vst.idx.msk vm2, v27  }
.LBB2_11:
0x7d: {  	s26 =	sadd.s32 $0x1, s26  }
0x7e: {  	p0 =	sne.s32 s26, $0x8  }
.Ltmp4:
0x7f: {  	_ = 	snop;
	(pc) =	sbr.rel @!p0 .LBB2_12-.Ltmp4, $2  }
0x80: {  	_ =	sdelay $0x2  }
0x81: {  	s25 =	sadd.s32 $0x300, s25  }
.LBB2_5:
0x82: {  	s7 =	sshll.u32 s26, $0x5  }
0x83: {  	s7 =	sor.u32 s4, s7  }
0x84: {  	v27 =	vmov s7;
	_ =	sdelay $0x4  }
0x85: {  	v27 =	vld.idx.msk [tilespmem:v27+s15+$0x0], $0xffff;
	_ =	sdelay $0x4  }
0x86: {  	vm2 =	vlt.s32 v27, $0x300  }
0x87: {  	v28 =	vnsel vm2, $0x300, v27  }
0x88: {  	v28 =	vxor.u32 $0x80000000, v28  }
0x89: {  	(xrf0) =	vmax.scan.msk.u32 $0xffff, v28;
	_ =	sdelay $0x5  }
0x8a: {  	v28, _, _ =	vpop (xrf0)  }
0x8b: {  	(v2sf) =	vpush v28, $0xF;
	_ =	sdelay $0xe  }
0x8c: {  	s28 =	spop (v2sf)  }
0x8d: {  	s7 =	sadd.s32 $0x8000000F, s28  }
0x8e: {  	p0 =	slt.s32 s7, $0x10  }
.Ltmp5:
0x8f: {  	_ = 	snop;
	(pc) =	sbr.rel @p0 .LBB2_11-.Ltmp5, $1  }
0x90: {  	_ =	sdelay $0x3  }
0x91: {  	s10 =	sshra.s32 s7, $0x1F  }
0x92: {  	s10 =	sshrl.u32 s10, $0x1C  }
0x93: {  	s28 =	sadd.s32 s10, s7  }
0x94: {  	s7 =	sshra.s32 s28, $0x4  }
0x95: {  	p1 =	sne.s32 s7, $0x1  }
.Ltmp6:
0x96: {  	_ = 	snop;
	(pc) =	sbr.rel @!p1 .LBB2_7-.Ltmp6, $2  }
0x97: {  	_ =	sdelay $0x2  }
0x98: {  	p0 =	por $0x0, $0x0;
	s10 =	sadd.s32 $0x0, s25;
	s7 =	sadd.s32 $0xFFFFFFFF, s7  }
0x99: {  	s10 =	sand.u32 $0xFFFFFF80, s10;
	s28 =	sand.u32 $0x70, s0  }
0x9a: {  	s10 =	sor.u32 s28, s10  }
0x9b: {  	v28 =	vld [tilespmem:s10+$0x0];
	_ =	sdelay $0x1  }
0x9c: {  	v29 =	vld [tilespmem:s10+$0x1800];
	_ =	sdelay $0x1  }
0x9d: {  	v30 =	vor.u32 s0, v7  }
0x9e: {  	vm2 =	vlt.s32 v30, v27;
	v28 =	vxor.u32 $0x80000000, v28  }
0x9f: {  	v28 =	vnsel vm2, $0x7FFFFFFF, v28  }
0xa0: {  	(xrf1) =	vsort.ascd.msk.u32 $0xffff, v28, v29;
	_ =	sdelay $0xd  }
0xa1: {  	v29, v28, _ =	vpop (xrf1)  }
0xa2: {  	v30 =	vshrl.u32 v29, $0x12  }
0xa3: {  	v30 =	vxor.u32 $0x2000, v30  }
0xa4: {  	v31 =	vperm.xlane v30, v4;
	_ =	sdelay $0x1  }
0xa5: {  	vm2 =	veq.s32 v30, v31;
	v31 =	vperm.xlane v28, v4  }
0xa6: {  	vm2 =	vmand vm2, vm0  }
0xa7: {  	v32 =	vsel vm2, $0x1, v9;
	v31 =	vmax.f32 v28, v31  }
0xa8: {  	v31 =	vsel vm2, v31, v28;
	v28 =	vperm.xlane v32, v4  }
0xa9: {  	v33 =	vperm.xlane v31, v5  }
0xaa: {  	v32 =	vand.u32 v32, v28  }
0xab: {  	v28 =	vmin.u32 v30, $0x1FFF;
	vm2 =	veq.s32 v32, $0x0;
	v33 =	vmax.f32 v31, v33  }
0xac: {  	v59 =	vperm.xlane v32, v5;
	v31 =	vsel vm2, v31, v33  }
0xad: {  	v34 =	vperm.xlane v31, v8  }
0xae: {  	v32 =	vand.u32 v59, v32  }
0xaf: {  	vm2 =	veq.s32 v32, $0x0;
	v60 =	vmax.f32 v31, v34  }
0xb0: {  	v62 =	vperm.xlane v32, v8;
	v61 =	vld.idx.msk [tilespmem:v28+s3+$0x0], $0xffff;
	v31 =	vsel vm2, v31, v60  }
0xb1: {  	v36 =	vperm.xlane v30, v10;
	v35 =	vperm.xlane v31, v6  }
0xb2: {  	v32 =	vand.u32 v62, v32  }
0xb3: {  	vm3 =	vne.s32 v36, v30;
	vm2 =	veq.s32 v32, $0x0;
	v63 =	vmax.f32 v31, v35  }
0xb4: {  	vm4 =	vlt.s32 v29, $0x0;
	v29 =	vsel vm2, v31, v63;
	vm2 =	vmor vm3, vm1  }
0xb5: {  	p1 =	sne.s32 s7, $0x1;
	vm2 =	vmand vm4, vm2;
	vm3 =	vgt.f32 v29, v61  }
.Ltmp7:
0xb6: {  	vm2 =	vmand vm2, vm3;
	(pc) =	sbr.rel @!p1 .LBB2_10-.Ltmp7, $3  }
0xb7: {  	_ =	sdelay $0x1  }
0xb8: {  	s7 =	sadd.s32 $0xFFFFFFFF, s7  }
0xb9: {  	p0 =	por $0x1, $0x1;
	s28 =	simm.s32 $0x10;
	s10 =	sadd.s32 $0x10, s25  }
.LBB2_9:
0xba: {  	p1 =	sne.s32 s7, $0x1;
	s10 =	sand.u32 $0xFFFFFF80, s10;
	s11 =	sand.u32 $0x70, s28  }
0xbb: {  	s10 =	sor.u32 s11, s10;
	[tilespmem:v28+s3+$0x0] =	vst.idx.msk vm2, v29  }
0xbc: {  	v28 =	vld [tilespmem:s10+$0x0];
	_ =	sdelay $0x1  }
0xbd: {  	v29 =	vld [tilespmem:s10+$0x1800];
	_ =	sdelay $0x1  }
0xbe: {  	v30 =	vor.u32 s28, v7  }
0xbf: {  	vm2 =	vlt.s32 v30, v27;
	v28 =	vxor.u32 $0x80000000, v28  }
0xc0: {  	v28 =	vnsel vm2, $0x7FFFFFFF, v28  }
0xc1: {  	(xrf1) =	vsort.ascd.msk.u32 $0xffff, v28, v29;
	_ =	sdelay $0xd  }
0xc2: {  	v29, v28, _ =	vpop (xrf1)  }
0xc3: {  	v30 =	vshrl.u32 v29, $0x12  }
0xc4: {  	v30 =	vxor.u32 $0x2000, v30  }
0xc5: {  	v31 =	vperm.xlane v30, v4;
	_ =	sdelay $0x1  }
0xc6: {  	vm2 =	veq.s32 v30, v31;
	v31 =	vperm.xlane v28, v4  }
0xc7: {  	vm2 =	vmand vm2, vm0  }
0xc8: {  	v32 =	vsel vm2, $0x1, v9;
	v31 =	vmax.f32 v28, v31  }
0xc9: {  	v31 =	vsel vm2, v31, v28;
	v28 =	vperm.xlane v32, v4  }
0xca: {  	v33 =	vperm.xlane v31, v5  }
0xcb: {  	v32 =	vand.u32 v32, v28;
	v28 =	vmin.u32 v30, $0x1FFF  }
0xcc: {  	vm2 =	veq.s32 v32, $0x0;
	v33 =	vmax.f32 v31, v33  }
0xcd: {  	v31 =	vsel vm2, v31, v33;
	v33 =	vperm.xlane v32, v5  }
0xce: {  	v34 =	vperm.xlane v31, v8  }
0xcf: {  	v32 =	vand.u32 v33, v32  }
0xd0: {  	vm2 =	veq.s32 v32, $0x0;
	v33 =	vmax.f32 v31, v34;
	v34 =	vld.idx.msk [tilespmem:v28+s3+$0x0], $0xffff  }
0xd1: {  	v31 =	vsel vm2, v31, v33;
	v33 =	vperm.xlane v32, v8  }
0xd2: {  	v36 =	vperm.xlane v30, v10;
	v35 =	vperm.xlane v31, v6  }
0xd3: {  	v32 =	vand.u32 v33, v32  }
0xd4: {  	vm3 =	vne.s32 v36, v30;
	vm2 =	veq.s32 v32, $0x0;
	v32 =	vmax.f32 v31, v35  }
0xd5: {  	vm4 =	vlt.s32 v29, $0x0;
	v29 =	vsel vm2, v31, v32;
	vm2 =	vmor vm3, vm1  }
0xd6: {  	vm2 =	vmand vm4, vm2;
	vm3 =	vgt.f32 v29, v34  }
.Ltmp8:
0xd7: {  	vm2 =	vmand vm2, vm3;
	(pc) =	sbr.rel @p1 .LBB2_9-.Ltmp8, $3  }
0xd8: {  	_ =	sdelay $0x1  }
0xd9: {  	s28 =	sadd.s32 $0x10, s28  }
0xda: {  	s7 =	sadd.s32 $0xFFFFFFFF, s7;
	s10 =	sadd.s32 s28, s25  }
.Ltmp9:
0xdb: {  	_ = 	snop;
	(pc) =	sbr.rel .LBB2_10-.Ltmp9, $1  }
0xdc: {  	_ =	sdelay $0x3  }
.LBB2_12:
0xdd: {  	v26 =	vxor.u32 $0x80000000, v26  }
0xde: {  	v25 =	vxor.u32 $0x80000000, v25;
	(xrf0) =	vmax.scan.msk.u32 $0xffff, v26  }
0xdf: {  	(xrf0) =	vmax.scan.msk.u32 $0xffff, v25  }
0xe0: {  	v24 =	vxor.u32 $0x80000000, v24  }
0xe1: {  	(xrf0) =	vmax.scan.msk.u32 $0xffff, v24  }
0xe2: {  	v23 =	vxor.u32 $0x80000000, v23  }
0xe3: {  	(xrf0) =	vmax.scan.msk.u32 $0xffff, v23  }
0xe4: {  	v22 =	vxor.u32 $0x80000000, v22;
	v51, _, _ =	vpop (xrf0)  }
0xe5: {  	(xrf0) =	vmax.scan.msk.u32 $0xffff, v22;
	(v2sf) =	vpush v51, $0xF;
	v52, _, _ =	vpop (xrf0)  }
0xe6: {  	v21 =	vxor.u32 $0x80000000, v21;
	(v2sf) =	vpush v52, $0xF  }
0xe7: {  	(xrf0) =	vmax.scan.msk.u32 $0xffff, v21;
	v53, _, _ =	vpop (xrf0)  }
0xe8: {  	v20 =	vxor.u32 $0x80000000, v20;
	(v2sf) =	vpush v53, $0xF  }
0xe9: {  	(xrf0) =	vmax.scan.msk.u32 $0xffff, v20;
	v54, _, _ =	vpop (xrf0)  }
0xea: {  	v19 =	vxor.u32 $0x80000000, v19;
	(v2sf) =	vpush v54, $0xF  }
0xeb: {  	v55, _, _ =	vpop (xrf0);
	(xrf0) =	vmax.scan.msk.u32 $0xffff, v19  }
0xec: {  	v18 =	vxor.u32 $0x80000000, v18;
	(v2sf) =	vpush v55, $0xF  }
0xed: {  	v56, _, _ =	vpop (xrf0);
	(xrf0) =	vmax.scan.msk.u32 $0xffff, v18  }
0xee: {  	v17 =	vxor.u32 $0x80000000, v17;
	(v2sf) =	vpush v56, $0xF  }
0xef: {  	v57, _, _ =	vpop (xrf0);
	(xrf0) =	vmax.scan.msk.u32 $0xffff, v17  }
0xf0: {  	v16 =	vxor.u32 $0x80000000, v16;
	(v2sf) =	vpush v57, $0xF  }
0xf1: {  	v58, _, _ =	vpop (xrf0);
	(xrf0) =	vmax.scan.msk.u32 $0xffff, v16  }
0xf2: {  	v15 =	vxor.u32 $0x80000000, v15;
	(v2sf) =	vpush v58, $0xF  }
0xf3: {  	v59, _, _ =	vpop (xrf0);
	(xrf0) =	vmax.scan.msk.u32 $0xffff, v15  }
0xf4: {  	v14 =	vxor.u32 $0x80000000, v14;
	s0 =	spop (v2sf);
	(v2sf) =	vpush v59, $0xF  }
0xf5: {  	v60, _, _ =	vpop (xrf0);
	(xrf0) =	vmax.scan.msk.u32 $0xffff, v14;
	s7 =	spop (v2sf)  }
0xf6: {  	v13 =	vxor.u32 $0x80000000, v13;
	s0 =	sxor.u32 $0x80000000, s0;
	(v2sf) =	vpush v60, $0xF;
	s7 =	sxor.u32 $0x80000000, s7  }
0xf7: {  	s10 =	spop (v2sf);
	v61, _, _ =	vpop (xrf0);
	(xrf0) =	vmax.scan.msk.u32 $0xffff, v13;
	p0 =	sgt.s32 s0, s7  }
0xf8: {  	v12 =	vxor.u32 $0x80000000, v12;
	(v2sf) =	vpush v61, $0xF;
	s7 =	smov.u32 @p0 s0;
	s0 =	sxor.u32 $0x80000000, s10  }
0xf9: {  	s28 =	spop (v2sf);
	v62, _, _ =	vpop (xrf0);
	(xrf0) =	vmax.scan.msk.u32 $0xffff, v12;
	p0 =	sgt.s32 s7, s0  }
0xfa: {  	v11 =	vxor.u32 $0x80000000, v11;
	(v2sf) =	vpush v62, $0xF;
	s0 =	smov.u32 @p0 s7;
	s7 =	sxor.u32 $0x80000000, s28  }
0xfb: {  	v63, _, _ =	vpop (xrf0);
	(xrf0) =	vmax.scan.msk.u32 $0xffff, v11;
	s11 =	spop (v2sf);
	p0 =	sgt.s32 s0, s7  }
0xfc: {  	(v2sf) =	vpush v63, $0xF;
	s7 =	smov.u32 @p0 s0;
	s0 =	sxor.u32 $0x80000000, s11  }
0xfd: {  	s25 =	spop (v2sf);
	v11, _, _ =	vpop (xrf0);
	p0 =	sgt.s32 s7, s0  }
0xfe: {  	(v2sf) =	vpush v11, $0xF;
	s0 =	smov.u32 @p0 s7;
	s7 =	sxor.u32 $0x80000000, s25  }
0xff: {  	s26 =	spop (v2sf);
	v11, _, _ =	vpop (xrf0);
	p0 =	sgt.s32 s0, s7  }
0x100: {  	(v2sf) =	vpush v11, $0xF;
	s7 =	smov.u32 @p0 s0;
	s0 =	sxor.u32 $0x80000000, s26  }
0x101: {  	v11, _, _ =	vpop (xrf0);
	s28 =	spop (v2sf);
	p0 =	sgt.s32 s7, s0  }
0x102: {  	(v2sf) =	vpush v11, $0xF;
	s0 =	smov.u32 @p0 s7;
	s7 =	sxor.u32 $0x80000000, s28  }
0x103: {  	s11 =	spop (v2sf);
	p0 =	sgt.s32 s0, s7  }
0x104: {  	s7 =	smov.u32 @p0 s0;
	s0 =	sxor.u32 $0x80000000, s11  }
0x105: {  	s25 =	spop (v2sf);
	p0 =	sgt.s32 s7, s0  }
0x106: {  	s0 =	smov.u32 @p0 s7;
	s7 =	sxor.u32 $0x80000000, s25  }
0x107: {  	s26 =	spop (v2sf);
	p0 =	sgt.s32 s0, s7  }
0x108: {  	s7 =	smov.u32 @p0 s0;
	s0 =	sxor.u32 $0x80000000, s26  }
0x109: {  	s28 =	spop (v2sf);
	p0 =	sgt.s32 s7, s0  }
0x10a: {  	s0 =	smov.u32 @p0 s7;
	s7 =	sxor.u32 $0x80000000, s28  }
0x10b: {  	s11 =	spop (v2sf);
	p0 =	sgt.s32 s0, s7  }
0x10c: {  	s7 =	smov.u32 @p0 s0;
	s0 =	sxor.u32 $0x80000000, s11  }
0x10d: {  	s25 =	spop (v2sf);
	p0 =	sgt.s32 s7, s0  }
0x10e: {  	s0 =	smov.u32 @p0 s7;
	s7 =	sxor.u32 $0x80000000, s25  }
0x10f: {  	s26 =	spop (v2sf);
	p0 =	sgt.s32 s0, s7  }
0x110: {  	s7 =	smov.u32 @p0 s0;
	s0 =	sxor.u32 $0x80000000, s26  }
0x111: {  	s28 =	spop (v2sf);
	p0 =	sgt.s32 s7, s0  }
0x112: {  	s0 =	smov.u32 @p0 s7;
	s7 =	sxor.u32 $0x80000000, s28  }
0x113: {  	p0 =	sgt.s32 s0, s7  }
0x114: {  	s7 =	smov.u32 @p0 s0  }
0x115: {  	p0 =	slt.s32 s7, $0x301  }
.Ltmp10:
0x116: {  	_ = 	snop;
	(pc) =	sbr.rel @!p0 .LBB2_13-.Ltmp10, $2  }
0x117: {  	_ =	sdelay $0x2  }
0x118: {  	s25 =	simm.s32 $0x0;
	s0 =	sshll.u32 s31, $0x12;
	s7 =	simm.s32 $0x0  }
.LBB2_18:
.Ltmp11:
0x119: {  	(pc) =	sbr.rel .LBB2_19-.Ltmp11, $2  }
0x11a: {  	_ =	sdelay $0x2  }
0x11b: {  	s7 =	simm.s32 $0x0;
	s25 =	simm.s32 $0x0  }
.LBB2_22:
0x11c: {  	s25 =	sadd.s32 $0x1, s25  }
0x11d: {  	p1 =	sne.s32 s25, $0x8  }
.Ltmp12:
0x11e: {  	_ = 	snop;
	(pc) =	sbr.rel @!p1 .LBB2_23-.Ltmp12, $2  }
0x11f: {  	_ =	sdelay $0x2  }
0x120: {  	s7 =	sadd.s32 $0x300, s7  }
.LBB2_19:
0x121: {  	s10 =	sshll.u32 s25, $0x5  }
0x122: {  	s10 =	sor.u32 s4, s10  }
0x123: {  	v11 =	vmov s10;
	_ =	sdelay $0x4  }
0x124: {  	v11 =	vld.idx.msk [tilespmem:v11+s15+$0x0], $0xffff;
	_ =	sdelay $0x4  }
0x125: {  	vm2 =	vlt.s32 v11, $0x300  }
0x126: {  	v12 =	vnsel vm2, $0x300, v11  }
0x127: {  	v12 =	vxor.u32 $0x80000000, v12  }
0x128: {  	(xrf0) =	vmax.scan.msk.u32 $0xffff, v12;
	_ =	sdelay $0x5  }
0x129: {  	v12, _, _ =	vpop (xrf0)  }
0x12a: {  	(v2sf) =	vpush v12, $0xF;
	_ =	sdelay $0xe  }
0x12b: {  	s28 =	spop (v2sf)  }
0x12c: {  	s10 =	sadd.s32 $0x8000000F, s28  }
0x12d: {  	p1 =	slt.s32 s10, $0x10  }
.Ltmp13:
0x12e: {  	_ = 	snop;
	(pc) =	sbr.rel @p1 .LBB2_22-.Ltmp13, $1  }
0x12f: {  	_ =	sdelay $0x3  }
0x130: {  	s11 =	sshra.s32 s10, $0x1F  }
0x131: {  	s11 =	sshrl.u32 s11, $0x1C  }
0x132: {  	s26 =	sadd.s32 s11, s10  }
0x133: {  	s28 =	simm.s32 $0x0;
	s26 =	sshra.s32 s26, $0x4  }
.LBB2_21:
0x134: {  	s10 =	sadd.s32 s28, s7  }
0x135: {  	s11 =	sand.u32 $0x70, s28;
	s10 =	sand.u32 $0xFFFFFF80, s10  }
0x136: {  	s10 =	sor.u32 s11, s10  }
0x137: {  	v12 =	vld [tilespmem:s10+$0x0];
	_ =	sdelay $0x1  }
0x138: {  	v13 =	vld [tilespmem:s10+$0x1800];
	_ =	sdelay $0x1  }
0x139: {  	v14 =	vor.u32 s28, v7  }
0x13a: {  	vm2 =	vlt.s32 v14, v11;
	v12 =	vxor.u32 $0x80000000, v12  }
0x13b: {  	v12 =	vnsel vm2, $0x7FFFFFFF, v12  }
0x13c: {  	(xrf1) =	vsort.ascd.msk.u32 $0xffff, v12, v13;
	_ =	sdelay $0xd  }
0x13d: {  	v12, v13, _ =	vpop (xrf1)  }
0x13e: {  	v58 =	vshrl.u32 v12, $0x12  }
0x13f: {  	v14 =	vxor.u32 $0x2000, v58  }
0x140: {  	v15 =	vmin.u32 v14, $0x1FFF;
	_ =	sdelay $0x4  }
0x141: {  	v16 =	vld.idx.msk [tilespmem:v15+s3+$0x0], $0xffff;
	_ =	sdelay $0x4  }
0x142: {  	vm2 =	vlt.s32 v12, $0x0;
	v59 =	vperm.xlane v14, v4;
	vm3 =	veq.f32 v13, v16  }
0x143: {  	vm2 =	vmand vm2, vm3  }
0x144: {  	vm3 =	veq.s32 v14, v59;
	v60 =	vsel vm2, $0x1, v9  }
0x145: {  	vm3 =	vmand vm3, vm0;
	v61 =	vperm.xlane v60, v4  }
0x146: {  	v62 =	vsel vm3, $0x1, v9  }
0x147: {  	v17 =	vperm.xlane v62, v4;
	v13 =	vnsel vm3, $0x0, v61  }
0x148: {  	v13 =	vor.u32 v60, v13  }
0x149: {  	v14 =	vand.u32 v62, v17;
	v16 =	vperm.xlane v13, v5  }
0x14a: {  	vm4 =	veq.s32 v14, $0x0  }
0x14b: {  	v17 =	vperm.xlane v14, v5;
	v16 =	vsel vm4, $0x0, v16  }
0x14c: {  	v13 =	vor.u32 v13, v16  }
0x14d: {  	v14 =	vand.u32 v17, v14;
	v16 =	vperm.xlane v13, v8  }
0x14e: {  	vm12 =	veq.s32 v14, $0x0  }
0x14f: {  	v17 =	vperm.xlane v14, v8;
	v16 =	vsel vm12, $0x0, v16  }
0x150: {  	v13 =	vor.u32 v16, v13  }
0x151: {  	v14 =	vand.u32 v17, v14;
	v16 =	vperm.xlane v13, v6  }
0x152: {  	vm13 =	veq.s32 v14, $0x0  }
0x153: {  	v63 =	vld.idx.msk [tilespmem:v15+s19+$0x0], $0xffff;
	v14 =	vsel vm13, $0x0, v16  }
0x154: {  	v13 =	vor.u32 v14, v13  }
0x155: {  	v13 =	vperm.xlane v13, v4;
	_ =	sdelay $0x1  }
0x156: {  	v12 =	vand.u32 $0x3FFFF, v12;
	vm3 =	vmneg vm3;
	vm14 =	veq.s32 v13, $0x0  }
0x157: {  	vm15 =	vlt.s32 v12, v63;
	vm3 =	vmor vm3, vm14  }
0x158: {  	vm3 =	vmand vm3, vm15  }
0x159: {  	vm2 =	vmand vm2, vm3  }
0x15a: {  	p1 =	sne.s32 s26, $0x1  }
.Ltmp14:
0x15b: {  	_ = 	snop;
	(pc) =	sbr.rel @p1 .LBB2_21-.Ltmp14, $2  }
0x15c: {  	_ =	sdelay $0x2  }
0x15d: {  	s28 =	sadd.s32 $0x10, s28;
	s26 =	sadd.s32 $0xFFFFFFFF, s26;
	[tilespmem:v15+s19+$0x0] =	vst.idx.msk vm2, v12  }
.Ltmp15:
0x15e: {  	_ = 	snop;
	(pc) =	sbr.rel .LBB2_22-.Ltmp15, $1  }
0x15f: {  	_ =	sdelay $0x3  }
.LBB2_17:
0x160: {  	s25 =	sadd.s32 $0x1, s25  }
0x161: {  	p1 =	sne.s32 s25, $0x40  }
.Ltmp16:
0x162: {  	_ = 	snop;
	(pc) =	sbr.rel @!p1 .LBB2_18-.Ltmp16, $1  }
0x163: {  	_ =	sdelay $0x3  }
.LBB2_13:
0x164: {  	s10 =	sshll.u32 s25, $0xC  }
0x165: {  	s10 =	sadd.s32 s0, s10  }
0x166: {  	s10 =	sshrl.u32 s10, $0x3  }
0x167: {  	s11 =	sadd.s32 s8, s10  }
0x168: {  	[tilespmem:s17], [sflag:$0x4] =	stream.linear.gather [hbm4b:s11+s7], $0x1000, $0x38;
	[tilespmem:$0x19100] =	vst v63  }
0x169: {  	_ =	swait.ge [sflag:s16], $0x1000  }
0x16a: {  	[sflag:s16] =	ssyncset.done $0x0  }
.Ltmp17:
0x16b: {  	s10 =	sadd.s32 s9, s10;
	[sflag:s16] =	ssyncadd.s32 $0xFFFFF000;
	(pc) =	sbr.rel .LBB2_14-.Ltmp17, $4  }
0x16c: {  	[tilespmem:s18], [sflag:$0x4] =	stream.linear.gather [hbm4b:s10+s7], $0x1000, $0x38;
	[tilespmem:$0x19100] =	vst v63  }
0x16d: {  	_ =	swait.ge [sflag:s16], $0x1000  }
0x16e: {  	[sflag:s16] =	ssyncset.done $0x0  }
0x16f: {  	s26 =	simm.s32 $0x0;
	[sflag:s16] =	ssyncadd.s32 $0xFFFFF000  }
.LBB2_16:
0x170: {  	s26 =	sadd.s32 $0x1, s26  }
0x171: {  	p1 =	sne.s32 s26, $0x100  }
.Ltmp18:
0x172: {  	_ = 	snop;
	(pc) =	sbr.rel @!p1 .LBB2_17-.Ltmp18, $1  }
0x173: {  	_ =	sdelay $0x3  }
.LBB2_14:
0x174: {  	s10 =	sshll.u32 s26, $0x4  }
0x175: {  	v13 =	vld [tilespmem:s10+$0x17100];
	_ =	sdelay $0x4  }
0x176: {  	v11 =	vshll.u32 v13, $0x9  }
0x177: {  	v12 =	vshrl.u32 v13, $0x9;
	v11 =	vand.u32 $0x1E00, v11  }
0x178: {  	v11 =	vadd.s32 v12, v11  }
0x179: {  	v12 =	vand.u32 $0x7F, v12;
	v11 =	vand.u32 $0xFFFF80, v11  }
0x17a: {  	v11 =	vor.u32 v12, v11;
	_ =	sdelay $0x3  }
0x17b: {  	v12 =	vld [tilespmem:s10+$0x18100]  }
0x17c: {  	v14 =	vld.idx.msk [tilespmem:v11+s3+$0x0], $0xffff;
	_ =	sdelay $0x1  }
0x17d: {  	v13 =	vshrl.u32 v13, $0x4  }
0x17e: {  	v13 =	vand.u32 $0x1F, v13  }
0x17f: {  	vm2 =	veq.s32 v13, v0;
	vm3 =	vgt.f32 v12, $0.0e+00  }
0x180: {  	vm2 =	vmand vm3, vm2;
	vm3 =	vgt.f32 v12, v14  }
0x181: {  	vm3 =	vmand vm2, vm3  }
0x182: {  	v13 =	vsel vm3, $0x3F800000, v2  }
0x183: {  	(xrf0) =	vmax.scan.msk.f32 $0xffff, v13;
	_ =	sdelay $0x5  }
0x184: {  	v13, _, _ =	vpop (xrf0)  }
0x185: {  	(v2sf) =	vpush v13, $0xF;
	_ =	sdelay $0xe  }
0x186: {  	s28 =	spop (v2sf)  }
0x187: {  	p1 =	sgt.f32 s28, $0.0e+00  }
.Ltmp19:
0x188: {  	_ = 	snop;
	(pc) =	sbr.rel @!p1 .LBB2_16-.Ltmp19, $1  }
0x189: {  	_ =	sdelay $0x3  }
.LBB2_15:
0x18a: {  	[tilespmem:v11+s3+$0x0] =	vst.idx.msk vm3, v12  }
0x18b: {  	v13 =	vld.idx.msk [tilespmem:v11+s3+$0x0], $0xffff;
	_ =	sdelay $0x4  }
0x18c: {  	vm3 =	vgt.f32 v12, v13  }
0x18d: {  	vm3 =	vmand vm2, vm3  }
0x18e: {  	v13 =	vsel vm3, $0x3F800000, v2  }
0x18f: {  	(xrf0) =	vmax.scan.msk.f32 $0xffff, v13;
	_ =	sdelay $0x5  }
0x190: {  	v13, _, _ =	vpop (xrf0)  }
0x191: {  	(v2sf) =	vpush v13, $0xF;
	_ =	sdelay $0xe  }
0x192: {  	s10 =	spop (v2sf)  }
0x193: {  	p1 =	sgt.f32 s10, $0.0e+00  }
.Ltmp20:
0x194: {  	_ = 	snop;
	(pc) =	sbr.rel @p1 .LBB2_15-.Ltmp20, $1  }
0x195: {  	_ =	sdelay $0x3  }
.Ltmp21:
0x196: {  	_ = 	snop;
	(pc) =	sbr.rel .LBB2_16-.Ltmp21, $1  }
0x197: {  	_ =	sdelay $0x3  }
.LBB2_23:
.Ltmp22:
0x198: {  	(pc) =	sbr.rel @!p0 .LBB2_24-.Ltmp22, $2  }
0x199: {  	_ =	sdelay $0x2  }
0x19a: {  	s7 =	simm.s32 $0x0;
	s25 =	simm.s32 $0x0  }
.LBB2_29:
0x19b: {  	s7 =	simm.s32 $0x0;
	s0 =	simm.s32 $0x5100  }
0x19c: {  	v11 =	vor.u32 s7, v7;
	v13 =	vld [tilespmem:s0+$0x0]  }
0x19d: {  	v11 =	vand.u32 $0x1FF, v11  }
0x19e: {  	v12 =	vmov s7;
	v14 =	vshll.u32 v11, $0x9  }
0x19f: {  	v12 =	vshrl.u32 v12, $0x9;
	v11 =	vshll.u32 v11, $0x4;
	v14 =	vor.u32 v1, v14  }
0x1a0: {  	v14 =	vadd.s32 v12, v14;
	v12 =	vadd.s32 v12, v11  }
0x1a1: {  	s28 =	smul.u32 $0xC0000, s31;
	vm2 =	vlt.s32 v13, $0x40000;
	vm3 =	vne.s32 v14, $0x0  }
0x1a2: {  	vm2 =	vmand vm3, vm2  }
0x1a3: {  	v11 =	vmov s28;
	v13 =	vsel vm2, v13, v14  }
0x1a4: {  	v13 =	vadd.s32 v11, v13  }
0x1a5: {  	[tilespmem:v12+s20+$0x0] =	vst.idx.msk $0xffff, v13;
	v14 =	vadd.s32 $0x40000, v13  }
0x1a6: {  	v13 =	vadd.s32 $0x80000, v13;
	[tilespmem:v12+s21+$0x0] =	vst.idx.msk $0xffff, v14  }
0x1a7: {  	s7 =	simm.s32 $0x10;
	[tilespmem:v12+s22+$0x0] =	vst.idx.msk $0xffff, v13;
	v13 =	vsel vm2, $0x1, v9  }
.LBB2_30:
0x1a8: {  	p0 =	sne.s32 s7, $0x1FF0  }
0x1a9: {  	[tilespmem:v12+s23+$0x0] =	vst.idx.msk $0xffff, v13;
	s0 =	sadd.s32 $0x10, s0;
	s10 =	smov.u32 s7;
	s7 =	sadd.s32 $0x10, s7  }
0x1aa: {  	v12 =	vor.u32 s10, v7;
	v13 =	vld [tilespmem:s0+$0x0]  }
0x1ab: {  	v12 =	vand.u32 $0x1FF, v12  }
0x1ac: {  	v14 =	vmov s10;
	v15 =	vshll.u32 v12, $0x9;
	v12 =	vshll.u32 v12, $0x4  }
0x1ad: {  	v14 =	vshrl.u32 v14, $0x9;
	v15 =	vor.u32 v1, v15  }
0x1ae: {  	v12 =	vadd.s32 v14, v12;
	v15 =	vadd.s32 v14, v15  }
0x1af: {  	vm2 =	vlt.s32 v13, $0x40000;
	vm3 =	vne.s32 v15, $0x0  }
0x1b0: {  	vm2 =	vmand vm3, vm2  }
.Ltmp23:
0x1b1: {  	v13 =	vsel vm2, v13, v15;
	(pc) =	sbr.rel @p0 .LBB2_30-.Ltmp23, $4  }
0x1b2: {  	v13 =	vadd.s32 v11, v13  }
0x1b3: {  	[tilespmem:v12+s20+$0x0] =	vst.idx.msk $0xffff, v13;
	v14 =	vadd.s32 $0x40000, v13  }
0x1b4: {  	v13 =	vadd.s32 $0x80000, v13;
	[tilespmem:v12+s21+$0x0] =	vst.idx.msk $0xffff, v14  }
0x1b5: {  	[tilespmem:v12+s22+$0x0] =	vst.idx.msk $0xffff, v13;
	v13 =	vsel vm2, $0x1, v9  }
0x1b6: {  	_ =	sdelay $0x3  }
0x1b7: {  	[tilespmem:v12+s23+$0x0] =	vst.idx.msk $0xffff, v13;
	s0 =	simm.s32 $0xD100  }
0x1b8: {  	[tilespmem:s0], [sflag:$0x1] =	stream.indirect.gather [hbm4b:s2+s24], $0x1, s20, s24, $0xb8;
	[tilespmem:$0x19100] =	vst v63  }
0x1b9: {  	s26 =	simm.s32 $0xF100  }
0x1ba: {  	[tilespmem:s26], [sflag:$0x2] =	stream.indirect.gather [hbm4b:s2+s24], $0x1, s21, s24, $0xb8;
	[tilespmem:$0x19100] =	vst v63  }
0x1bb: {  	s28 =	simm.s32 $0x11100  }
0x1bc: {  	[tilespmem:s28], [sflag:$0x3] =	stream.indirect.gather [hbm4b:s2+s24], $0x1, s22, s24, $0xb8;
	[tilespmem:$0x19100] =	vst v63  }
0x1bd: {  	_ =	swait.ge [sflag:s1], $0x2000  }
0x1be: {  	[sflag:s1] =	ssyncset.done $0x0  }
0x1bf: {  	s7 =	simm.s32 $0x0;
	[sflag:s1] =	ssyncadd.s32 $0xFFFFE000  }
0x1c0: {  	v12 =	vld [tilespmem:s7+$0x13100]  }
0x1c1: {  	v11 =	vld [tilespmem:s7+$0xD100];
	_ =	sdelay $0x1  }
0x1c2: {  	s0 =	simm.s32 $0x40  }
.LBB2_32:
0x1c3: {  	p0 =	sne.s32 s0, $0x7FC0  }
.Ltmp24:
0x1c4: {  	s10 =	sshra.s32 s0, $0x2;
	(pc) =	sbr.rel @p0 .LBB2_32-.Ltmp24, $4  }
0x1c5: {  	s0 =	sadd.s32 $0x40, s0;
	vm2 =	vne.s32 v12, $0x0;
	v12 =	vld [tilespmem:s10+$0x13100];
	vm3 =	vlt.f32 v11, $1.000000000e+04;
	v13 =	vmov v11  }
0x1c6: {  	v11 =	vld [tilespmem:s10+$0xD100];
	vm2 =	vmand vm2, vm3  }
0x1c7: {  	v13 =	vnsel vm2, $0x0, v13  }
0x1c8: {  	[tilespmem:s7+$0x15100] =	vst v13;
	s7 =	smov.u32 s10  }
0x1c9: {  	_ = 	snop  }
0x1ca: {  	s0 =	smul.u32 $0x3, s31  }
0x1cb: {  	s10 =	rddreg [dreg:$0x5];
	vm2 =	vne.s32 v12, $0x0;
	vm3 =	vlt.f32 v11, $1.000000000e+04  }
0x1cc: {  	s0 =	sadd.s32 s10, s0;
	vm2 =	vmand vm2, vm3  }
0x1cd: {  	s26 =	rddreg [dreg:$0x4];
	s0 =	sshll.u32 s0, $0xA;
	v11 =	vnsel vm2, $0x0, v11  }
0x1ce: {  	s28 =	simm.s32 $0x0;
	[tilespmem:s7+$0x15100] =	vst v11;
	s7 =	sadd.s32 s26, s0  }
0x1cf: {  	[hbm4b:s7+s28] =	stream.linear.scatter [tilespmem:s29], [sflag:$0x4], $0x2000, $0x38;
	[tilespmem:$0x19100] =	vst v63  }
0x1d0: {  	_ =	swait.ge [sflag:s16], $0x2000  }
0x1d1: {  	[sflag:s16] =	ssyncset.done $0x0  }
0x1d2: {  	[sflag:s16] =	ssyncadd.s32 $0xFFFFE000  }
0x1d3: {  	_ =	swait.ge [sflag:s14], $0x2000  }
0x1d4: {  	[sflag:s14] =	ssyncset.done $0x0  }
0x1d5: {  	s7 =	simm.s32 $0x0;
	[sflag:s14] =	ssyncadd.s32 $0xFFFFE000  }
0x1d6: {  	v11 =	vld [tilespmem:s7+$0x13100]  }
0x1d7: {  	v12 =	vld [tilespmem:s7+$0xF100];
	_ =	sdelay $0x1  }
0x1d8: {  	s10 =	simm.s32 $0x40  }
.LBB2_34:
0x1d9: {  	p0 =	sne.s32 s10, $0x7FC0  }
.Ltmp25:
0x1da: {  	s11 =	sshra.s32 s10, $0x2;
	(pc) =	sbr.rel @p0 .LBB2_34-.Ltmp25, $4  }
0x1db: {  	s10 =	sadd.s32 $0x40, s10;
	vm2 =	vne.s32 v11, $0x0;
	v11 =	vld [tilespmem:s11+$0x13100];
	vm3 =	vlt.f32 v12, $1.000000000e+04;
	v13 =	vmov v12  }
0x1dc: {  	v12 =	vld [tilespmem:s11+$0xF100];
	vm2 =	vmand vm2, vm3  }
0x1dd: {  	v13 =	vnsel vm2, $0x0, v13  }
0x1de: {  	[tilespmem:s7+$0x15100] =	vst v13;
	s7 =	smov.u32 s11  }
0x1df: {  	_ =	sdelay $0x1  }
0x1e0: {  	vm2 =	vne.s32 v11, $0x0;
	vm3 =	vlt.f32 v12, $1.000000000e+04  }
0x1e1: {  	vm2 =	vmand vm2, vm3  }
0x1e2: {  	v11 =	vnsel vm2, $0x0, v12  }
0x1e3: {  	s28 =	sadd.s32 s0, s12;
	s10 =	simm.s32 $0x0;
	[tilespmem:s7+$0x15100] =	vst v11  }
0x1e4: {  	[hbm4b:s28+s10] =	stream.linear.scatter [tilespmem:s29], [sflag:$0x4], $0x2000, $0x38;
	[tilespmem:$0x19100] =	vst v63  }
0x1e5: {  	_ =	swait.ge [sflag:s16], $0x2000  }
0x1e6: {  	[sflag:s16] =	ssyncset.done $0x0  }
0x1e7: {  	[sflag:s16] =	ssyncadd.s32 $0xFFFFE000  }
0x1e8: {  	_ =	swait.ge [sflag:s30], $0x2000  }
0x1e9: {  	[sflag:s30] =	ssyncset.done $0x0  }
0x1ea: {  	s7 =	simm.s32 $0x0;
	[sflag:s30] =	ssyncadd.s32 $0xFFFFE000  }
0x1eb: {  	v11 =	vld [tilespmem:s7+$0x13100]  }
0x1ec: {  	v12 =	vld [tilespmem:s7+$0x11100];
	_ =	sdelay $0x1  }
0x1ed: {  	s10 =	simm.s32 $0x40  }
.LBB2_36:
0x1ee: {  	p0 =	sne.s32 s10, $0x7FC0  }
.Ltmp26:
0x1ef: {  	s11 =	sshra.s32 s10, $0x2;
	(pc) =	sbr.rel @p0 .LBB2_36-.Ltmp26, $4  }
0x1f0: {  	s10 =	sadd.s32 $0x40, s10;
	vm2 =	vne.s32 v11, $0x0;
	v11 =	vld [tilespmem:s11+$0x13100];
	vm3 =	vlt.f32 v12, $1.000000000e+04;
	v13 =	vmov v12  }
0x1f1: {  	v12 =	vld [tilespmem:s11+$0x11100];
	vm2 =	vmand vm2, vm3  }
0x1f2: {  	v13 =	vnsel vm2, $0x0, v13  }
0x1f3: {  	[tilespmem:s7+$0x15100] =	vst v13;
	s7 =	smov.u32 s11  }
0x1f4: {  	_ =	sdelay $0x1  }
0x1f5: {  	vm2 =	vne.s32 v11, $0x0;
	vm3 =	vlt.f32 v12, $1.000000000e+04  }
0x1f6: {  	vm2 =	vmand vm2, vm3  }
0x1f7: {  	s31 =	sadd.s32 $0x1, s31;
	v11 =	vnsel vm2, $0x0, v12  }
0x1f8: {  	s0 =	sadd.s32 s0, s13;
	s28 =	simm.s32 $0x0;
	p0 =	sne.s32 s31, $0x8;
	[tilespmem:s7+$0x15100] =	vst v11  }
0x1f9: {  	[hbm4b:s0+s28] =	stream.linear.scatter [tilespmem:s29], [sflag:$0x4], $0x2000, $0x38;
	[tilespmem:$0x19100] =	vst v63  }
.Ltmp27:
0x1fa: {  	_ = 	snop;
	(pc) =	sbr.rel @p0 .LBB2_2-.Ltmp27, $4  }
.Ltmp28:
0x1fb: {  	_ = 	snop;
	(pc) =	sbr.rel @!p0 .LBB2_38-.Ltmp28, $4  }
0x1fc: {  	_ =	swait.ge [sflag:s16], $0x2000  }
0x1fd: {  	[sflag:s16] =	ssyncset.done $0x0  }
0x1fe: {  	[sflag:s16] =	ssyncadd.s32 $0xFFFFE000  }
0x1ff: {  	_ = 	snop  }
.LBB2_28:
0x200: {  	s25 =	sadd.s32 $0x1, s25  }
0x201: {  	p0 =	sne.s32 s25, $0x40  }
.Ltmp29:
0x202: {  	_ = 	snop;
	(pc) =	sbr.rel @!p0 .LBB2_29-.Ltmp29, $1  }
0x203: {  	_ =	sdelay $0x3  }
.LBB2_24:
0x204: {  	s26 =	sshll.u32 s25, $0xC  }
0x205: {  	s10 =	sor.u32 s0, s26  }
0x206: {  	s10 =	sshrl.u32 s10, $0x3  }
0x207: {  	s11 =	sadd.s32 s8, s10  }
0x208: {  	[tilespmem:s17], [sflag:$0x4] =	stream.linear.gather [hbm4b:s11+s7], $0x1000, $0x38;
	[tilespmem:$0x19100] =	vst v63  }
0x209: {  	_ =	swait.ge [sflag:s16], $0x1000  }
0x20a: {  	[sflag:s16] =	ssyncset.done $0x0  }
.Ltmp30:
0x20b: {  	s10 =	sadd.s32 s9, s10;
	[sflag:s16] =	ssyncadd.s32 $0xFFFFF000;
	(pc) =	sbr.rel .LBB2_25-.Ltmp30, $4  }
0x20c: {  	[tilespmem:s18], [sflag:$0x4] =	stream.linear.gather [hbm4b:s10+s7], $0x1000, $0x38;
	[tilespmem:$0x19100] =	vst v63  }
0x20d: {  	_ =	swait.ge [sflag:s16], $0x1000  }
0x20e: {  	[sflag:s16] =	ssyncset.done $0x0  }
0x20f: {  	s28 =	simm.s32 $0x0;
	[sflag:s16] =	ssyncadd.s32 $0xFFFFF000  }
.LBB2_27:
0x210: {  	s28 =	sadd.s32 $0x1, s28  }
0x211: {  	p0 =	sne.s32 s28, $0x100  }
.Ltmp31:
0x212: {  	_ = 	snop;
	(pc) =	sbr.rel @!p0 .LBB2_28-.Ltmp31, $1  }
0x213: {  	_ =	sdelay $0x3  }
.LBB2_25:
0x214: {  	s10 =	sshll.u32 s28, $0x4  }
0x215: {  	v12 =	vld [tilespmem:s10+$0x17100];
	_ =	sdelay $0x4  }
0x216: {  	v11 =	vshll.u32 v12, $0x9  }
0x217: {  	v13 =	vshrl.u32 v12, $0x9;
	v11 =	vand.u32 $0x1E00, v11  }
0x218: {  	v11 =	vadd.s32 v13, v11  }
0x219: {  	v13 =	vand.u32 $0x7F, v13;
	v11 =	vand.u32 $0xFFFF80, v11  }
0x21a: {  	v11 =	vor.u32 v13, v11;
	_ =	sdelay $0x3  }
0x21b: {  	v13 =	vld [tilespmem:s10+$0x18100]  }
0x21c: {  	v14 =	vld.idx.msk [tilespmem:v11+s3+$0x0], $0xffff  }
0x21d: {  	v15 =	vld.idx.msk [tilespmem:v11+s19+$0x0], $0xffff  }
0x21e: {  	v12 =	vshrl.u32 v12, $0x4  }
0x21f: {  	v12 =	vand.u32 $0x1F, v12  }
0x220: {  	vm2 =	veq.s32 v12, v0;
	s10 =	sor.u32 s26, s10;
	vm3 =	vgt.f32 v13, $0.0e+00  }
0x221: {  	v12 =	vor.u32 s10, v7;
	vm2 =	vmand vm3, vm2;
	vm3 =	veq.f32 v13, v14  }
0x222: {  	vm2 =	vmand vm3, vm2;
	vm3 =	vlt.s32 v12, v15  }
0x223: {  	vm3 =	vmand vm2, vm3  }
0x224: {  	v13 =	vsel vm3, $0x3F800000, v2  }
0x225: {  	(xrf0) =	vmax.scan.msk.f32 $0xffff, v13;
	_ =	sdelay $0x5  }
0x226: {  	v13, _, _ =	vpop (xrf0)  }
0x227: {  	(v2sf) =	vpush v13, $0xF;
	_ =	sdelay $0xe  }
0x228: {  	s11 =	spop (v2sf)  }
0x229: {  	p0 =	sgt.f32 s11, $0.0e+00  }
.Ltmp32:
0x22a: {  	_ = 	snop;
	(pc) =	sbr.rel @!p0 .LBB2_27-.Ltmp32, $1  }
0x22b: {  	_ =	sdelay $0x3  }
.LBB2_26:
0x22c: {  	[tilespmem:v11+s19+$0x0] =	vst.idx.msk vm3, v12  }
0x22d: {  	v13 =	vld.idx.msk [tilespmem:v11+s19+$0x0], $0xffff;
	_ =	sdelay $0x4  }
0x22e: {  	vm3 =	vlt.s32 v12, v13  }
0x22f: {  	vm3 =	vmand vm2, vm3  }
0x230: {  	v13 =	vsel vm3, $0x3F800000, v2  }
0x231: {  	(xrf0) =	vmax.scan.msk.f32 $0xffff, v13;
	_ =	sdelay $0x5  }
0x232: {  	v13, _, _ =	vpop (xrf0)  }
0x233: {  	(v2sf) =	vpush v13, $0xF;
	_ =	sdelay $0xe  }
0x234: {  	s10 =	spop (v2sf)  }
0x235: {  	p0 =	sgt.f32 s10, $0.0e+00  }
.Ltmp33:
0x236: {  	_ = 	snop;
	(pc) =	sbr.rel @p0 .LBB2_26-.Ltmp33, $1  }
0x237: {  	_ =	sdelay $0x3  }
.Ltmp34:
0x238: {  	_ = 	snop;
	(pc) =	sbr.rel .LBB2_27-.Ltmp34, $1  }
0x239: {  	_ =	sdelay $0x3  }
.LBB2_39:
0x23a: {  	_ =	sfence.sel $0x180000  }
0x23b: {  	[bflag:$0x0] =	sbarrier.arrive $0xFFFF  }
0x23c: {  	_ =	strace $0x9000004A  }
0x23d: {  	s0 =	stileid.u32;
	[bflag:$0x2] =	sbarrier.arrive $0xFFFF  }
0x23e: {  	p0 =	sne.s32 s0, $0x0;
	s0 =	rddreg [dreg:$0x2]  }
0x23f: {  	s0 =	sadd.s32 @!p0 $0x100000, s0  }
0x240: {  	[sflag:s0] =	ssyncadd.tile.s32 @!p0 $0x1;
	_ =	shalt  }
.Lfunc_end2:
_tile_overlayer_lowered:
.L_overlay_start_2:
0x241: {  	(tag) =	ssettag $0x2  }
0x242: {  	s0 =	rddreg [dreg:$0x0];
	s2 =	stileid.u32  }
0x243: {  	s1 =	rddreg [dreg:$0x1];
	p0 =	sne.s32 s2, $0x0  }
0x244: {  	s3 =	rddreg [dreg:$0x2];
	[bflag:$0x3] =	sbarrier.arrive $0xFFFF;
	s2 =	simm.s32 @!p0 $0x1C04  }
0x245: {  	[timem:s3], [sflag:s2] =	dma.local @!p0 [hbm:s0], s1  }
0x246: {  	s0 =	simm.s32 @!p0 $0x4  }
0x247: {  	_ =	swait.ge @!p0 [sflag:s0], s1  }
0x248: {  	s1 =	ssub.s32 @!p0 $0x0, s1;
	[sflag:s0] =	ssyncset.done @!p0 $0x0  }
0x249: {  	[sflag:s0] =	ssyncadd.s32 @!p0 s1  }
0x24a: {  	[bflag:$0x3] =	sbarrier.arrive $0xFFFF  }
0x24b: {  	_ =	shalt  }

</sc_bundles>
